<compile_context>
chip_gen: v7x
topology: tpu7x:2x2x1
jax: 0.10.2.dev20260603
libtpu: 0.0.44.dev20260713+nightly
codegen_flags: <defaults>
</compile_context>

<pallas_src>
import jax
import jax.numpy as jnp
from jax import lax
from jax.experimental import pallas as pl
from jax.experimental.pallas import tpu as pltpu
from jax.experimental.pallas import tpu_sc as plsc

N = 10000
E = 320000
D = 128
H = 128
C = 40

NC = 2
NS = 16
NW = NC * NS
EPW = E // NW
CHUNK = 80
NCHUNK = EPW // CHUNK
NP = 10240
ROWS_PT = NP // NS
DEGW = 128

_sc_mesh = plsc.VectorSubcoreMesh(
    core_axis_name="c", subcore_axis_name="s", num_cores=NC, num_subcores=NS)


KBUF = 5
NGROUP = NCHUNK // KBUF
PKBUF = 4
PNGROUP = NCHUNK // PKBUF


def _deg_body(dst3_hbm, ones_hbm, zeros_hbm, out_hbm, dst_v, ones_v,
              deg_sh, ssem):
    cid = lax.axis_index("c")
    sid = lax.axis_index("s")
    wid = sid * NC + cid
    r0 = sid * ROWS_PT
    pltpu.sync_copy(zeros_hbm, deg_sh.at[pl.ds(r0, ROWS_PT)])
    pltpu.sync_copy(ones_hbm, ones_v)
    pltpu.sync_copy(dst3_hbm.at[wid], dst_v)
    plsc.subcore_barrier()

    def group(g, carry):
        descs = []
        for b in range(KBUF):
            c = g * KBUF + b
            descs.append(pltpu.async_copy(
                ones_v, deg_sh.at[dst_v.at[c]], ssem.at[b], add=True))
        for d in descs:
            d.wait()
        return carry

    lax.fori_loop(0, NGROUP, group, 0)
    plsc.subcore_barrier()
    pltpu.sync_copy(deg_sh.at[pl.ds(r0, ROWS_PT)],
                    out_hbm.at[cid, pl.ds(r0, ROWS_PT)])


_deg_call = pl.kernel(
    _deg_body,
    out_type=jax.ShapeDtypeStruct((NC, NP, DEGW), jnp.float32),
    mesh=_sc_mesh,
    scratch_types=[
        pltpu.VMEM((NCHUNK, CHUNK), jnp.int32),
        pltpu.VMEM((CHUNK, DEGW), jnp.float32),
        pltpu.VMEM_SHARED((NP, DEGW), jnp.float32),
        pltpu.SemaphoreType.DMA((KBUF,)),
    ],
)


def _prop_body(hp_hbm, src_hbm, dst_hbm, zeros_hbm, out_hbm,
               agg_sh, gsem, ssem, isem, jsem,
               gi0, gi1, gi2, gi3, di0, di1, di2, di3,
               rv0, rv1, rv2, rv3):
    gidx = (gi0, gi1, gi2, gi3)
    didx = (di0, di1, di2, di3)
    rows = (rv0, rv1, rv2, rv3)
    cid = lax.axis_index("c")
    sid = lax.axis_index("s")
    wid = sid * NC + cid
    r0 = sid * ROWS_PT
    base = wid * EPW
    pltpu.sync_copy(zeros_hbm, agg_sh.at[pl.ds(r0, ROWS_PT)])
    plsc.subcore_barrier()

    def _fetch_g(c, b):
        pltpu.async_copy(
            src_hbm.at[pl.ds(base + c * CHUNK, CHUNK)], gidx[b], isem.at[b])

    def _fetch_d(c, b):
        pltpu.async_copy(
            dst_hbm.at[pl.ds(base + c * CHUNK, CHUNK)], didx[b], jsem.at[b])

    def _gwait_idx(b):
        pltpu.make_async_copy(
            src_hbm.at[pl.ds(base, CHUNK)], gidx[b], isem.at[b]).wait()

    def _dwait_idx(b):
        pltpu.make_async_copy(
            dst_hbm.at[pl.ds(base, CHUNK)], didx[b], jsem.at[b]).wait()

    def _gather(b):
        return pltpu.async_copy(hp_hbm.at[gidx[b]], rows[b], gsem.at[b])

    def _gather_wait(b):
        pltpu.make_async_copy(hp_hbm.at[gidx[b]], rows[b], gsem.at[b]).wait()

    def _scatter(b):
        return pltpu.async_copy(rows[b], agg_sh.at[didx[b]], ssem.at[b],
                                add=True)

    for b in range(PKBUF):
        _fetch_g(b, b)
        _fetch_d(b, b)
    for b in range(PKBUF):
        _gwait_idx(b)
        _gather(b)

    def group(g, carry):
        sd = []
        for b in range(PKBUF):
            nc = lax.rem(g * PKBUF + b + PKBUF, NCHUNK)
            _gather_wait(b)
            _dwait_idx(b)
            sd.append(_scatter(b))
            _fetch_g(nc, b)
        for b in range(PKBUF):
            nc = lax.rem(g * PKBUF + b + PKBUF, NCHUNK)
            sd[b].wait()
            _fetch_d(nc, b)
            _gwait_idx(b)
            _gather(b)
        return carry

    lax.fori_loop(0, PNGROUP, group, 0)
    _gather_wait(0)
    _dwait_idx(0)
    _scatter(0).wait()
    for b in range(1, PKBUF):
        _gather_wait(b)
        _dwait_idx(b)
    plsc.subcore_barrier()
    pltpu.sync_copy(agg_sh.at[pl.ds(r0, ROWS_PT)],
                    out_hbm.at[cid, pl.ds(r0, ROWS_PT)])


_prop_call = pl.kernel(
    _prop_body,
    out_type=jax.ShapeDtypeStruct((NC, NP, H), jnp.float32),
    mesh=_sc_mesh,
    scratch_types=[
        pltpu.VMEM_SHARED((NP, H), jnp.float32),
        pltpu.SemaphoreType.DMA((PKBUF,)),
        pltpu.SemaphoreType.DMA((PKBUF,)),
        pltpu.SemaphoreType.DMA((PKBUF,)),
        pltpu.SemaphoreType.DMA((PKBUF,)),
    ] + [pltpu.VMEM((CHUNK,), jnp.int32) for _ in range(2 * PKBUF)]
      + [pltpu.VMEM((CHUNK, H), jnp.float32) for _ in range(PKBUF)],
)

_RB = 2000
_GRID = N // _RB


def _scale_body(dp_ref, x_ref, w_ref, dis_ref, h_ref):
    dp = dp_ref[...]
    deg = dp[0, :, 0:1] + dp[1, :, 0:1]
    dis = jnp.where(deg > 0, 1.0 / jnp.sqrt(jnp.maximum(deg, 1e-12)), 0.0)
    disb = jnp.broadcast_to(dis, (_RB, H))
    h = jnp.dot(x_ref[...], w_ref[...], preferred_element_type=jnp.float32)
    dis_ref[...] = disb
    h_ref[...] = h * disb


_scale_call = pl.pallas_call(
    _scale_body,
    grid=(_GRID,),
    in_specs=[
        pl.BlockSpec((NC, _RB, DEGW), lambda i: (0, i, 0)),
        pl.BlockSpec((_RB, D), lambda i: (i, 0)),
        pl.BlockSpec((D, H), lambda i: (0, 0)),
    ],
    out_specs=[
        pl.BlockSpec((_RB, H), lambda i: (i, 0)),
        pl.BlockSpec((_RB, H), lambda i: (i, 0)),
    ],
    out_shape=[
        jax.ShapeDtypeStruct((N, H), jnp.float32),
        jax.ShapeDtypeStruct((N, H), jnp.float32),
    ],
)


def _mid_body(p_ref, dis_ref, b_ref, w_ref, out_ref):
    p = p_ref[...]
    dis = dis_ref[...]
    h1 = jnp.maximum(dis * (p[0] + p[1]) + b_ref[...], 0.0)
    out_ref[...] = jnp.dot(
        h1, w_ref[...], preferred_element_type=jnp.float32) * dis


_mid_call = pl.pallas_call(
    _mid_body,
    grid=(_GRID,),
    in_specs=[
        pl.BlockSpec((NC, _RB, H), lambda i: (0, i, 0)),
        pl.BlockSpec((_RB, H), lambda i: (i, 0)),
        pl.BlockSpec((1, H), lambda i: (0, 0)),
        pl.BlockSpec((H, H), lambda i: (0, 0)),
    ],
    out_specs=pl.BlockSpec((_RB, H), lambda i: (i, 0)),
    out_shape=jax.ShapeDtypeStruct((N, H), jnp.float32),
)


def _head_body(p_ref, dis_ref, b_ref, w_ref, bl_ref, out_ref):
    p = p_ref[...]
    h2 = jnp.maximum(dis_ref[...] * (p[0] + p[1]) + b_ref[...], 0.0)
    logits = jnp.dot(
        h2, w_ref[...], preferred_element_type=jnp.float32) + bl_ref[...]
    m = jnp.max(logits, axis=-1, keepdims=True)
    sh = logits - m
    lse = jnp.log(jnp.sum(jnp.exp(sh), axis=-1, keepdims=True))
    out_ref[...] = sh - lse


_head_call = pl.pallas_call(
    _head_body,
    grid=(_GRID,),
    in_specs=[
        pl.BlockSpec((NC, _RB, H), lambda i: (0, i, 0)),
        pl.BlockSpec((_RB, H), lambda i: (i, 0)),
        pl.BlockSpec((1, H), lambda i: (0, 0)),
        pl.BlockSpec((H, C), lambda i: (0, 0)),
        pl.BlockSpec((1, C), lambda i: (0, 0)),
    ],
    out_specs=pl.BlockSpec((_RB, C), lambda i: (i, 0)),
    out_shape=jax.ShapeDtypeStruct((N, C), jnp.float32),
)


def kernel(x, edge_index, batch, W1, b1, W2, b2, Wlin, blin):
    src = edge_index[0]
    dst = edge_index[1]
    dst3 = dst.reshape(NW, NCHUNK, CHUNK)
    zagg = jnp.zeros((ROWS_PT, H), jnp.float32)
    zdeg = jnp.zeros((ROWS_PT, DEGW), jnp.float32)
    ones = jnp.ones((CHUNK, DEGW), jnp.float32)

    deg_parts = _deg_call(dst3, ones, zdeg)
    dis2d, h1p = _scale_call(deg_parts, x, W1)
    p1 = _prop_call(h1p, src, dst, zagg)
    h2p = _mid_call(p1, dis2d, b1.reshape(1, H), W2)
    p2 = _prop_call(h2p, src, dst, zagg)
    return _head_call(p2, dis2d, b2.reshape(1, H), Wlin, blin.reshape(1, C))

# --- scband reference (transcript-rebuilt; emitter-appended) ---
"""Pipeline reference for scband-gcndhla-24120536334791 (READ-ONLY COPY).

The authoritative reference and input builder live on the scoring server;
editing this copy changes nothing except your own understanding.
"""

import jax, jax.numpy as jnp
import numpy as np

N = 10000
E = 320000
D = 128
H = 128
C = 40


def _glorot(key, shape):
    limit = (6.0 / (shape[0] + shape[1])) ** 0.5
    return jax.random.uniform(key, shape, minval=-limit, maxval=limit, dtype=jnp.float32)


def setup_inputs(seed: int = 0) -> dict:
    key = jax.random.key(seed)
    ks = jax.random.split(key, 8)
    x = jax.random.normal(ks[0], (N, D), dtype=jnp.float32)
    edge_index = jax.random.randint(ks[1], (2, E), 0, N, dtype=jnp.int32)
    batch = jnp.zeros((N,), dtype=jnp.int32)
    W1 = _glorot(ks[2], (D, H))
    b1 = jnp.zeros((H,), dtype=jnp.float32)
    W2 = _glorot(ks[3], (H, H))
    b2 = jnp.zeros((H,), dtype=jnp.float32)
    Wlin = _glorot(ks[4], (H, C))
    blin = jnp.zeros((C,), dtype=jnp.float32)
    return {"x": x, "edge_index": edge_index, "batch": batch,
            "W1": W1, "b1": b1, "W2": W2, "b2": b2, "Wlin": Wlin, "blin": blin}


def _gcn_conv(x, edge_index, W, b):
    # GCN layer: out = D^{-1/2} (A) D^{-1/2} X W + b
    src = edge_index[0]
    dst = edge_index[1]
    deg = jnp.zeros((N,), x.dtype).at[dst].add(1.0)
    deg_inv_sqrt = jnp.where(deg > 0, 1.0 / jnp.sqrt(jnp.maximum(deg, 1e-12)), 0.0)
    coef = deg_inv_sqrt[src] * deg_inv_sqrt[dst]
    h = x @ W
    msg = h[src] * coef[:, None]
    agg = jnp.zeros((N, W.shape[1]), x.dtype).at[dst].add(msg)
    return agg + b


def reference(x, edge_index, batch, W1, b1, W2, b2, Wlin, blin):
    # Block (num_layers=2, norm='None'): GCNLayer -> ReLU -> GCNLayer -> ReLU
    h = jax.nn.relu(_gcn_conv(x, edge_index, W1, b1))
    h = jax.nn.relu(_gcn_conv(h, edge_index, W2, b2))
    out = h @ Wlin + blin
    return jax.nn.log_softmax(out, axis=-1)

if __name__ == "__main__":
    import jax
    _d = setup_inputs()
    print(jax.jit(kernel)(*tuple(_d.values())))

</pallas_src>

<mosaic_0001>
#map = affine_map<(d0, d1) -> (0, 0, 0)>
#map1 = affine_map<(d0, d1) -> (0, 0)>
module attributes {stable_mosaic.version = 14 : i64} {
  func.func @_deg_body(%arg0: i32, %arg1: i32, %arg2: memref<32x125x80xi32, #tpu.memory_space<hbm>>, %arg3: memref<80x128xf32, #tpu.memory_space<hbm>>, %arg4: memref<640x128xf32, #tpu.memory_space<hbm>>, %arg5: memref<2x10240x128xf32, #tpu.memory_space<hbm>>, %arg6: memref<125x80xi32, #tpu.memory_space<vmem>>, %arg7: memref<80x128xf32, #tpu.memory_space<vmem>>, %arg8: memref<10240x128xf32, #tpu.memory_space<vmem_shared>>, %arg9: memref<5x!tpu.dma_semaphore, #tpu.memory_space<semaphore_mem>>) attributes {dimension_semantics = [#tpu.dimension_semantics<core_parallel>, #tpu.dimension_semantics<subcore_parallel>], iteration_bounds = array<i64: 2, 16>, scalar_prefetch = 0 : i64, scratch_operands = 4 : i64, tpu.core_type = #tpu.core_type<sc_vector_subcore>, window_params = [{transform_indices = #map}, {transform_indices = #map1}, {transform_indices = #map1}, {transform_indices = #map}]} {
    %mul3A = arith.constant 2 : i32
    %mul3A_0 = arith.muli %arg1, %mul3A : i32
    %add3A = arith.addi %mul3A_0, %arg0 : i32
    %mul3A_1 = arith.constant 640 : i32
    %mul3A_2 = arith.muli %arg1, %mul3A_1 : i32
    "tpu.region"() ({
      %run_scoped3A = tpu.sem_alloc : memref<!tpu.dma_semaphore, #tpu.memory_space<semaphore_mem>>
      %dma_start3A = arith.constant 0 : i32
      %dma_start3A_9 = tpu.memref_slice %arg8[%mul3A_2, %dma_start3A] : memref<10240x128xf32, #tpu.memory_space<vmem_shared>> -> memref<640x128xf32, #tpu.memory_space<vmem_shared>>
      tpu.enqueue_dma source(%arg4 : memref<640x128xf32, #tpu.memory_space<hbm>>) target(%dma_start3A_9 : memref<640x128xf32, #tpu.memory_space<vmem_shared>>) target_semaphore(%run_scoped3A : memref<!tpu.dma_semaphore, #tpu.memory_space<semaphore_mem>>)
      %dma_wait3A = arith.constant 0 : i32
      %dma_wait3A_10 = tpu.memref_slice %arg8[%mul3A_2, %dma_wait3A] : memref<10240x128xf32, #tpu.memory_space<vmem_shared>> -> memref<640x128xf32, #tpu.memory_space<vmem_shared>>
      tpu.wait_dma2 semaphore(%run_scoped3A : memref<!tpu.dma_semaphore, #tpu.memory_space<semaphore_mem>>) src(%arg4 : memref<640x128xf32, #tpu.memory_space<hbm>>) dst(%dma_wait3A_10 : memref<640x128xf32, #tpu.memory_space<vmem_shared>>)
      tpu.yield
    }) : () -> ()
    "tpu.region"() ({
      %run_scoped3A = tpu.sem_alloc : memref<!tpu.dma_semaphore, #tpu.memory_space<semaphore_mem>>
      tpu.enqueue_dma source(%arg3 : memref<80x128xf32, #tpu.memory_space<hbm>>) target(%arg7 : memref<80x128xf32, #tpu.memory_space<vmem>>) target_semaphore(%run_scoped3A : memref<!tpu.dma_semaphore, #tpu.memory_space<semaphore_mem>>)
      tpu.wait_dma2 semaphore(%run_scoped3A : memref<!tpu.dma_semaphore, #tpu.memory_space<semaphore_mem>>) src(%arg3 : memref<80x128xf32, #tpu.memory_space<hbm>>) dst(%arg7 : memref<80x128xf32, #tpu.memory_space<vmem>>)
      tpu.yield
    }) : () -> ()
    "tpu.region"() ({
      %run_scoped3A = tpu.sem_alloc : memref<!tpu.dma_semaphore, #tpu.memory_space<semaphore_mem>>
      %dma_start3A = arith.constant 0 : i32
      %dma_start3A_9 = arith.constant 0 : i32
      %dma_start3A_10 = tpu.memref_slice %arg2[%add3A, %dma_start3A, %dma_start3A_9] : memref<32x125x80xi32, #tpu.memory_space<hbm>> -> memref<1x125x80xi32, #tpu.memory_space<hbm>>
      %dma_start3A_11 = tpu.memref_squeeze %dma_start3A_10 : memref<1x125x80xi32, #tpu.memory_space<hbm>> -> memref<125x80xi32, #tpu.memory_space<hbm>>
      %dma_start3A_12 = arith.constant 0 : i32
      %dma_start3A_13 = arith.constant 0 : i32
      %dma_start3A_14 = tpu.memref_slice %arg2[%add3A, %dma_start3A_12, %dma_start3A_13] : memref<32x125x80xi32, #tpu.memory_space<hbm>> -> memref<1x125x80xi32, #tpu.memory_space<hbm>>
      %dma_start3A_15 = tpu.memref_squeeze %dma_start3A_14 : memref<1x125x80xi32, #tpu.memory_space<hbm>> -> memref<125x80xi32, #tpu.memory_space<hbm>>
      tpu.enqueue_dma source(%dma_start3A_15 : memref<125x80xi32, #tpu.memory_space<hbm>>) target(%arg6 : memref<125x80xi32, #tpu.memory_space<vmem>>) target_semaphore(%run_scoped3A : memref<!tpu.dma_semaphore, #tpu.memory_space<semaphore_mem>>)
      %dma_wait3A = arith.constant 0 : i32
      %dma_wait3A_16 = arith.constant 0 : i32
      %dma_wait3A_17 = tpu.memref_slice %arg2[%add3A, %dma_wait3A, %dma_wait3A_16] : memref<32x125x80xi32, #tpu.memory_space<hbm>> -> memref<1x125x80xi32, #tpu.memory_space<hbm>>
      %dma_wait3A_18 = tpu.memref_squeeze %dma_wait3A_17 : memref<1x125x80xi32, #tpu.memory_space<hbm>> -> memref<125x80xi32, #tpu.memory_space<hbm>>
      %dma_wait3A_19 = arith.constant 0 : i32
      %dma_wait3A_20 = arith.constant 0 : i32
      %dma_wait3A_21 = tpu.memref_slice %arg2[%add3A, %dma_wait3A_19, %dma_wait3A_20] : memref<32x125x80xi32, #tpu.memory_space<hbm>> -> memref<1x125x80xi32, #tpu.memory_space<hbm>>
      %dma_wait3A_22 = tpu.memref_squeeze %dma_wait3A_21 : memref<1x125x80xi32, #tpu.memory_space<hbm>> -> memref<125x80xi32, #tpu.memory_space<hbm>>
      tpu.wait_dma2 semaphore(%run_scoped3A : memref<!tpu.dma_semaphore, #tpu.memory_space<semaphore_mem>>) src(%dma_wait3A_22 : memref<125x80xi32, #tpu.memory_space<hbm>>) dst(%arg6 : memref<125x80xi32, #tpu.memory_space<vmem>>)
      tpu.yield
    }) : () -> ()
    %barrier3A = arith.constant 0 : index
    tpu.barrier barrier_id(%barrier3A)
    %scan3A = arith.constant 0 : i32
    %scan3A_3 = arith.constant 0 : i32
    %scan3A_4 = arith.constant 25 : i32
    %scan3A_5 = arith.addi %scan3A_3, %scan3A_4 : i32
    %scan3A_6 = arith.constant 1 : i32
    scf.for %scan3A_9 = %scan3A_3 to %scan3A_5 step %scan3A_6  : i32 {
      %mul3A_10 = arith.constant 5 : i32
      %mul3A_11 = arith.muli %scan3A_9, %mul3A_10 : i32
      %add3A_12 = arith.constant 0 : i32
      %add3A_13 = arith.addi %mul3A_11, %add3A_12 : i32
      %dma_start3A = arith.constant 0 : i32
      %dma_start3A_14 = arith.constant 0 : i32
      %dma_start3A_15 = tpu.memref_slice %arg6[%add3A_13, %dma_start3A_14] : memref<125x80xi32, #tpu.memory_space<vmem>> -> memref<1x80xi32, #tpu.memory_space<vmem>>
      %dma_start3A_16 = tpu.memref_squeeze %dma_start3A_15 : memref<1x80xi32, #tpu.memory_space<vmem>> -> memref<80xi32, #tpu.memory_space<vmem>>
      %dma_start3A_17 = arith.constant 0 : i32
      %dma_start3A_18 = arith.constant 0 : i32
      %dma_start3A_19 = tpu.memref_slice %arg8[%dma_start3A_17, %dma_start3A_18] : memref<10240x128xf32, #tpu.memory_space<vmem_shared>> -> memref<10240x128xf32, #tpu.memory_space<vmem_shared>>
      %dma_start3A_20 = tpu.memref_slice %arg9[%dma_start3A] : memref<5x!tpu.dma_semaphore, #tpu.memory_space<semaphore_mem>> -> memref<1x!tpu.dma_semaphore, #tpu.memory_space<semaphore_mem>>
      %dma_start3A_21 = tpu.memref_squeeze %dma_start3A_20 : memref<1x!tpu.dma_semaphore, #tpu.memory_space<semaphore_mem>> -> memref<!tpu.dma_semaphore, #tpu.memory_space<semaphore_mem>>
      tpu.enqueue_indirect_dma source(%arg7 : memref<80x128xf32, #tpu.memory_space<vmem>>) target(%dma_start3A_19 : memref<10240x128xf32, #tpu.memory_space<vmem_shared>>) offsets(%dma_start3A_16 : memref<80xi32, #tpu.memory_space<vmem>>) semaphore(%dma_start3A_21 : memref<!tpu.dma_semaphore, #tpu.memory_space<semaphore_mem>>) {add = true}
      %mul3A_22 = arith.constant 5 : i32
      %mul3A_23 = arith.muli %scan3A_9, %mul3A_22 : i32
      %add3A_24 = arith.constant 1 : i32
      %add3A_25 = arith.addi %mul3A_23, %add3A_24 : i32
      %dma_start3A_26 = arith.constant 1 : i32
      %dma_start3A_27 = arith.constant 0 : i32
      %dma_start3A_28 = tpu.memref_slice %arg6[%add3A_25, %dma_start3A_27] : memref<125x80xi32, #tpu.memory_space<vmem>> -> memref<1x80xi32, #tpu.memory_space<vmem>>
      %dma_start3A_29 = tpu.memref_squeeze %dma_start3A_28 : memref<1x80xi32, #tpu.memory_space<vmem>> -> memref<80xi32, #tpu.memory_space<vmem>>
      %dma_start3A_30 = arith.constant 0 : i32
      %dma_start3A_31 = arith.constant 0 : i32
      %dma_start3A_32 = tpu.memref_slice %arg8[%dma_start3A_30, %dma_start3A_31] : memref<10240x128xf32, #tpu.memory_space<vmem_shared>> -> memref<10240x128xf32, #tpu.memory_space<vmem_shared>>
      %dma_start3A_33 = tpu.memref_slice %arg9[%dma_start3A_26] : memref<5x!tpu.dma_semaphore, #tpu.memory_space<semaphore_mem>> -> memref<1x!tpu.dma_semaphore, #tpu.memory_space<semaphore_mem>>
      %dma_start3A_34 = tpu.memref_squeeze %dma_start3A_33 : memref<1x!tpu.dma_semaphore, #tpu.memory_space<semaphore_mem>> -> memref<!tpu.dma_semaphore, #tpu.memory_space<semaphore_mem>>
      tpu.enqueue_indirect_dma source(%arg7 : memref<80x128xf32, #tpu.memory_space<vmem>>) target(%dma_start3A_32 : memref<10240x128xf32, #tpu.memory_space<vmem_shared>>) offsets(%dma_start3A_29 : memref<80xi32, #tpu.memory_space<vmem>>) semaphore(%dma_start3A_34 : memref<!tpu.dma_semaphore, #tpu.memory_space<semaphore_mem>>) {add = true}
      %mul3A_35 = arith.constant 5 : i32
      %mul3A_36 = arith.muli %scan3A_9, %mul3A_35 : i32
      %add3A_37 = arith.constant 2 : i32
      %add3A_38 = arith.addi %mul3A_36, %add3A_37 : i32
      %dma_start3A_39 = arith.constant 2 : i32
      %dma_start3A_40 = arith.constant 0 : i32
      %dma_start3A_41 = tpu.memref_slice %arg6[%add3A_38, %dma_start3A_40] : memref<125x80xi32, #tpu.memory_space<vmem>> -> memref<1x80xi32, #tpu.memory_space<vmem>>
      %dma_start3A_42 = tpu.memref_squeeze %dma_start3A_41 : memref<1x80xi32, #tpu.memory_space<vmem>> -> memref<80xi32, #tpu.memory_space<vmem>>
      %dma_start3A_43 = arith.constant 0 : i32
      %dma_start3A_44 = arith.constant 0 : i32
      %dma_start3A_45 = tpu.memref_slice %arg8[%dma_start3A_43, %dma_start3A_44] : memref<10240x128xf32, #tpu.memory_space<vmem_shared>> -> memref<10240x128xf32, #tpu.memory_space<vmem_shared>>
      %dma_start3A_46 = tpu.memref_slice %arg9[%dma_start3A_39] : memref<5x!tpu.dma_semaphore, #tpu.memory_space<semaphore_mem>> -> memref<1x!tpu.dma_semaphore, #tpu.memory_space<semaphore_mem>>
      %dma_start3A_47 = tpu.memref_squeeze %dma_start3A_46 : memref<1x!tpu.dma_semaphore, #tpu.memory_space<semaphore_mem>> -> memref<!tpu.dma_semaphore, #tpu.memory_space<semaphore_mem>>
      tpu.enqueue_indirect_dma source(%arg7 : memref<80x128xf32, #tpu.memory_space<vmem>>) target(%dma_start3A_45 : memref<10240x128xf32, #tpu.memory_space<vmem_shared>>) offsets(%dma_start3A_42 : memref<80xi32, #tpu.memory_space<vmem>>) semaphore(%dma_start3A_47 : memref<!tpu.dma_semaphore, #tpu.memory_space<semaphore_mem>>) {add = true}
      %mul3A_48 = arith.constant 5 : i32
      %mul3A_49 = arith.muli %scan3A_9, %mul3A_48 : i32
      %add3A_50 = arith.constant 3 : i32
      %add3A_51 = arith.addi %mul3A_49, %add3A_50 : i32
      %dma_start3A_52 = arith.constant 3 : i32
      %dma_start3A_53 = arith.constant 0 : i32
      %dma_start3A_54 = tpu.memref_slice %arg6[%add3A_51, %dma_start3A_53] : memref<125x80xi32, #tpu.memory_space<vmem>> -> memref<1x80xi32, #tpu.memory_space<vmem>>
      %dma_start3A_55 = tpu.memref_squeeze %dma_start3A_54 : memref<1x80xi32, #tpu.memory_space<vmem>> -> memref<80xi32, #tpu.memory_space<vmem>>
      %dma_start3A_56 = arith.constant 0 : i32
      %dma_start3A_57 = arith.constant 0 : i32
      %dma_start3A_58 = tpu.memref_slice %arg8[%dma_start3A_56, %dma_start3A_57] : memref<10240x128xf32, #tpu.memory_space<vmem_shared>> -> memref<10240x128xf32, #tpu.memory_space<vmem_shared>>
      %dma_start3A_59 = tpu.memref_slice %arg9[%dma_start3A_52] : memref<5x!tpu.dma_semaphore, #tpu.memory_space<semaphore_mem>> -> memref<1x!tpu.dma_semaphore, #tpu.memory_space<semaphore_mem>>
      %dma_start3A_60 = tpu.memref_squeeze %dma_start3A_59 : memref<1x!tpu.dma_semaphore, #tpu.memory_space<semaphore_mem>> -> memref<!tpu.dma_semaphore, #tpu.memory_space<semaphore_mem>>
      tpu.enqueue_indirect_dma source(%arg7 : memref<80x128xf32, #tpu.memory_space<vmem>>) target(%dma_start3A_58 : memref<10240x128xf32, #tpu.memory_space<vmem_shared>>) offsets(%dma_start3A_55 : memref<80xi32, #tpu.memory_space<vmem>>) semaphore(%dma_start3A_60 : memref<!tpu.dma_semaphore, #tpu.memory_space<semaphore_mem>>) {add = true}
      %mul3A_61 = arith.constant 5 : i32
      %mul3A_62 = arith.muli %scan3A_9, %mul3A_61 : i32
      %add3A_63 = arith.constant 4 : i32
      %add3A_64 = arith.addi %mul3A_62, %add3A_63 : i32
      %dma_start3A_65 = arith.constant 4 : i32
      %dma_start3A_66 = arith.constant 0 : i32
      %dma_start3A_67 = tpu.memref_slice %arg6[%add3A_64, %dma_start3A_66] : memref<125x80xi32, #tpu.memory_space<vmem>> -> memref<1x80xi32, #tpu.memory_space<vmem>>
      %dma_start3A_68 = tpu.memref_squeeze %dma_start3A_67 : memref<1x80xi32, #tpu.memory_space<vmem>> -> memref<80xi32, #tpu.memory_space<vmem>>
      %dma_start3A_69 = arith.constant 0 : i32
      %dma_start3A_70 = arith.constant 0 : i32
      %dma_start3A_71 = tpu.memref_slice %arg8[%dma_start3A_69, %dma_start3A_70] : memref<10240x128xf32, #tpu.memory_space<vmem_shared>> -> memref<10240x128xf32, #tpu.memory_space<vmem_shared>>
      %dma_start3A_72 = tpu.memref_slice %arg9[%dma_start3A_65] : memref<5x!tpu.dma_semaphore, #tpu.memory_space<semaphore_mem>> -> memref<1x!tpu.dma_semaphore, #tpu.memory_space<semaphore_mem>>
      %dma_start3A_73 = tpu.memref_squeeze %dma_start3A_72 : memref<1x!tpu.dma_semaphore, #tpu.memory_space<semaphore_mem>> -> memref<!tpu.dma_semaphore, #tpu.memory_space<semaphore_mem>>
      tpu.enqueue_indirect_dma source(%arg7 : memref<80x128xf32, #tpu.memory_space<vmem>>) target(%dma_start3A_71 : memref<10240x128xf32, #tpu.memory_space<vmem_shared>>) offsets(%dma_start3A_68 : memref<80xi32, #tpu.memory_space<vmem>>) semaphore(%dma_start3A_73 : memref<!tpu.dma_semaphore, #tpu.memory_space<semaphore_mem>>) {add = true}
      %dma_wait3A = arith.constant 0 : i32
      %dma_wait3A_74 = arith.constant 0 : i32
      %dma_wait3A_75 = tpu.memref_slice %arg6[%add3A_13, %dma_wait3A_74] : memref<125x80xi32, #tpu.memory_space<vmem>> -> memref<1x80xi32, #tpu.memory_space<vmem>>
      %dma_wait3A_76 = tpu.memref_squeeze %dma_wait3A_75 : memref<1x80xi32, #tpu.memory_space<vmem>> -> memref<80xi32, #tpu.memory_space<vmem>>
      %dma_wait3A_77 = arith.constant 0 : i32
      %dma_wait3A_78 = arith.constant 0 : i32
      %dma_wait3A_79 = tpu.memref_slice %arg8[%dma_wait3A_77, %dma_wait3A_78] : memref<10240x128xf32, #tpu.memory_space<vmem_shared>> -> memref<10240x128xf32, #tpu.memory_space<vmem_shared>>
      %dma_wait3A_80 = tpu.memref_slice %arg9[%dma_wait3A] : memref<5x!tpu.dma_semaphore, #tpu.memory_space<semaphore_mem>> -> memref<1x!tpu.dma_semaphore, #tpu.memory_space<semaphore_mem>>
      %dma_wait3A_81 = tpu.memref_squeeze %dma_wait3A_80 : memref<1x!tpu.dma_semaphore, #tpu.memory_space<semaphore_mem>> -> memref<!tpu.dma_semaphore, #tpu.memory_space<semaphore_mem>>
      tpu.wait_indirect_dma semaphore(%dma_wait3A_81 : memref<!tpu.dma_semaphore, #tpu.memory_space<semaphore_mem>>) src(%arg7 : memref<80x128xf32, #tpu.memory_space<vmem>>) dst(%dma_wait3A_79 : memref<10240x128xf32, #tpu.memory_space<vmem_shared>>)
      %dma_wait3A_82 = arith.constant 1 : i32
      %dma_wait3A_83 = arith.constant 0 : i32
      %dma_wait3A_84 = tpu.memref_slice %arg6[%add3A_25, %dma_wait3A_83] : memref<125x80xi32, #tpu.memory_space<vmem>> -> memref<1x80xi32, #tpu.memory_space<vmem>>
      %dma_wait3A_85 = tpu.memref_squeeze %dma_wait3A_84 : memref<1x80xi32, #tpu.memory_space<vmem>> -> memref<80xi32, #tpu.memory_space<vmem>>
      %dma_wait3A_86 = arith.constant 0 : i32
      %dma_wait3A_87 = arith.constant 0 : i32
      %dma_wait3A_88 = tpu.memref_slice %arg8[%dma_wait3A_86, %dma_wait3A_87] : memref<10240x128xf32, #tpu.memory_space<vmem_shared>> -> memref<10240x128xf32, #tpu.memory_space<vmem_shared>>
      %dma_wait3A_89 = tpu.memref_slice %arg9[%dma_wait3A_82] : memref<5x!tpu.dma_semaphore, #tpu.memory_space<semaphore_mem>> -> memref<1x!tpu.dma_semaphore, #tpu.memory_space<semaphore_mem>>
      %dma_wait3A_90 = tpu.memref_squeeze %dma_wait3A_89 : memref<1x!tpu.dma_semaphore, #tpu.memory_space<semaphore_mem>> -> memref<!tpu.dma_semaphore, #tpu.memory_space<semaphore_mem>>
      tpu.wait_indirect_dma semaphore(%dma_wait3A_90 : memref<!tpu.dma_semaphore, #tpu.memory_space<semaphore_mem>>) src(%arg7 : memref<80x128xf32, #tpu.memory_space<vmem>>) dst(%dma_wait3A_88 : memref<10240x128xf32, #tpu.memory_space<vmem_shared>>)
      %dma_wait3A_91 = arith.constant 2 : i32
      %dma_wait3A_92 = arith.constant 0 : i32
      %dma_wait3A_93 = tpu.memref_slice %arg6[%add3A_38, %dma_wait3A_92] : memref<125x80xi32, #tpu.memory_space<vmem>> -> memref<1x80xi32, #tpu.memory_space<vmem>>
      %dma_wait3A_94 = tpu.memref_squeeze %dma_wait3A_93 : memref<1x80xi32, #tpu.memory_space<vmem>> -> memref<80xi32, #tpu.memory_space<vmem>>
      %dma_wait3A_95 = arith.constant 0 : i32
      %dma_wait3A_96 = arith.constant 0 : i32
      %dma_wait3A_97 = tpu.memref_slice %arg8[%dma_wait3A_95, %dma_wait3A_96] : memref<10240x128xf32, #tpu.memory_space<vmem_shared>> -> memref<10240x128xf32, #tpu.memory_space<vmem_shared>>
      %dma_wait3A_98 = tpu.memref_slice %arg9[%dma_wait3A_91] : memref<5x!tpu.dma_semaphore, #tpu.memory_space<semaphore_mem>> -> memref<1x!tpu.dma_semaphore, #tpu.memory_space<semaphore_mem>>
      %dma_wait3A_99 = tpu.memref_squeeze %dma_wait3A_98 : memref<1x!tpu.dma_semaphore, #tpu.memory_space<semaphore_mem>> -> memref<!tpu.dma_semaphore, #tpu.memory_space<semaphore_mem>>
      tpu.wait_indirect_dma semaphore(%dma_wait3A_99 : memref<!tpu.dma_semaphore, #tpu.memory_space<semaphore_mem>>) src(%arg7 : memref<80x128xf32, #tpu.memory_space<vmem>>) dst(%dma_wait3A_97 : memref<10240x128xf32, #tpu.memory_space<vmem_shared>>)
      %dma_wait3A_100 = arith.constant 3 : i32
      %dma_wait3A_101 = arith.constant 0 : i32
      %dma_wait3A_102 = tpu.memref_slice %arg6[%add3A_51, %dma_wait3A_101] : memref<125x80xi32, #tpu.memory_space<vmem>> -> memref<1x80xi32, #tpu.memory_space<vmem>>
      %dma_wait3A_103 = tpu.memref_squeeze %dma_wait3A_102 : memref<1x80xi32, #tpu.memory_space<vmem>> -> memref<80xi32, #tpu.memory_space<vmem>>
      %dma_wait3A_104 = arith.constant 0 : i32
      %dma_wait3A_105 = arith.constant 0 : i32
      %dma_wait3A_106 = tpu.memref_slice %arg8[%dma_wait3A_104, %dma_wait3A_105] : memref<10240x128xf32, #tpu.memory_space<vmem_shared>> -> memref<10240x128xf32, #tpu.memory_space<vmem_shared>>
      %dma_wait3A_107 = tpu.memref_slice %arg9[%dma_wait3A_100] : memref<5x!tpu.dma_semaphore, #tpu.memory_space<semaphore_mem>> -> memref<1x!tpu.dma_semaphore, #tpu.memory_space<semaphore_mem>>
      %dma_wait3A_108 = tpu.memref_squeeze %dma_wait3A_107 : memref<1x!tpu.dma_semaphore, #tpu.memory_space<semaphore_mem>> -> memref<!tpu.dma_semaphore, #tpu.memory_space<semaphore_mem>>
      tpu.wait_indirect_dma semaphore(%dma_wait3A_108 : memref<!tpu.dma_semaphore, #tpu.memory_space<semaphore_mem>>) src(%arg7 : memref<80x128xf32, #tpu.memory_space<vmem>>) dst(%dma_wait3A_106 : memref<10240x128xf32, #tpu.memory_space<vmem_shared>>)
      %dma_wait3A_109 = arith.constant 4 : i32
      %dma_wait3A_110 = arith.constant 0 : i32
      %dma_wait3A_111 = tpu.memref_slice %arg6[%add3A_64, %dma_wait3A_110] : memref<125x80xi32, #tpu.memory_space<vmem>> -> memref<1x80xi32, #tpu.memory_space<vmem>>
      %dma_wait3A_112 = tpu.memref_squeeze %dma_wait3A_111 : memref<1x80xi32, #tpu.memory_space<vmem>> -> memref<80xi32, #tpu.memory_space<vmem>>
      %dma_wait3A_113 = arith.constant 0 : i32
      %dma_wait3A_114 = arith.constant 0 : i32
      %dma_wait3A_115 = tpu.memref_slice %arg8[%dma_wait3A_113, %dma_wait3A_114] : memref<10240x128xf32, #tpu.memory_space<vmem_shared>> -> memref<10240x128xf32, #tpu.memory_space<vmem_shared>>
      %dma_wait3A_116 = tpu.memref_slice %arg9[%dma_wait3A_109] : memref<5x!tpu.dma_semaphore, #tpu.memory_space<semaphore_mem>> -> memref<1x!tpu.dma_semaphore, #tpu.memory_space<semaphore_mem>>
      %dma_wait3A_117 = tpu.memref_squeeze %dma_wait3A_116 : memref<1x!tpu.dma_semaphore, #tpu.memory_space<semaphore_mem>> -> memref<!tpu.dma_semaphore, #tpu.memory_space<semaphore_mem>>
      tpu.wait_indirect_dma semaphore(%dma_wait3A_117 : memref<!tpu.dma_semaphore, #tpu.memory_space<semaphore_mem>>) src(%arg7 : memref<80x128xf32, #tpu.memory_space<vmem>>) dst(%dma_wait3A_115 : memref<10240x128xf32, #tpu.memory_space<vmem_shared>>)
    }
    %scan3A_7 = arith.constant 25 : i32
    %barrier3A_8 = arith.constant 0 : index
    tpu.barrier barrier_id(%barrier3A_8)
    "tpu.region"() ({
      %run_scoped3A = tpu.sem_alloc : memref<!tpu.dma_semaphore, #tpu.memory_space<semaphore_mem>>
      %dma_start3A = arith.constant 0 : i32
      %dma_start3A_9 = tpu.memref_slice %arg5[%arg0, %mul3A_2, %dma_start3A] : memref<2x10240x128xf32, #tpu.memory_space<hbm>> -> memref<1x640x128xf32, #tpu.memory_space<hbm>>
      %dma_start3A_10 = tpu.memref_squeeze %dma_start3A_9 : memref<1x640x128xf32, #tpu.memory_space<hbm>> -> memref<640x128xf32, #tpu.memory_space<hbm>>
      %dma_start3A_11 = arith.constant 0 : i32
      %dma_start3A_12 = tpu.memref_slice %arg8[%mul3A_2, %dma_start3A_11] : memref<10240x128xf32, #tpu.memory_space<vmem_shared>> -> memref<640x128xf32, #tpu.memory_space<vmem_shared>>
      tpu.enqueue_dma source(%dma_start3A_12 : memref<640x128xf32, #tpu.memory_space<vmem_shared>>) target(%dma_start3A_10 : memref<640x128xf32, #tpu.memory_space<hbm>>) target_semaphore(%run_scoped3A : memref<!tpu.dma_semaphore, #tpu.memory_space<semaphore_mem>>)
      %dma_wait3A = arith.constant 0 : i32
      %dma_wait3A_13 = tpu.memref_slice %arg5[%arg0, %mul3A_2, %dma_wait3A] : memref<2x10240x128xf32, #tpu.memory_space<hbm>> -> memref<1x640x128xf32, #tpu.memory_space<hbm>>
      %dma_wait3A_14 = tpu.memref_squeeze %dma_wait3A_13 : memref<1x640x128xf32, #tpu.memory_space<hbm>> -> memref<640x128xf32, #tpu.memory_space<hbm>>
      %dma_wait3A_15 = arith.constant 0 : i32
      %dma_wait3A_16 = tpu.memref_slice %arg8[%mul3A_2, %dma_wait3A_15] : memref<10240x128xf32, #tpu.memory_space<vmem_shared>> -> memref<640x128xf32, #tpu.memory_space<vmem_shared>>
      tpu.wait_dma2 semaphore(%run_scoped3A : memref<!tpu.dma_semaphore, #tpu.memory_space<semaphore_mem>>) src(%dma_wait3A_16 : memref<640x128xf32, #tpu.memory_space<vmem_shared>>) dst(%dma_wait3A_14 : memref<640x128xf32, #tpu.memory_space<hbm>>)
      tpu.yield
    }) : () -> ()
    return
  }
}

#map = affine_map<(d0, d1) -> (0, 0)>
#map1 = affine_map<(d0, d1) -> (0)>
#map2 = affine_map<(d0, d1) -> (0, 0, 0)>
module attributes {stable_mosaic.version = 14 : i64} {
  func.func @_prop_body(%arg0: i32, %arg1: i32, %arg2: memref<10000x128xf32, #tpu.memory_space<hbm>>, %arg3: memref<320000xi32, #tpu.memory_space<hbm>>, %arg4: memref<320000xi32, #tpu.memory_space<hbm>>, %arg5: memref<640x128xf32, #tpu.memory_space<hbm>>, %arg6: memref<2x10240x128xf32, #tpu.memory_space<hbm>>, %arg7: memref<10240x128xf32, #tpu.memory_space<vmem_shared>>, %arg8: memref<4x!tpu.dma_semaphore, #tpu.memory_space<semaphore_mem>>, %arg9: memref<4x!tpu.dma_semaphore, #tpu.memory_space<semaphore_mem>>, %arg10: memref<4x!tpu.dma_semaphore, #tpu.memory_space<semaphore_mem>>, %arg11: memref<4x!tpu.dma_semaphore, #tpu.memory_space<semaphore_mem>>, %arg12: memref<80xi32, #tpu.memory_space<vmem>>, %arg13: memref<80xi32, #tpu.memory_space<vmem>>, %arg14: memref<80xi32, #tpu.memory_space<vmem>>, %arg15: memref<80xi32, #tpu.memory_space<vmem>>, %arg16: memref<80xi32, #tpu.memory_space<vmem>>, %arg17: memref<80xi32, #tpu.memory_space<vmem>>, %arg18: memref<80xi32, #tpu.memory_space<vmem>>, %arg19: memref<80xi32, #tpu.memory_space<vmem>>, %arg20: memref<80x128xf32, #tpu.memory_space<vmem>>, %arg21: memref<80x128xf32, #tpu.memory_space<vmem>>, %arg22: memref<80x128xf32, #tpu.memory_space<vmem>>, %arg23: memref<80x128xf32, #tpu.memory_space<vmem>>) attributes {dimension_semantics = [#tpu.dimension_semantics<core_parallel>, #tpu.dimension_semantics<subcore_parallel>], iteration_bounds = array<i64: 2, 16>, scalar_prefetch = 0 : i64, scratch_operands = 17 : i64, tpu.core_type = #tpu.core_type<sc_vector_subcore>, window_params = [{transform_indices = #map}, {transform_indices = #map1}, {transform_indices = #map1}, {transform_indices = #map}, {transform_indices = #map2}]} {
    %mul3A = arith.constant 2 : i32
    %mul3A_0 = arith.muli %arg1, %mul3A : i32
    %add3A = arith.addi %mul3A_0, %arg0 : i32
    %mul3A_1 = arith.constant 640 : i32
    %mul3A_2 = arith.muli %arg1, %mul3A_1 : i32
    %mul3A_3 = arith.constant 10000 : i32
    %mul3A_4 = arith.muli %add3A, %mul3A_3 : i32
    "tpu.region"() ({
      %run_scoped3A = tpu.sem_alloc : memref<!tpu.dma_semaphore, #tpu.memory_space<semaphore_mem>>
      %dma_start3A_165 = arith.constant 0 : i32
      %dma_start3A_166 = tpu.memref_slice %arg7[%mul3A_2, %dma_start3A_165] : memref<10240x128xf32, #tpu.memory_space<vmem_shared>> -> memref<640x128xf32, #tpu.memory_space<vmem_shared>>
      tpu.enqueue_dma source(%arg5 : memref<640x128xf32, #tpu.memory_space<hbm>>) target(%dma_start3A_166 : memref<640x128xf32, #tpu.memory_space<vmem_shared>>) target_semaphore(%run_scoped3A : memref<!tpu.dma_semaphore, #tpu.memory_space<semaphore_mem>>)
      %dma_wait3A_167 = arith.constant 0 : i32
      %dma_wait3A_168 = tpu.memref_slice %arg7[%mul3A_2, %dma_wait3A_167] : memref<10240x128xf32, #tpu.memory_space<vmem_shared>> -> memref<640x128xf32, #tpu.memory_space<vmem_shared>>
      tpu.wait_dma2 semaphore(%run_scoped3A : memref<!tpu.dma_semaphore, #tpu.memory_space<semaphore_mem>>) src(%arg5 : memref<640x128xf32, #tpu.memory_space<hbm>>) dst(%dma_wait3A_168 : memref<640x128xf32, #tpu.memory_space<vmem_shared>>)
      tpu.yield
    }) : () -> ()
    %barrier3A = arith.constant 0 : index
    tpu.barrier barrier_id(%barrier3A)
    %add3A_5 = arith.constant 0 : i32
    %add3A_6 = arith.addi %mul3A_4, %add3A_5 : i32
    %dma_start3A = arith.constant 0 : i32
    %dma_start3A_7 = tpu.memref_slice %arg3[%add3A_6] : memref<320000xi32, #tpu.memory_space<hbm>> -> memref<80xi32, #tpu.memory_space<hbm>>
    %dma_start3A_8 = tpu.memref_slice %arg10[%dma_start3A] : memref<4x!tpu.dma_semaphore, #tpu.memory_space<semaphore_mem>> -> memref<1x!tpu.dma_semaphore, #tpu.memory_space<semaphore_mem>>
    %dma_start3A_9 = tpu.memref_squeeze %dma_start3A_8 : memref<1x!tpu.dma_semaphore, #tpu.memory_space<semaphore_mem>> -> memref<!tpu.dma_semaphore, #tpu.memory_space<semaphore_mem>>
    %dma_start3A_10 = tpu.memref_slice %arg3[%add3A_6] : memref<320000xi32, #tpu.memory_space<hbm>> -> memref<80xi32, #tpu.memory_space<hbm>>
    tpu.enqueue_dma source(%dma_start3A_10 : memref<80xi32, #tpu.memory_space<hbm>>) target(%arg12 : memref<80xi32, #tpu.memory_space<vmem>>) target_semaphore(%dma_start3A_9 : memref<!tpu.dma_semaphore, #tpu.memory_space<semaphore_mem>>)
    %add3A_11 = arith.constant 0 : i32
    %add3A_12 = arith.addi %mul3A_4, %add3A_11 : i32
    %dma_start3A_13 = arith.constant 0 : i32
    %dma_start3A_14 = tpu.memref_slice %arg4[%add3A_12] : memref<320000xi32, #tpu.memory_space<hbm>> -> memref<80xi32, #tpu.memory_space<hbm>>
    %dma_start3A_15 = tpu.memref_slice %arg11[%dma_start3A_13] : memref<4x!tpu.dma_semaphore, #tpu.memory_space<semaphore_mem>> -> memref<1x!tpu.dma_semaphore, #tpu.memory_space<semaphore_mem>>
    %dma_start3A_16 = tpu.memref_squeeze %dma_start3A_15 : memref<1x!tpu.dma_semaphore, #tpu.memory_space<semaphore_mem>> -> memref<!tpu.dma_semaphore, #tpu.memory_space<semaphore_mem>>
    %dma_start3A_17 = tpu.memref_slice %arg4[%add3A_12] : memref<320000xi32, #tpu.memory_space<hbm>> -> memref<80xi32, #tpu.memory_space<hbm>>
    tpu.enqueue_dma source(%dma_start3A_17 : memref<80xi32, #tpu.memory_space<hbm>>) target(%arg16 : memref<80xi32, #tpu.memory_space<vmem>>) target_semaphore(%dma_start3A_16 : memref<!tpu.dma_semaphore, #tpu.memory_space<semaphore_mem>>)
    %add3A_18 = arith.constant 80 : i32
    %add3A_19 = arith.addi %mul3A_4, %add3A_18 : i32
    %dma_start3A_20 = arith.constant 1 : i32
    %dma_start3A_21 = tpu.memref_slice %arg3[%add3A_19] : memref<320000xi32, #tpu.memory_space<hbm>> -> memref<80xi32, #tpu.memory_space<hbm>>
    %dma_start3A_22 = tpu.memref_slice %arg10[%dma_start3A_20] : memref<4x!tpu.dma_semaphore, #tpu.memory_space<semaphore_mem>> -> memref<1x!tpu.dma_semaphore, #tpu.memory_space<semaphore_mem>>
    %dma_start3A_23 = tpu.memref_squeeze %dma_start3A_22 : memref<1x!tpu.dma_semaphore, #tpu.memory_space<semaphore_mem>> -> memref<!tpu.dma_semaphore, #tpu.memory_space<semaphore_mem>>
    %dma_start3A_24 = tpu.memref_slice %arg3[%add3A_19] : memref<320000xi32, #tpu.memory_space<hbm>> -> memref<80xi32, #tpu.memory_space<hbm>>
    tpu.enqueue_dma source(%dma_start3A_24 : memref<80xi32, #tpu.memory_space<hbm>>) target(%arg13 : memref<80xi32, #tpu.memory_space<vmem>>) target_semaphore(%dma_start3A_23 : memref<!tpu.dma_semaphore, #tpu.memory_space<semaphore_mem>>)
    %add3A_25 = arith.constant 80 : i32
    %add3A_26 = arith.addi %mul3A_4, %add3A_25 : i32
    %dma_start3A_27 = arith.constant 1 : i32
    %dma_start3A_28 = tpu.memref_slice %arg4[%add3A_26] : memref<320000xi32, #tpu.memory_space<hbm>> -> memref<80xi32, #tpu.memory_space<hbm>>
    %dma_start3A_29 = tpu.memref_slice %arg11[%dma_start3A_27] : memref<4x!tpu.dma_semaphore, #tpu.memory_space<semaphore_mem>> -> memref<1x!tpu.dma_semaphore, #tpu.memory_space<semaphore_mem>>
    %dma_start3A_30 = tpu.memref_squeeze %dma_start3A_29 : memref<1x!tpu.dma_semaphore, #tpu.memory_space<semaphore_mem>> -> memref<!tpu.dma_semaphore, #tpu.memory_space<semaphore_mem>>
    %dma_start3A_31 = tpu.memref_slice %arg4[%add3A_26] : memref<320000xi32, #tpu.memory_space<hbm>> -> memref<80xi32, #tpu.memory_space<hbm>>
    tpu.enqueue_dma source(%dma_start3A_31 : memref<80xi32, #tpu.memory_space<hbm>>) target(%arg17 : memref<80xi32, #tpu.memory_space<vmem>>) target_semaphore(%dma_start3A_30 : memref<!tpu.dma_semaphore, #tpu.memory_space<semaphore_mem>>)
    %add3A_32 = arith.constant 160 : i32
    %add3A_33 = arith.addi %mul3A_4, %add3A_32 : i32
    %dma_start3A_34 = arith.constant 2 : i32
    %dma_start3A_35 = tpu.memref_slice %arg3[%add3A_33] : memref<320000xi32, #tpu.memory_space<hbm>> -> memref<80xi32, #tpu.memory_space<hbm>>
    %dma_start3A_36 = tpu.memref_slice %arg10[%dma_start3A_34] : memref<4x!tpu.dma_semaphore, #tpu.memory_space<semaphore_mem>> -> memref<1x!tpu.dma_semaphore, #tpu.memory_space<semaphore_mem>>
    %dma_start3A_37 = tpu.memref_squeeze %dma_start3A_36 : memref<1x!tpu.dma_semaphore, #tpu.memory_space<semaphore_mem>> -> memref<!tpu.dma_semaphore, #tpu.memory_space<semaphore_mem>>
    %dma_start3A_38 = tpu.memref_slice %arg3[%add3A_33] : memref<320000xi32, #tpu.memory_space<hbm>> -> memref<80xi32, #tpu.memory_space<hbm>>
    tpu.enqueue_dma source(%dma_start3A_38 : memref<80xi32, #tpu.memory_space<hbm>>) target(%arg14 : memref<80xi32, #tpu.memory_space<vmem>>) target_semaphore(%dma_start3A_37 : memref<!tpu.dma_semaphore, #tpu.memory_space<semaphore_mem>>)
    %add3A_39 = arith.constant 160 : i32
    %add3A_40 = arith.addi %mul3A_4, %add3A_39 : i32
    %dma_start3A_41 = arith.constant 2 : i32
    %dma_start3A_42 = tpu.memref_slice %arg4[%add3A_40] : memref<320000xi32, #tpu.memory_space<hbm>> -> memref<80xi32, #tpu.memory_space<hbm>>
    %dma_start3A_43 = tpu.memref_slice %arg11[%dma_start3A_41] : memref<4x!tpu.dma_semaphore, #tpu.memory_space<semaphore_mem>> -> memref<1x!tpu.dma_semaphore, #tpu.memory_space<semaphore_mem>>
    %dma_start3A_44 = tpu.memref_squeeze %dma_start3A_43 : memref<1x!tpu.dma_semaphore, #tpu.memory_space<semaphore_mem>> -> memref<!tpu.dma_semaphore, #tpu.memory_space<semaphore_mem>>
    %dma_start3A_45 = tpu.memref_slice %arg4[%add3A_40] : memref<320000xi32, #tpu.memory_space<hbm>> -> memref<80xi32, #tpu.memory_space<hbm>>
    tpu.enqueue_dma source(%dma_start3A_45 : memref<80xi32, #tpu.memory_space<hbm>>) target(%arg18 : memref<80xi32, #tpu.memory_space<vmem>>) target_semaphore(%dma_start3A_44 : memref<!tpu.dma_semaphore, #tpu.memory_space<semaphore_mem>>)
    %add3A_46 = arith.constant 240 : i32
    %add3A_47 = arith.addi %mul3A_4, %add3A_46 : i32
    %dma_start3A_48 = arith.constant 3 : i32
    %dma_start3A_49 = tpu.memref_slice %arg3[%add3A_47] : memref<320000xi32, #tpu.memory_space<hbm>> -> memref<80xi32, #tpu.memory_space<hbm>>
    %dma_start3A_50 = tpu.memref_slice %arg10[%dma_start3A_48] : memref<4x!tpu.dma_semaphore, #tpu.memory_space<semaphore_mem>> -> memref<1x!tpu.dma_semaphore, #tpu.memory_space<semaphore_mem>>
    %dma_start3A_51 = tpu.memref_squeeze %dma_start3A_50 : memref<1x!tpu.dma_semaphore, #tpu.memory_space<semaphore_mem>> -> memref<!tpu.dma_semaphore, #tpu.memory_space<semaphore_mem>>
    %dma_start3A_52 = tpu.memref_slice %arg3[%add3A_47] : memref<320000xi32, #tpu.memory_space<hbm>> -> memref<80xi32, #tpu.memory_space<hbm>>
    tpu.enqueue_dma source(%dma_start3A_52 : memref<80xi32, #tpu.memory_space<hbm>>) target(%arg15 : memref<80xi32, #tpu.memory_space<vmem>>) target_semaphore(%dma_start3A_51 : memref<!tpu.dma_semaphore, #tpu.memory_space<semaphore_mem>>)
    %add3A_53 = arith.constant 240 : i32
    %add3A_54 = arith.addi %mul3A_4, %add3A_53 : i32
    %dma_start3A_55 = arith.constant 3 : i32
    %dma_start3A_56 = tpu.memref_slice %arg4[%add3A_54] : memref<320000xi32, #tpu.memory_space<hbm>> -> memref<80xi32, #tpu.memory_space<hbm>>
    %dma_start3A_57 = tpu.memref_slice %arg11[%dma_start3A_55] : memref<4x!tpu.dma_semaphore, #tpu.memory_space<semaphore_mem>> -> memref<1x!tpu.dma_semaphore, #tpu.memory_space<semaphore_mem>>
    %dma_start3A_58 = tpu.memref_squeeze %dma_start3A_57 : memref<1x!tpu.dma_semaphore, #tpu.memory_space<semaphore_mem>> -> memref<!tpu.dma_semaphore, #tpu.memory_space<semaphore_mem>>
    %dma_start3A_59 = tpu.memref_slice %arg4[%add3A_54] : memref<320000xi32, #tpu.memory_space<hbm>> -> memref<80xi32, #tpu.memory_space<hbm>>
    tpu.enqueue_dma source(%dma_start3A_59 : memref<80xi32, #tpu.memory_space<hbm>>) target(%arg19 : memref<80xi32, #tpu.memory_space<vmem>>) target_semaphore(%dma_start3A_58 : memref<!tpu.dma_semaphore, #tpu.memory_space<semaphore_mem>>)
    %dma_wait3A = arith.constant 0 : i32
    %dma_wait3A_60 = tpu.memref_slice %arg3[%mul3A_4] : memref<320000xi32, #tpu.memory_space<hbm>> -> memref<80xi32, #tpu.memory_space<hbm>>
    %dma_wait3A_61 = tpu.memref_slice %arg10[%dma_wait3A] : memref<4x!tpu.dma_semaphore, #tpu.memory_space<semaphore_mem>> -> memref<1x!tpu.dma_semaphore, #tpu.memory_space<semaphore_mem>>
    %dma_wait3A_62 = tpu.memref_squeeze %dma_wait3A_61 : memref<1x!tpu.dma_semaphore, #tpu.memory_space<semaphore_mem>> -> memref<!tpu.dma_semaphore, #tpu.memory_space<semaphore_mem>>
    %dma_wait3A_63 = tpu.memref_slice %arg3[%mul3A_4] : memref<320000xi32, #tpu.memory_space<hbm>> -> memref<80xi32, #tpu.memory_space<hbm>>
    tpu.wait_dma2 semaphore(%dma_wait3A_62 : memref<!tpu.dma_semaphore, #tpu.memory_space<semaphore_mem>>) src(%dma_wait3A_63 : memref<80xi32, #tpu.memory_space<hbm>>) dst(%arg12 : memref<80xi32, #tpu.memory_space<vmem>>)
    %dma_start3A_64 = arith.constant 0 : i32
    %dma_start3A_65 = arith.constant 0 : i32
    %dma_start3A_66 = arith.constant 0 : i32
    %dma_start3A_67 = tpu.memref_slice %arg2[%dma_start3A_65, %dma_start3A_66] : memref<10000x128xf32, #tpu.memory_space<hbm>> -> memref<10000x128xf32, #tpu.memory_space<hbm>>
    %dma_start3A_68 = tpu.memref_slice %arg8[%dma_start3A_64] : memref<4x!tpu.dma_semaphore, #tpu.memory_space<semaphore_mem>> -> memref<1x!tpu.dma_semaphore, #tpu.memory_space<semaphore_mem>>
    %dma_start3A_69 = tpu.memref_squeeze %dma_start3A_68 : memref<1x!tpu.dma_semaphore, #tpu.memory_space<semaphore_mem>> -> memref<!tpu.dma_semaphore, #tpu.memory_space<semaphore_mem>>
    tpu.enqueue_indirect_dma source(%dma_start3A_67 : memref<10000x128xf32, #tpu.memory_space<hbm>>) target(%arg20 : memref<80x128xf32, #tpu.memory_space<vmem>>) offsets(%arg12 : memref<80xi32, #tpu.memory_space<vmem>>) semaphore(%dma_start3A_69 : memref<!tpu.dma_semaphore, #tpu.memory_space<semaphore_mem>>)
    %dma_wait3A_70 = arith.constant 1 : i32
    %dma_wait3A_71 = tpu.memref_slice %arg3[%mul3A_4] : memref<320000xi32, #tpu.memory_space<hbm>> -> memref<80xi32, #tpu.memory_space<hbm>>
    %dma_wait3A_72 = tpu.memref_slice %arg10[%dma_wait3A_70] : memref<4x!tpu.dma_semaphore, #tpu.memory_space<semaphore_mem>> -> memref<1x!tpu.dma_semaphore, #tpu.memory_space<semaphore_mem>>
    %dma_wait3A_73 = tpu.memref_squeeze %dma_wait3A_72 : memref<1x!tpu.dma_semaphore, #tpu.memory_space<semaphore_mem>> -> memref<!tpu.dma_semaphore, #tpu.memory_space<semaphore_mem>>
    %dma_wait3A_74 = tpu.memref_slice %arg3[%mul3A_4] : memref<320000xi32, #tpu.memory_space<hbm>> -> memref<80xi32, #tpu.memory_space<hbm>>
    tpu.wait_dma2 semaphore(%dma_wait3A_73 : memref<!tpu.dma_semaphore, #tpu.memory_space<semaphore_mem>>) src(%dma_wait3A_74 : memref<80xi32, #tpu.memory_space<hbm>>) dst(%arg13 : memref<80xi32, #tpu.memory_space<vmem>>)
    %dma_start3A_75 = arith.constant 1 : i32
    %dma_start3A_76 = arith.constant 0 : i32
    %dma_start3A_77 = arith.constant 0 : i32
    %dma_start3A_78 = tpu.memref_slice %arg2[%dma_start3A_76, %dma_start3A_77] : memref<10000x128xf32, #tpu.memory_space<hbm>> -> memref<10000x128xf32, #tpu.memory_space<hbm>>
    %dma_start3A_79 = tpu.memref_slice %arg8[%dma_start3A_75] : memref<4x!tpu.dma_semaphore, #tpu.memory_space<semaphore_mem>> -> memref<1x!tpu.dma_semaphore, #tpu.memory_space<semaphore_mem>>
    %dma_start3A_80 = tpu.memref_squeeze %dma_start3A_79 : memref<1x!tpu.dma_semaphore, #tpu.memory_space<semaphore_mem>> -> memref<!tpu.dma_semaphore, #tpu.memory_space<semaphore_mem>>
    tpu.enqueue_indirect_dma source(%dma_start3A_78 : memref<10000x128xf32, #tpu.memory_space<hbm>>) target(%arg21 : memref<80x128xf32, #tpu.memory_space<vmem>>) offsets(%arg13 : memref<80xi32, #tpu.memory_space<vmem>>) semaphore(%dma_start3A_80 : memref<!tpu.dma_semaphore, #tpu.memory_space<semaphore_mem>>)
    %dma_wait3A_81 = arith.constant 2 : i32
    %dma_wait3A_82 = tpu.memref_slice %arg3[%mul3A_4] : memref<320000xi32, #tpu.memory_space<hbm>> -> memref<80xi32, #tpu.memory_space<hbm>>
    %dma_wait3A_83 = tpu.memref_slice %arg10[%dma_wait3A_81] : memref<4x!tpu.dma_semaphore, #tpu.memory_space<semaphore_mem>> -> memref<1x!tpu.dma_semaphore, #tpu.memory_space<semaphore_mem>>
    %dma_wait3A_84 = tpu.memref_squeeze %dma_wait3A_83 : memref<1x!tpu.dma_semaphore, #tpu.memory_space<semaphore_mem>> -> memref<!tpu.dma_semaphore, #tpu.memory_space<semaphore_mem>>
    %dma_wait3A_85 = tpu.memref_slice %arg3[%mul3A_4] : memref<320000xi32, #tpu.memory_space<hbm>> -> memref<80xi32, #tpu.memory_space<hbm>>
    tpu.wait_dma2 semaphore(%dma_wait3A_84 : memref<!tpu.dma_semaphore, #tpu.memory_space<semaphore_mem>>) src(%dma_wait3A_85 : memref<80xi32, #tpu.memory_space<hbm>>) dst(%arg14 : memref<80xi32, #tpu.memory_space<vmem>>)
    %dma_start3A_86 = arith.constant 2 : i32
    %dma_start3A_87 = arith.constant 0 : i32
    %dma_start3A_88 = arith.constant 0 : i32
    %dma_start3A_89 = tpu.memref_slice %arg2[%dma_start3A_87, %dma_start3A_88] : memref<10000x128xf32, #tpu.memory_space<hbm>> -> memref<10000x128xf32, #tpu.memory_space<hbm>>
    %dma_start3A_90 = tpu.memref_slice %arg8[%dma_start3A_86] : memref<4x!tpu.dma_semaphore, #tpu.memory_space<semaphore_mem>> -> memref<1x!tpu.dma_semaphore, #tpu.memory_space<semaphore_mem>>
    %dma_start3A_91 = tpu.memref_squeeze %dma_start3A_90 : memref<1x!tpu.dma_semaphore, #tpu.memory_space<semaphore_mem>> -> memref<!tpu.dma_semaphore, #tpu.memory_space<semaphore_mem>>
    tpu.enqueue_indirect_dma source(%dma_start3A_89 : memref<10000x128xf32, #tpu.memory_space<hbm>>) target(%arg22 : memref<80x128xf32, #tpu.memory_space<vmem>>) offsets(%arg14 : memref<80xi32, #tpu.memory_space<vmem>>) semaphore(%dma_start3A_91 : memref<!tpu.dma_semaphore, #tpu.memory_space<semaphore_mem>>)
    %dma_wait3A_92 = arith.constant 3 : i32
    %dma_wait3A_93 = tpu.memref_slice %arg3[%mul3A_4] : memref<320000xi32, #tpu.memory_space<hbm>> -> memref<80xi32, #tpu.memory_space<hbm>>
    %dma_wait3A_94 = tpu.memref_slice %arg10[%dma_wait3A_92] : memref<4x!tpu.dma_semaphore, #tpu.memory_space<semaphore_mem>> -> memref<1x!tpu.dma_semaphore, #tpu.memory_space<semaphore_mem>>
    %dma_wait3A_95 = tpu.memref_squeeze %dma_wait3A_94 : memref<1x!tpu.dma_semaphore, #tpu.memory_space<semaphore_mem>> -> memref<!tpu.dma_semaphore, #tpu.memory_space<semaphore_mem>>
    %dma_wait3A_96 = tpu.memref_slice %arg3[%mul3A_4] : memref<320000xi32, #tpu.memory_space<hbm>> -> memref<80xi32, #tpu.memory_space<hbm>>
    tpu.wait_dma2 semaphore(%dma_wait3A_95 : memref<!tpu.dma_semaphore, #tpu.memory_space<semaphore_mem>>) src(%dma_wait3A_96 : memref<80xi32, #tpu.memory_space<hbm>>) dst(%arg15 : memref<80xi32, #tpu.memory_space<vmem>>)
    %dma_start3A_97 = arith.constant 3 : i32
    %dma_start3A_98 = arith.constant 0 : i32
    %dma_start3A_99 = arith.constant 0 : i32
    %dma_start3A_100 = tpu.memref_slice %arg2[%dma_start3A_98, %dma_start3A_99] : memref<10000x128xf32, #tpu.memory_space<hbm>> -> memref<10000x128xf32, #tpu.memory_space<hbm>>
    %dma_start3A_101 = tpu.memref_slice %arg8[%dma_start3A_97] : memref<4x!tpu.dma_semaphore, #tpu.memory_space<semaphore_mem>> -> memref<1x!tpu.dma_semaphore, #tpu.memory_space<semaphore_mem>>
    %dma_start3A_102 = tpu.memref_squeeze %dma_start3A_101 : memref<1x!tpu.dma_semaphore, #tpu.memory_space<semaphore_mem>> -> memref<!tpu.dma_semaphore, #tpu.memory_space<semaphore_mem>>
    tpu.enqueue_indirect_dma source(%dma_start3A_100 : memref<10000x128xf32, #tpu.memory_space<hbm>>) target(%arg23 : memref<80x128xf32, #tpu.memory_space<vmem>>) offsets(%arg15 : memref<80xi32, #tpu.memory_space<vmem>>) semaphore(%dma_start3A_102 : memref<!tpu.dma_semaphore, #tpu.memory_space<semaphore_mem>>)
    %scan3A = arith.constant 0 : i32
    %scan3A_103 = arith.constant 0 : i32
    %scan3A_104 = arith.constant 31 : i32
    %scan3A_105 = arith.addi %scan3A_103, %scan3A_104 : i32
    %scan3A_106 = arith.constant 1 : i32
    scf.for %scan3A_165 = %scan3A_103 to %scan3A_105 step %scan3A_106  : i32 {
      %mul3A_166 = arith.constant 4 : i32
      %mul3A_167 = arith.muli %scan3A_165, %mul3A_166 : i32
      %add3A_168 = arith.constant 0 : i32
      %add3A_169 = arith.addi %mul3A_167, %add3A_168 : i32
      %add3A_170 = arith.constant 4 : i32
      %add3A_171 = arith.addi %add3A_169, %add3A_170 : i32
      %rem3A = arith.constant 125 : i32
      %rem3A_172 = arith.remsi %add3A_171, %rem3A : i32
      %dma_wait3A_173 = arith.constant 0 : i32
      %dma_wait3A_174 = arith.constant 0 : i32
      %dma_wait3A_175 = arith.constant 0 : i32
      %dma_wait3A_176 = tpu.memref_slice %arg2[%dma_wait3A_174, %dma_wait3A_175] : memref<10000x128xf32, #tpu.memory_space<hbm>> -> memref<10000x128xf32, #tpu.memory_space<hbm>>
      %dma_wait3A_177 = tpu.memref_slice %arg8[%dma_wait3A_173] : memref<4x!tpu.dma_semaphore, #tpu.memory_space<semaphore_mem>> -> memref<1x!tpu.dma_semaphore, #tpu.memory_space<semaphore_mem>>
      %dma_wait3A_178 = tpu.memref_squeeze %dma_wait3A_177 : memref<1x!tpu.dma_semaphore, #tpu.memory_space<semaphore_mem>> -> memref<!tpu.dma_semaphore, #tpu.memory_space<semaphore_mem>>
      tpu.wait_indirect_dma semaphore(%dma_wait3A_178 : memref<!tpu.dma_semaphore, #tpu.memory_space<semaphore_mem>>) src(%dma_wait3A_176 : memref<10000x128xf32, #tpu.memory_space<hbm>>) dst(%arg20 : memref<80x128xf32, #tpu.memory_space<vmem>>)
      %dma_wait3A_179 = arith.constant 0 : i32
      %dma_wait3A_180 = tpu.memref_slice %arg4[%mul3A_4] : memref<320000xi32, #tpu.memory_space<hbm>> -> memref<80xi32, #tpu.memory_space<hbm>>
      %dma_wait3A_181 = tpu.memref_slice %arg11[%dma_wait3A_179] : memref<4x!tpu.dma_semaphore, #tpu.memory_space<semaphore_mem>> -> memref<1x!tpu.dma_semaphore, #tpu.memory_space<semaphore_mem>>
      %dma_wait3A_182 = tpu.memref_squeeze %dma_wait3A_181 : memref<1x!tpu.dma_semaphore, #tpu.memory_space<semaphore_mem>> -> memref<!tpu.dma_semaphore, #tpu.memory_space<semaphore_mem>>
      %dma_wait3A_183 = tpu.memref_slice %arg4[%mul3A_4] : memref<320000xi32, #tpu.memory_space<hbm>> -> memref<80xi32, #tpu.memory_space<hbm>>
      tpu.wait_dma2 semaphore(%dma_wait3A_182 : memref<!tpu.dma_semaphore, #tpu.memory_space<semaphore_mem>>) src(%dma_wait3A_183 : memref<80xi32, #tpu.memory_space<hbm>>) dst(%arg16 : memref<80xi32, #tpu.memory_space<vmem>>)
      %dma_start3A_184 = arith.constant 0 : i32
      %dma_start3A_185 = arith.constant 0 : i32
      %dma_start3A_186 = arith.constant 0 : i32
      %dma_start3A_187 = tpu.memref_slice %arg7[%dma_start3A_185, %dma_start3A_186] : memref<10240x128xf32, #tpu.memory_space<vmem_shared>> -> memref<10240x128xf32, #tpu.memory_space<vmem_shared>>
      %dma_start3A_188 = tpu.memref_slice %arg9[%dma_start3A_184] : memref<4x!tpu.dma_semaphore, #tpu.memory_space<semaphore_mem>> -> memref<1x!tpu.dma_semaphore, #tpu.memory_space<semaphore_mem>>
      %dma_start3A_189 = tpu.memref_squeeze %dma_start3A_188 : memref<1x!tpu.dma_semaphore, #tpu.memory_space<semaphore_mem>> -> memref<!tpu.dma_semaphore, #tpu.memory_space<semaphore_mem>>
      tpu.enqueue_indirect_dma source(%arg20 : memref<80x128xf32, #tpu.memory_space<vmem>>) target(%dma_start3A_187 : memref<10240x128xf32, #tpu.memory_space<vmem_shared>>) offsets(%arg16 : memref<80xi32, #tpu.memory_space<vmem>>) semaphore(%dma_start3A_189 : memref<!tpu.dma_semaphore, #tpu.memory_space<semaphore_mem>>) {add = true}
      %mul3A_190 = arith.constant 80 : i32
      %mul3A_191 = arith.muli %rem3A_172, %mul3A_190 : i32
      %add3A_192 = arith.addi %mul3A_4, %mul3A_191 : i32
      %dma_start3A_193 = arith.constant 0 : i32
      %dma_start3A_194 = tpu.memref_slice %arg3[%add3A_192] : memref<320000xi32, #tpu.memory_space<hbm>> -> memref<80xi32, #tpu.memory_space<hbm>>
      %dma_start3A_195 = tpu.memref_slice %arg10[%dma_start3A_193] : memref<4x!tpu.dma_semaphore, #tpu.memory_space<semaphore_mem>> -> memref<1x!tpu.dma_semaphore, #tpu.memory_space<semaphore_mem>>
      %dma_start3A_196 = tpu.memref_squeeze %dma_start3A_195 : memref<1x!tpu.dma_semaphore, #tpu.memory_space<semaphore_mem>> -> memref<!tpu.dma_semaphore, #tpu.memory_space<semaphore_mem>>
      %dma_start3A_197 = tpu.memref_slice %arg3[%add3A_192] : memref<320000xi32, #tpu.memory_space<hbm>> -> memref<80xi32, #tpu.memory_space<hbm>>
      tpu.enqueue_dma source(%dma_start3A_197 : memref<80xi32, #tpu.memory_space<hbm>>) target(%arg12 : memref<80xi32, #tpu.memory_space<vmem>>) target_semaphore(%dma_start3A_196 : memref<!tpu.dma_semaphore, #tpu.memory_space<semaphore_mem>>)
      %mul3A_198 = arith.constant 4 : i32
      %mul3A_199 = arith.muli %scan3A_165, %mul3A_198 : i32
      %add3A_200 = arith.constant 1 : i32
      %add3A_201 = arith.addi %mul3A_199, %add3A_200 : i32
      %add3A_202 = arith.constant 4 : i32
      %add3A_203 = arith.addi %add3A_201, %add3A_202 : i32
      %rem3A_204 = arith.constant 125 : i32
      %rem3A_205 = arith.remsi %add3A_203, %rem3A_204 : i32
      %dma_wait3A_206 = arith.constant 1 : i32
      %dma_wait3A_207 = arith.constant 0 : i32
      %dma_wait3A_208 = arith.constant 0 : i32
      %dma_wait3A_209 = tpu.memref_slice %arg2[%dma_wait3A_207, %dma_wait3A_208] : memref<10000x128xf32, #tpu.memory_space<hbm>> -> memref<10000x128xf32, #tpu.memory_space<hbm>>
      %dma_wait3A_210 = tpu.memref_slice %arg8[%dma_wait3A_206] : memref<4x!tpu.dma_semaphore, #tpu.memory_space<semaphore_mem>> -> memref<1x!tpu.dma_semaphore, #tpu.memory_space<semaphore_mem>>
      %dma_wait3A_211 = tpu.memref_squeeze %dma_wait3A_210 : memref<1x!tpu.dma_semaphore, #tpu.memory_space<semaphore_mem>> -> memref<!tpu.dma_semaphore, #tpu.memory_space<semaphore_mem>>
      tpu.wait_indirect_dma semaphore(%dma_wait3A_211 : memref<!tpu.dma_semaphore, #tpu.memory_space<semaphore_mem>>) src(%dma_wait3A_209 : memref<10000x128xf32, #tpu.memory_space<hbm>>) dst(%arg21 : memref<80x128xf32, #tpu.memory_space<vmem>>)
      %dma_wait3A_212 = arith.constant 1 : i32
      %dma_wait3A_213 = tpu.memref_slice %arg4[%mul3A_4] : memref<320000xi32, #tpu.memory_space<hbm>> -> memref<80xi32, #tpu.memory_space<hbm>>
      %dma_wait3A_214 = tpu.memref_slice %arg11[%dma_wait3A_212] : memref<4x!tpu.dma_semaphore, #tpu.memory_space<semaphore_mem>> -> memref<1x!tpu.dma_semaphore, #tpu.memory_space<semaphore_mem>>
      %dma_wait3A_215 = tpu.memref_squeeze %dma_wait3A_214 : memref<1x!tpu.dma_semaphore, #tpu.memory_space<semaphore_mem>> -> memref<!tpu.dma_semaphore, #tpu.memory_space<semaphore_mem>>
      %dma_wait3A_216 = tpu.memref_slice %arg4[%mul3A_4] : memref<320000xi32, #tpu.memory_space<hbm>> -> memref<80xi32, #tpu.memory_space<hbm>>
      tpu.wait_dma2 semaphore(%dma_wait3A_215 : memref<!tpu.dma_semaphore, #tpu.memory_space<semaphore_mem>>) src(%dma_wait3A_216 : memref<80xi32, #tpu.memory_space<hbm>>) dst(%arg17 : memref<80xi32, #tpu.memory_space<vmem>>)
      %dma_start3A_217 = arith.constant 1 : i32
      %dma_start3A_218 = arith.constant 0 : i32
      %dma_start3A_219 = arith.constant 0 : i32
      %dma_start3A_220 = tpu.memref_slice %arg7[%dma_start3A_218, %dma_start3A_219] : memref<10240x128xf32, #tpu.memory_space<vmem_shared>> -> memref<10240x128xf32, #tpu.memory_space<vmem_shared>>
      %dma_start3A_221 = tpu.memref_slice %arg9[%dma_start3A_217] : memref<4x!tpu.dma_semaphore, #tpu.memory_space<semaphore_mem>> -> memref<1x!tpu.dma_semaphore, #tpu.memory_space<semaphore_mem>>
      %dma_start3A_222 = tpu.memref_squeeze %dma_start3A_221 : memref<1x!tpu.dma_semaphore, #tpu.memory_space<semaphore_mem>> -> memref<!tpu.dma_semaphore, #tpu.memory_space<semaphore_mem>>
      tpu.enqueue_indirect_dma source(%arg21 : memref<80x128xf32, #tpu.memory_space<vmem>>) target(%dma_start3A_220 : memref<10240x128xf32, #tpu.memory_space<vmem_shared>>) offsets(%arg17 : memref<80xi32, #tpu.memory_space<vmem>>) semaphore(%dma_start3A_222 : memref<!tpu.dma_semaphore, #tpu.memory_space<semaphore_mem>>) {add = true}
      %mul3A_223 = arith.constant 80 : i32
      %mul3A_224 = arith.muli %rem3A_205, %mul3A_223 : i32
      %add3A_225 = arith.addi %mul3A_4, %mul3A_224 : i32
      %dma_start3A_226 = arith.constant 1 : i32
      %dma_start3A_227 = tpu.memref_slice %arg3[%add3A_225] : memref<320000xi32, #tpu.memory_space<hbm>> -> memref<80xi32, #tpu.memory_space<hbm>>
      %dma_start3A_228 = tpu.memref_slice %arg10[%dma_start3A_226] : memref<4x!tpu.dma_semaphore, #tpu.memory_space<semaphore_mem>> -> memref<1x!tpu.dma_semaphore, #tpu.memory_space<semaphore_mem>>
      %dma_start3A_229 = tpu.memref_squeeze %dma_start3A_228 : memref<1x!tpu.dma_semaphore, #tpu.memory_space<semaphore_mem>> -> memref<!tpu.dma_semaphore, #tpu.memory_space<semaphore_mem>>
      %dma_start3A_230 = tpu.memref_slice %arg3[%add3A_225] : memref<320000xi32, #tpu.memory_space<hbm>> -> memref<80xi32, #tpu.memory_space<hbm>>
      tpu.enqueue_dma source(%dma_start3A_230 : memref<80xi32, #tpu.memory_space<hbm>>) target(%arg13 : memref<80xi32, #tpu.memory_space<vmem>>) target_semaphore(%dma_start3A_229 : memref<!tpu.dma_semaphore, #tpu.memory_space<semaphore_mem>>)
      %mul3A_231 = arith.constant 4 : i32
      %mul3A_232 = arith.muli %scan3A_165, %mul3A_231 : i32
      %add3A_233 = arith.constant 2 : i32
      %add3A_234 = arith.addi %mul3A_232, %add3A_233 : i32
      %add3A_235 = arith.constant 4 : i32
      %add3A_236 = arith.addi %add3A_234, %add3A_235 : i32
      %rem3A_237 = arith.constant 125 : i32
      %rem3A_238 = arith.remsi %add3A_236, %rem3A_237 : i32
      %dma_wait3A_239 = arith.constant 2 : i32
      %dma_wait3A_240 = arith.constant 0 : i32
      %dma_wait3A_241 = arith.constant 0 : i32
      %dma_wait3A_242 = tpu.memref_slice %arg2[%dma_wait3A_240, %dma_wait3A_241] : memref<10000x128xf32, #tpu.memory_space<hbm>> -> memref<10000x128xf32, #tpu.memory_space<hbm>>
      %dma_wait3A_243 = tpu.memref_slice %arg8[%dma_wait3A_239] : memref<4x!tpu.dma_semaphore, #tpu.memory_space<semaphore_mem>> -> memref<1x!tpu.dma_semaphore, #tpu.memory_space<semaphore_mem>>
      %dma_wait3A_244 = tpu.memref_squeeze %dma_wait3A_243 : memref<1x!tpu.dma_semaphore, #tpu.memory_space<semaphore_mem>> -> memref<!tpu.dma_semaphore, #tpu.memory_space<semaphore_mem>>
      tpu.wait_indirect_dma semaphore(%dma_wait3A_244 : memref<!tpu.dma_semaphore, #tpu.memory_space<semaphore_mem>>) src(%dma_wait3A_242 : memref<10000x128xf32, #tpu.memory_space<hbm>>) dst(%arg22 : memref<80x128xf32, #tpu.memory_space<vmem>>)
      %dma_wait3A_245 = arith.constant 2 : i32
      %dma_wait3A_246 = tpu.memref_slice %arg4[%mul3A_4] : memref<320000xi32, #tpu.memory_space<hbm>> -> memref<80xi32, #tpu.memory_space<hbm>>
      %dma_wait3A_247 = tpu.memref_slice %arg11[%dma_wait3A_245] : memref<4x!tpu.dma_semaphore, #tpu.memory_space<semaphore_mem>> -> memref<1x!tpu.dma_semaphore, #tpu.memory_space<semaphore_mem>>
      %dma_wait3A_248 = tpu.memref_squeeze %dma_wait3A_247 : memref<1x!tpu.dma_semaphore, #tpu.memory_space<semaphore_mem>> -> memref<!tpu.dma_semaphore, #tpu.memory_space<semaphore_mem>>
      %dma_wait3A_249 = tpu.memref_slice %arg4[%mul3A_4] : memref<320000xi32, #tpu.memory_space<hbm>> -> memref<80xi32, #tpu.memory_space<hbm>>
      tpu.wait_dma2 semaphore(%dma_wait3A_248 : memref<!tpu.dma_semaphore, #tpu.memory_space<semaphore_mem>>) src(%dma_wait3A_249 : memref<80xi32, #tpu.memory_space<hbm>>) dst(%arg18 : memref<80xi32, #tpu.memory_space<vmem>>)
      %dma_start3A_250 = arith.constant 2 : i32
      %dma_start3A_251 = arith.constant 0 : i32
      %dma_start3A_252 = arith.constant 0 : i32
      %dma_start3A_253 = tpu.memref_slice %arg7[%dma_start3A_251, %dma_start3A_252] : memref<10240x128xf32, #tpu.memory_space<vmem_shared>> -> memref<10240x128xf32, #tpu.memory_space<vmem_shared>>
      %dma_start3A_254 = tpu.memref_slice %arg9[%dma_start3A_250] : memref<4x!tpu.dma_semaphore, #tpu.memory_space<semaphore_mem>> -> memref<1x!tpu.dma_semaphore, #tpu.memory_space<semaphore_mem>>
      %dma_start3A_255 = tpu.memref_squeeze %dma_start3A_254 : memref<1x!tpu.dma_semaphore, #tpu.memory_space<semaphore_mem>> -> memref<!tpu.dma_semaphore, #tpu.memory_space<semaphore_mem>>
      tpu.enqueue_indirect_dma source(%arg22 : memref<80x128xf32, #tpu.memory_space<vmem>>) target(%dma_start3A_253 : memref<10240x128xf32, #tpu.memory_space<vmem_shared>>) offsets(%arg18 : memref<80xi32, #tpu.memory_space<vmem>>) semaphore(%dma_start3A_255 : memref<!tpu.dma_semaphore, #tpu.memory_space<semaphore_mem>>) {add = true}
      %mul3A_256 = arith.constant 80 : i32
      %mul3A_257 = arith.muli %rem3A_238, %mul3A_256 : i32
      %add3A_258 = arith.addi %mul3A_4, %mul3A_257 : i32
      %dma_start3A_259 = arith.constant 2 : i32
      %dma_start3A_260 = tpu.memref_slice %arg3[%add3A_258] : memref<320000xi32, #tpu.memory_space<hbm>> -> memref<80xi32, #tpu.memory_space<hbm>>
      %dma_start3A_261 = tpu.memref_slice %arg10[%dma_start3A_259] : memref<4x!tpu.dma_semaphore, #tpu.memory_space<semaphore_mem>> -> memref<1x!tpu.dma_semaphore, #tpu.memory_space<semaphore_mem>>
      %dma_start3A_262 = tpu.memref_squeeze %dma_start3A_261 : memref<1x!tpu.dma_semaphore, #tpu.memory_space<semaphore_mem>> -> memref<!tpu.dma_semaphore, #tpu.memory_space<semaphore_mem>>
      %dma_start3A_263 = tpu.memref_slice %arg3[%add3A_258] : memref<320000xi32, #tpu.memory_space<hbm>> -> memref<80xi32, #tpu.memory_space<hbm>>
      tpu.enqueue_dma source(%dma_start3A_263 : memref<80xi32, #tpu.memory_space<hbm>>) target(%arg14 : memref<80xi32, #tpu.memory_space<vmem>>) target_semaphore(%dma_start3A_262 : memref<!tpu.dma_semaphore, #tpu.memory_space<semaphore_mem>>)
      %mul3A_264 = arith.constant 4 : i32
      %mul3A_265 = arith.muli %scan3A_165, %mul3A_264 : i32
      %add3A_266 = arith.constant 3 : i32
      %add3A_267 = arith.addi %mul3A_265, %add3A_266 : i32
      %add3A_268 = arith.constant 4 : i32
      %add3A_269 = arith.addi %add3A_267, %add3A_268 : i32
      %rem3A_270 = arith.constant 125 : i32
      %rem3A_271 = arith.remsi %add3A_269, %rem3A_270 : i32
      %dma_wait3A_272 = arith.constant 3 : i32
      %dma_wait3A_273 = arith.constant 0 : i32
      %dma_wait3A_274 = arith.constant 0 : i32
      %dma_wait3A_275 = tpu.memref_slice %arg2[%dma_wait3A_273, %dma_wait3A_274] : memref<10000x128xf32, #tpu.memory_space<hbm>> -> memref<10000x128xf32, #tpu.memory_space<hbm>>
      %dma_wait3A_276 = tpu.memref_slice %arg8[%dma_wait3A_272] : memref<4x!tpu.dma_semaphore, #tpu.memory_space<semaphore_mem>> -> memref<1x!tpu.dma_semaphore, #tpu.memory_space<semaphore_mem>>
      %dma_wait3A_277 = tpu.memref_squeeze %dma_wait3A_276 : memref<1x!tpu.dma_semaphore, #tpu.memory_space<semaphore_mem>> -> memref<!tpu.dma_semaphore, #tpu.memory_space<semaphore_mem>>
      tpu.wait_indirect_dma semaphore(%dma_wait3A_277 : memref<!tpu.dma_semaphore, #tpu.memory_space<semaphore_mem>>) src(%dma_wait3A_275 : memref<10000x128xf32, #tpu.memory_space<hbm>>) dst(%arg23 : memref<80x128xf32, #tpu.memory_space<vmem>>)
      %dma_wait3A_278 = arith.constant 3 : i32
      %dma_wait3A_279 = tpu.memref_slice %arg4[%mul3A_4] : memref<320000xi32, #tpu.memory_space<hbm>> -> memref<80xi32, #tpu.memory_space<hbm>>
      %dma_wait3A_280 = tpu.memref_slice %arg11[%dma_wait3A_278] : memref<4x!tpu.dma_semaphore, #tpu.memory_space<semaphore_mem>> -> memref<1x!tpu.dma_semaphore, #tpu.memory_space<semaphore_mem>>
      %dma_wait3A_281 = tpu.memref_squeeze %dma_wait3A_280 : memref<1x!tpu.dma_semaphore, #tpu.memory_space<semaphore_mem>> -> memref<!tpu.dma_semaphore, #tpu.memory_space<semaphore_mem>>
      %dma_wait3A_282 = tpu.memref_slice %arg4[%mul3A_4] : memref<320000xi32, #tpu.memory_space<hbm>> -> memref<80xi32, #tpu.memory_space<hbm>>
      tpu.wait_dma2 semaphore(%dma_wait3A_281 : memref<!tpu.dma_semaphore, #tpu.memory_space<semaphore_mem>>) src(%dma_wait3A_282 : memref<80xi32, #tpu.memory_space<hbm>>) dst(%arg19 : memref<80xi32, #tpu.memory_space<vmem>>)
      %dma_start3A_283 = arith.constant 3 : i32
      %dma_start3A_284 = arith.constant 0 : i32
      %dma_start3A_285 = arith.constant 0 : i32
      %dma_start3A_286 = tpu.memref_slice %arg7[%dma_start3A_284, %dma_start3A_285] : memref<10240x128xf32, #tpu.memory_space<vmem_shared>> -> memref<10240x128xf32, #tpu.memory_space<vmem_shared>>
      %dma_start3A_287 = tpu.memref_slice %arg9[%dma_start3A_283] : memref<4x!tpu.dma_semaphore, #tpu.memory_space<semaphore_mem>> -> memref<1x!tpu.dma_semaphore, #tpu.memory_space<semaphore_mem>>
      %dma_start3A_288 = tpu.memref_squeeze %dma_start3A_287 : memref<1x!tpu.dma_semaphore, #tpu.memory_space<semaphore_mem>> -> memref<!tpu.dma_semaphore, #tpu.memory_space<semaphore_mem>>
      tpu.enqueue_indirect_dma source(%arg23 : memref<80x128xf32, #tpu.memory_space<vmem>>) target(%dma_start3A_286 : memref<10240x128xf32, #tpu.memory_space<vmem_shared>>) offsets(%arg19 : memref<80xi32, #tpu.memory_space<vmem>>) semaphore(%dma_start3A_288 : memref<!tpu.dma_semaphore, #tpu.memory_space<semaphore_mem>>) {add = true}
      %mul3A_289 = arith.constant 80 : i32
      %mul3A_290 = arith.muli %rem3A_271, %mul3A_289 : i32
      %add3A_291 = arith.addi %mul3A_4, %mul3A_290 : i32
      %dma_start3A_292 = arith.constant 3 : i32
      %dma_start3A_293 = tpu.memref_slice %arg3[%add3A_291] : memref<320000xi32, #tpu.memory_space<hbm>> -> memref<80xi32, #tpu.memory_space<hbm>>
      %dma_start3A_294 = tpu.memref_slice %arg10[%dma_start3A_292] : memref<4x!tpu.dma_semaphore, #tpu.memory_space<semaphore_mem>> -> memref<1x!tpu.dma_semaphore, #tpu.memory_space<semaphore_mem>>
      %dma_start3A_295 = tpu.memref_squeeze %dma_start3A_294 : memref<1x!tpu.dma_semaphore, #tpu.memory_space<semaphore_mem>> -> memref<!tpu.dma_semaphore, #tpu.memory_space<semaphore_mem>>
      %dma_start3A_296 = tpu.memref_slice %arg3[%add3A_291] : memref<320000xi32, #tpu.memory_space<hbm>> -> memref<80xi32, #tpu.memory_space<hbm>>
      tpu.enqueue_dma source(%dma_start3A_296 : memref<80xi32, #tpu.memory_space<hbm>>) target(%arg15 : memref<80xi32, #tpu.memory_space<vmem>>) target_semaphore(%dma_start3A_295 : memref<!tpu.dma_semaphore, #tpu.memory_space<semaphore_mem>>)
      %mul3A_297 = arith.constant 4 : i32
      %mul3A_298 = arith.muli %scan3A_165, %mul3A_297 : i32
      %add3A_299 = arith.constant 0 : i32
      %add3A_300 = arith.addi %mul3A_298, %add3A_299 : i32
      %add3A_301 = arith.constant 4 : i32
      %add3A_302 = arith.addi %add3A_300, %add3A_301 : i32
      %rem3A_303 = arith.constant 125 : i32
      %rem3A_304 = arith.remsi %add3A_302, %rem3A_303 : i32
      %dma_wait3A_305 = arith.constant 0 : i32
      %dma_wait3A_306 = arith.constant 0 : i32
      %dma_wait3A_307 = arith.constant 0 : i32
      %dma_wait3A_308 = tpu.memref_slice %arg7[%dma_wait3A_306, %dma_wait3A_307] : memref<10240x128xf32, #tpu.memory_space<vmem_shared>> -> memref<10240x128xf32, #tpu.memory_space<vmem_shared>>
      %dma_wait3A_309 = tpu.memref_slice %arg9[%dma_wait3A_305] : memref<4x!tpu.dma_semaphore, #tpu.memory_space<semaphore_mem>> -> memref<1x!tpu.dma_semaphore, #tpu.memory_space<semaphore_mem>>
      %dma_wait3A_310 = tpu.memref_squeeze %dma_wait3A_309 : memref<1x!tpu.dma_semaphore, #tpu.memory_space<semaphore_mem>> -> memref<!tpu.dma_semaphore, #tpu.memory_space<semaphore_mem>>
      tpu.wait_indirect_dma semaphore(%dma_wait3A_310 : memref<!tpu.dma_semaphore, #tpu.memory_space<semaphore_mem>>) src(%arg20 : memref<80x128xf32, #tpu.memory_space<vmem>>) dst(%dma_wait3A_308 : memref<10240x128xf32, #tpu.memory_space<vmem_shared>>)
      %mul3A_311 = arith.constant 80 : i32
      %mul3A_312 = arith.muli %rem3A_304, %mul3A_311 : i32
      %add3A_313 = arith.addi %mul3A_4, %mul3A_312 : i32
      %dma_start3A_314 = arith.constant 0 : i32
      %dma_start3A_315 = tpu.memref_slice %arg4[%add3A_313] : memref<320000xi32, #tpu.memory_space<hbm>> -> memref<80xi32, #tpu.memory_space<hbm>>
      %dma_start3A_316 = tpu.memref_slice %arg11[%dma_start3A_314] : memref<4x!tpu.dma_semaphore, #tpu.memory_space<semaphore_mem>> -> memref<1x!tpu.dma_semaphore, #tpu.memory_space<semaphore_mem>>
      %dma_start3A_317 = tpu.memref_squeeze %dma_start3A_316 : memref<1x!tpu.dma_semaphore, #tpu.memory_space<semaphore_mem>> -> memref<!tpu.dma_semaphore, #tpu.memory_space<semaphore_mem>>
      %dma_start3A_318 = tpu.memref_slice %arg4[%add3A_313] : memref<320000xi32, #tpu.memory_space<hbm>> -> memref<80xi32, #tpu.memory_space<hbm>>
      tpu.enqueue_dma source(%dma_start3A_318 : memref<80xi32, #tpu.memory_space<hbm>>) target(%arg16 : memref<80xi32, #tpu.memory_space<vmem>>) target_semaphore(%dma_start3A_317 : memref<!tpu.dma_semaphore, #tpu.memory_space<semaphore_mem>>)
      %dma_wait3A_319 = arith.constant 0 : i32
      %dma_wait3A_320 = tpu.memref_slice %arg3[%mul3A_4] : memref<320000xi32, #tpu.memory_space<hbm>> -> memref<80xi32, #tpu.memory_space<hbm>>
      %dma_wait3A_321 = tpu.memref_slice %arg10[%dma_wait3A_319] : memref<4x!tpu.dma_semaphore, #tpu.memory_space<semaphore_mem>> -> memref<1x!tpu.dma_semaphore, #tpu.memory_space<semaphore_mem>>
      %dma_wait3A_322 = tpu.memref_squeeze %dma_wait3A_321 : memref<1x!tpu.dma_semaphore, #tpu.memory_space<semaphore_mem>> -> memref<!tpu.dma_semaphore, #tpu.memory_space<semaphore_mem>>
      %dma_wait3A_323 = tpu.memref_slice %arg3[%mul3A_4] : memref<320000xi32, #tpu.memory_space<hbm>> -> memref<80xi32, #tpu.memory_space<hbm>>
      tpu.wait_dma2 semaphore(%dma_wait3A_322 : memref<!tpu.dma_semaphore, #tpu.memory_space<semaphore_mem>>) src(%dma_wait3A_323 : memref<80xi32, #tpu.memory_space<hbm>>) dst(%arg12 : memref<80xi32, #tpu.memory_space<vmem>>)
      %dma_start3A_324 = arith.constant 0 : i32
      %dma_start3A_325 = arith.constant 0 : i32
      %dma_start3A_326 = arith.constant 0 : i32
      %dma_start3A_327 = tpu.memref_slice %arg2[%dma_start3A_325, %dma_start3A_326] : memref<10000x128xf32, #tpu.memory_space<hbm>> -> memref<10000x128xf32, #tpu.memory_space<hbm>>
      %dma_start3A_328 = tpu.memref_slice %arg8[%dma_start3A_324] : memref<4x!tpu.dma_semaphore, #tpu.memory_space<semaphore_mem>> -> memref<1x!tpu.dma_semaphore, #tpu.memory_space<semaphore_mem>>
      %dma_start3A_329 = tpu.memref_squeeze %dma_start3A_328 : memref<1x!tpu.dma_semaphore, #tpu.memory_space<semaphore_mem>> -> memref<!tpu.dma_semaphore, #tpu.memory_space<semaphore_mem>>
      tpu.enqueue_indirect_dma source(%dma_start3A_327 : memref<10000x128xf32, #tpu.memory_space<hbm>>) target(%arg20 : memref<80x128xf32, #tpu.memory_space<vmem>>) offsets(%arg12 : memref<80xi32, #tpu.memory_space<vmem>>) semaphore(%dma_start3A_329 : memref<!tpu.dma_semaphore, #tpu.memory_space<semaphore_mem>>)
      %mul3A_330 = arith.constant 4 : i32
      %mul3A_331 = arith.muli %scan3A_165, %mul3A_330 : i32
      %add3A_332 = arith.constant 1 : i32
      %add3A_333 = arith.addi %mul3A_331, %add3A_332 : i32
      %add3A_334 = arith.constant 4 : i32
      %add3A_335 = arith.addi %add3A_333, %add3A_334 : i32
      %rem3A_336 = arith.constant 125 : i32
      %rem3A_337 = arith.remsi %add3A_335, %rem3A_336 : i32
      %dma_wait3A_338 = arith.constant 1 : i32
      %dma_wait3A_339 = arith.constant 0 : i32
      %dma_wait3A_340 = arith.constant 0 : i32
      %dma_wait3A_341 = tpu.memref_slice %arg7[%dma_wait3A_339, %dma_wait3A_340] : memref<10240x128xf32, #tpu.memory_space<vmem_shared>> -> memref<10240x128xf32, #tpu.memory_space<vmem_shared>>
      %dma_wait3A_342 = tpu.memref_slice %arg9[%dma_wait3A_338] : memref<4x!tpu.dma_semaphore, #tpu.memory_space<semaphore_mem>> -> memref<1x!tpu.dma_semaphore, #tpu.memory_space<semaphore_mem>>
      %dma_wait3A_343 = tpu.memref_squeeze %dma_wait3A_342 : memref<1x!tpu.dma_semaphore, #tpu.memory_space<semaphore_mem>> -> memref<!tpu.dma_semaphore, #tpu.memory_space<semaphore_mem>>
      tpu.wait_indirect_dma semaphore(%dma_wait3A_343 : memref<!tpu.dma_semaphore, #tpu.memory_space<semaphore_mem>>) src(%arg21 : memref<80x128xf32, #tpu.memory_space<vmem>>) dst(%dma_wait3A_341 : memref<10240x128xf32, #tpu.memory_space<vmem_shared>>)
      %mul3A_344 = arith.constant 80 : i32
      %mul3A_345 = arith.muli %rem3A_337, %mul3A_344 : i32
      %add3A_346 = arith.addi %mul3A_4, %mul3A_345 : i32
      %dma_start3A_347 = arith.constant 1 : i32
      %dma_start3A_348 = tpu.memref_slice %arg4[%add3A_346] : memref<320000xi32, #tpu.memory_space<hbm>> -> memref<80xi32, #tpu.memory_space<hbm>>
      %dma_start3A_349 = tpu.memref_slice %arg11[%dma_start3A_347] : memref<4x!tpu.dma_semaphore, #tpu.memory_space<semaphore_mem>> -> memref<1x!tpu.dma_semaphore, #tpu.memory_space<semaphore_mem>>
      %dma_start3A_350 = tpu.memref_squeeze %dma_start3A_349 : memref<1x!tpu.dma_semaphore, #tpu.memory_space<semaphore_mem>> -> memref<!tpu.dma_semaphore, #tpu.memory_space<semaphore_mem>>
      %dma_start3A_351 = tpu.memref_slice %arg4[%add3A_346] : memref<320000xi32, #tpu.memory_space<hbm>> -> memref<80xi32, #tpu.memory_space<hbm>>
      tpu.enqueue_dma source(%dma_start3A_351 : memref<80xi32, #tpu.memory_space<hbm>>) target(%arg17 : memref<80xi32, #tpu.memory_space<vmem>>) target_semaphore(%dma_start3A_350 : memref<!tpu.dma_semaphore, #tpu.memory_space<semaphore_mem>>)
      %dma_wait3A_352 = arith.constant 1 : i32
      %dma_wait3A_353 = tpu.memref_slice %arg3[%mul3A_4] : memref<320000xi32, #tpu.memory_space<hbm>> -> memref<80xi32, #tpu.memory_space<hbm>>
      %dma_wait3A_354 = tpu.memref_slice %arg10[%dma_wait3A_352] : memref<4x!tpu.dma_semaphore, #tpu.memory_space<semaphore_mem>> -> memref<1x!tpu.dma_semaphore, #tpu.memory_space<semaphore_mem>>
      %dma_wait3A_355 = tpu.memref_squeeze %dma_wait3A_354 : memref<1x!tpu.dma_semaphore, #tpu.memory_space<semaphore_mem>> -> memref<!tpu.dma_semaphore, #tpu.memory_space<semaphore_mem>>
      %dma_wait3A_356 = tpu.memref_slice %arg3[%mul3A_4] : memref<320000xi32, #tpu.memory_space<hbm>> -> memref<80xi32, #tpu.memory_space<hbm>>
      tpu.wait_dma2 semaphore(%dma_wait3A_355 : memref<!tpu.dma_semaphore, #tpu.memory_space<semaphore_mem>>) src(%dma_wait3A_356 : memref<80xi32, #tpu.memory_space<hbm>>) dst(%arg13 : memref<80xi32, #tpu.memory_space<vmem>>)
      %dma_start3A_357 = arith.constant 1 : i32
      %dma_start3A_358 = arith.constant 0 : i32
      %dma_start3A_359 = arith.constant 0 : i32
      %dma_start3A_360 = tpu.memref_slice %arg2[%dma_start3A_358, %dma_start3A_359] : memref<10000x128xf32, #tpu.memory_space<hbm>> -> memref<10000x128xf32, #tpu.memory_space<hbm>>
      %dma_start3A_361 = tpu.memref_slice %arg8[%dma_start3A_357] : memref<4x!tpu.dma_semaphore, #tpu.memory_space<semaphore_mem>> -> memref<1x!tpu.dma_semaphore, #tpu.memory_space<semaphore_mem>>
      %dma_start3A_362 = tpu.memref_squeeze %dma_start3A_361 : memref<1x!tpu.dma_semaphore, #tpu.memory_space<semaphore_mem>> -> memref<!tpu.dma_semaphore, #tpu.memory_space<semaphore_mem>>
      tpu.enqueue_indirect_dma source(%dma_start3A_360 : memref<10000x128xf32, #tpu.memory_space<hbm>>) target(%arg21 : memref<80x128xf32, #tpu.memory_space<vmem>>) offsets(%arg13 : memref<80xi32, #tpu.memory_space<vmem>>) semaphore(%dma_start3A_362 : memref<!tpu.dma_semaphore, #tpu.memory_space<semaphore_mem>>)
      %mul3A_363 = arith.constant 4 : i32
      %mul3A_364 = arith.muli %scan3A_165, %mul3A_363 : i32
      %add3A_365 = arith.constant 2 : i32
      %add3A_366 = arith.addi %mul3A_364, %add3A_365 : i32
      %add3A_367 = arith.constant 4 : i32
      %add3A_368 = arith.addi %add3A_366, %add3A_367 : i32
      %rem3A_369 = arith.constant 125 : i32
      %rem3A_370 = arith.remsi %add3A_368, %rem3A_369 : i32
      %dma_wait3A_371 = arith.constant 2 : i32
      %dma_wait3A_372 = arith.constant 0 : i32
      %dma_wait3A_373 = arith.constant 0 : i32
      %dma_wait3A_374 = tpu.memref_slice %arg7[%dma_wait3A_372, %dma_wait3A_373] : memref<10240x128xf32, #tpu.memory_space<vmem_shared>> -> memref<10240x128xf32, #tpu.memory_space<vmem_shared>>
      %dma_wait3A_375 = tpu.memref_slice %arg9[%dma_wait3A_371] : memref<4x!tpu.dma_semaphore, #tpu.memory_space<semaphore_mem>> -> memref<1x!tpu.dma_semaphore, #tpu.memory_space<semaphore_mem>>
      %dma_wait3A_376 = tpu.memref_squeeze %dma_wait3A_375 : memref<1x!tpu.dma_semaphore, #tpu.memory_space<semaphore_mem>> -> memref<!tpu.dma_semaphore, #tpu.memory_space<semaphore_mem>>
      tpu.wait_indirect_dma semaphore(%dma_wait3A_376 : memref<!tpu.dma_semaphore, #tpu.memory_space<semaphore_mem>>) src(%arg22 : memref<80x128xf32, #tpu.memory_space<vmem>>) dst(%dma_wait3A_374 : memref<10240x128xf32, #tpu.memory_space<vmem_shared>>)
      %mul3A_377 = arith.constant 80 : i32
      %mul3A_378 = arith.muli %rem3A_370, %mul3A_377 : i32
      %add3A_379 = arith.addi %mul3A_4, %mul3A_378 : i32
      %dma_start3A_380 = arith.constant 2 : i32
      %dma_start3A_381 = tpu.memref_slice %arg4[%add3A_379] : memref<320000xi32, #tpu.memory_space<hbm>> -> memref<80xi32, #tpu.memory_space<hbm>>
      %dma_start3A_382 = tpu.memref_slice %arg11[%dma_start3A_380] : memref<4x!tpu.dma_semaphore, #tpu.memory_space<semaphore_mem>> -> memref<1x!tpu.dma_semaphore, #tpu.memory_space<semaphore_mem>>
      %dma_start3A_383 = tpu.memref_squeeze %dma_start3A_382 : memref<1x!tpu.dma_semaphore, #tpu.memory_space<semaphore_mem>> -> memref<!tpu.dma_semaphore, #tpu.memory_space<semaphore_mem>>
      %dma_start3A_384 = tpu.memref_slice %arg4[%add3A_379] : memref<320000xi32, #tpu.memory_space<hbm>> -> memref<80xi32, #tpu.memory_space<hbm>>
      tpu.enqueue_dma source(%dma_start3A_384 : memref<80xi32, #tpu.memory_space<hbm>>) target(%arg18 : memref<80xi32, #tpu.memory_space<vmem>>) target_semaphore(%dma_start3A_383 : memref<!tpu.dma_semaphore, #tpu.memory_space<semaphore_mem>>)
      %dma_wait3A_385 = arith.constant 2 : i32
      %dma_wait3A_386 = tpu.memref_slice %arg3[%mul3A_4] : memref<320000xi32, #tpu.memory_space<hbm>> -> memref<80xi32, #tpu.memory_space<hbm>>
      %dma_wait3A_387 = tpu.memref_slice %arg10[%dma_wait3A_385] : memref<4x!tpu.dma_semaphore, #tpu.memory_space<semaphore_mem>> -> memref<1x!tpu.dma_semaphore, #tpu.memory_space<semaphore_mem>>
      %dma_wait3A_388 = tpu.memref_squeeze %dma_wait3A_387 : memref<1x!tpu.dma_semaphore, #tpu.memory_space<semaphore_mem>> -> memref<!tpu.dma_semaphore, #tpu.memory_space<semaphore_mem>>
      %dma_wait3A_389 = tpu.memref_slice %arg3[%mul3A_4] : memref<320000xi32, #tpu.memory_space<hbm>> -> memref<80xi32, #tpu.memory_space<hbm>>
      tpu.wait_dma2 semaphore(%dma_wait3A_388 : memref<!tpu.dma_semaphore, #tpu.memory_space<semaphore_mem>>) src(%dma_wait3A_389 : memref<80xi32, #tpu.memory_space<hbm>>) dst(%arg14 : memref<80xi32, #tpu.memory_space<vmem>>)
      %dma_start3A_390 = arith.constant 2 : i32
      %dma_start3A_391 = arith.constant 0 : i32
      %dma_start3A_392 = arith.constant 0 : i32
      %dma_start3A_393 = tpu.memref_slice %arg2[%dma_start3A_391, %dma_start3A_392] : memref<10000x128xf32, #tpu.memory_space<hbm>> -> memref<10000x128xf32, #tpu.memory_space<hbm>>
      %dma_start3A_394 = tpu.memref_slice %arg8[%dma_start3A_390] : memref<4x!tpu.dma_semaphore, #tpu.memory_space<semaphore_mem>> -> memref<1x!tpu.dma_semaphore, #tpu.memory_space<semaphore_mem>>
      %dma_start3A_395 = tpu.memref_squeeze %dma_start3A_394 : memref<1x!tpu.dma_semaphore, #tpu.memory_space<semaphore_mem>> -> memref<!tpu.dma_semaphore, #tpu.memory_space<semaphore_mem>>
      tpu.enqueue_indirect_dma source(%dma_start3A_393 : memref<10000x128xf32, #tpu.memory_space<hbm>>) target(%arg22 : memref<80x128xf32, #tpu.memory_space<vmem>>) offsets(%arg14 : memref<80xi32, #tpu.memory_space<vmem>>) semaphore(%dma_start3A_395 : memref<!tpu.dma_semaphore, #tpu.memory_space<semaphore_mem>>)
      %mul3A_396 = arith.constant 4 : i32
      %mul3A_397 = arith.muli %scan3A_165, %mul3A_396 : i32
      %add3A_398 = arith.constant 3 : i32
      %add3A_399 = arith.addi %mul3A_397, %add3A_398 : i32
      %add3A_400 = arith.constant 4 : i32
      %add3A_401 = arith.addi %add3A_399, %add3A_400 : i32
      %rem3A_402 = arith.constant 125 : i32
      %rem3A_403 = arith.remsi %add3A_401, %rem3A_402 : i32
      %dma_wait3A_404 = arith.constant 3 : i32
      %dma_wait3A_405 = arith.constant 0 : i32
      %dma_wait3A_406 = arith.constant 0 : i32
      %dma_wait3A_407 = tpu.memref_slice %arg7[%dma_wait3A_405, %dma_wait3A_406] : memref<10240x128xf32, #tpu.memory_space<vmem_shared>> -> memref<10240x128xf32, #tpu.memory_space<vmem_shared>>
      %dma_wait3A_408 = tpu.memref_slice %arg9[%dma_wait3A_404] : memref<4x!tpu.dma_semaphore, #tpu.memory_space<semaphore_mem>> -> memref<1x!tpu.dma_semaphore, #tpu.memory_space<semaphore_mem>>
      %dma_wait3A_409 = tpu.memref_squeeze %dma_wait3A_408 : memref<1x!tpu.dma_semaphore, #tpu.memory_space<semaphore_mem>> -> memref<!tpu.dma_semaphore, #tpu.memory_space<semaphore_mem>>
      tpu.wait_indirect_dma semaphore(%dma_wait3A_409 : memref<!tpu.dma_semaphore, #tpu.memory_space<semaphore_mem>>) src(%arg23 : memref<80x128xf32, #tpu.memory_space<vmem>>) dst(%dma_wait3A_407 : memref<10240x128xf32, #tpu.memory_space<vmem_shared>>)
      %mul3A_410 = arith.constant 80 : i32
      %mul3A_411 = arith.muli %rem3A_403, %mul3A_410 : i32
      %add3A_412 = arith.addi %mul3A_4, %mul3A_411 : i32
      %dma_start3A_413 = arith.constant 3 : i32
      %dma_start3A_414 = tpu.memref_slice %arg4[%add3A_412] : memref<320000xi32, #tpu.memory_space<hbm>> -> memref<80xi32, #tpu.memory_space<hbm>>
      %dma_start3A_415 = tpu.memref_slice %arg11[%dma_start3A_413] : memref<4x!tpu.dma_semaphore, #tpu.memory_space<semaphore_mem>> -> memref<1x!tpu.dma_semaphore, #tpu.memory_space<semaphore_mem>>
      %dma_start3A_416 = tpu.memref_squeeze %dma_start3A_415 : memref<1x!tpu.dma_semaphore, #tpu.memory_space<semaphore_mem>> -> memref<!tpu.dma_semaphore, #tpu.memory_space<semaphore_mem>>
      %dma_start3A_417 = tpu.memref_slice %arg4[%add3A_412] : memref<320000xi32, #tpu.memory_space<hbm>> -> memref<80xi32, #tpu.memory_space<hbm>>
      tpu.enqueue_dma source(%dma_start3A_417 : memref<80xi32, #tpu.memory_space<hbm>>) target(%arg19 : memref<80xi32, #tpu.memory_space<vmem>>) target_semaphore(%dma_start3A_416 : memref<!tpu.dma_semaphore, #tpu.memory_space<semaphore_mem>>)
      %dma_wait3A_418 = arith.constant 3 : i32
      %dma_wait3A_419 = tpu.memref_slice %arg3[%mul3A_4] : memref<320000xi32, #tpu.memory_space<hbm>> -> memref<80xi32, #tpu.memory_space<hbm>>
      %dma_wait3A_420 = tpu.memref_slice %arg10[%dma_wait3A_418] : memref<4x!tpu.dma_semaphore, #tpu.memory_space<semaphore_mem>> -> memref<1x!tpu.dma_semaphore, #tpu.memory_space<semaphore_mem>>
      %dma_wait3A_421 = tpu.memref_squeeze %dma_wait3A_420 : memref<1x!tpu.dma_semaphore, #tpu.memory_space<semaphore_mem>> -> memref<!tpu.dma_semaphore, #tpu.memory_space<semaphore_mem>>
      %dma_wait3A_422 = tpu.memref_slice %arg3[%mul3A_4] : memref<320000xi32, #tpu.memory_space<hbm>> -> memref<80xi32, #tpu.memory_space<hbm>>
      tpu.wait_dma2 semaphore(%dma_wait3A_421 : memref<!tpu.dma_semaphore, #tpu.memory_space<semaphore_mem>>) src(%dma_wait3A_422 : memref<80xi32, #tpu.memory_space<hbm>>) dst(%arg15 : memref<80xi32, #tpu.memory_space<vmem>>)
      %dma_start3A_423 = arith.constant 3 : i32
      %dma_start3A_424 = arith.constant 0 : i32
      %dma_start3A_425 = arith.constant 0 : i32
      %dma_start3A_426 = tpu.memref_slice %arg2[%dma_start3A_424, %dma_start3A_425] : memref<10000x128xf32, #tpu.memory_space<hbm>> -> memref<10000x128xf32, #tpu.memory_space<hbm>>
      %dma_start3A_427 = tpu.memref_slice %arg8[%dma_start3A_423] : memref<4x!tpu.dma_semaphore, #tpu.memory_space<semaphore_mem>> -> memref<1x!tpu.dma_semaphore, #tpu.memory_space<semaphore_mem>>
      %dma_start3A_428 = tpu.memref_squeeze %dma_start3A_427 : memref<1x!tpu.dma_semaphore, #tpu.memory_space<semaphore_mem>> -> memref<!tpu.dma_semaphore, #tpu.memory_space<semaphore_mem>>
      tpu.enqueue_indirect_dma source(%dma_start3A_426 : memref<10000x128xf32, #tpu.memory_space<hbm>>) target(%arg23 : memref<80x128xf32, #tpu.memory_space<vmem>>) offsets(%arg15 : memref<80xi32, #tpu.memory_space<vmem>>) semaphore(%dma_start3A_428 : memref<!tpu.dma_semaphore, #tpu.memory_space<semaphore_mem>>)
    }
    %scan3A_107 = arith.constant 31 : i32
    %dma_wait3A_108 = arith.constant 0 : i32
    %dma_wait3A_109 = arith.constant 0 : i32
    %dma_wait3A_110 = arith.constant 0 : i32
    %dma_wait3A_111 = tpu.memref_slice %arg2[%dma_wait3A_109, %dma_wait3A_110] : memref<10000x128xf32, #tpu.memory_space<hbm>> -> memref<10000x128xf32, #tpu.memory_space<hbm>>
    %dma_wait3A_112 = tpu.memref_slice %arg8[%dma_wait3A_108] : memref<4x!tpu.dma_semaphore, #tpu.memory_space<semaphore_mem>> -> memref<1x!tpu.dma_semaphore, #tpu.memory_space<semaphore_mem>>
    %dma_wait3A_113 = tpu.memref_squeeze %dma_wait3A_112 : memref<1x!tpu.dma_semaphore, #tpu.memory_space<semaphore_mem>> -> memref<!tpu.dma_semaphore, #tpu.memory_space<semaphore_mem>>
    tpu.wait_indirect_dma semaphore(%dma_wait3A_113 : memref<!tpu.dma_semaphore, #tpu.memory_space<semaphore_mem>>) src(%dma_wait3A_111 : memref<10000x128xf32, #tpu.memory_space<hbm>>) dst(%arg20 : memref<80x128xf32, #tpu.memory_space<vmem>>)
    %dma_wait3A_114 = arith.constant 0 : i32
    %dma_wait3A_115 = tpu.memref_slice %arg4[%mul3A_4] : memref<320000xi32, #tpu.memory_space<hbm>> -> memref<80xi32, #tpu.memory_space<hbm>>
    %dma_wait3A_116 = tpu.memref_slice %arg11[%dma_wait3A_114] : memref<4x!tpu.dma_semaphore, #tpu.memory_space<semaphore_mem>> -> memref<1x!tpu.dma_semaphore, #tpu.memory_space<semaphore_mem>>
    %dma_wait3A_117 = tpu.memref_squeeze %dma_wait3A_116 : memref<1x!tpu.dma_semaphore, #tpu.memory_space<semaphore_mem>> -> memref<!tpu.dma_semaphore, #tpu.memory_space<semaphore_mem>>
    %dma_wait3A_118 = tpu.memref_slice %arg4[%mul3A_4] : memref<320000xi32, #tpu.memory_space<hbm>> -> memref<80xi32, #tpu.memory_space<hbm>>
    tpu.wait_dma2 semaphore(%dma_wait3A_117 : memref<!tpu.dma_semaphore, #tpu.memory_space<semaphore_mem>>) src(%dma_wait3A_118 : memref<80xi32, #tpu.memory_space<hbm>>) dst(%arg16 : memref<80xi32, #tpu.memory_space<vmem>>)
    %dma_start3A_119 = arith.constant 0 : i32
    %dma_start3A_120 = arith.constant 0 : i32
    %dma_start3A_121 = arith.constant 0 : i32
    %dma_start3A_122 = tpu.memref_slice %arg7[%dma_start3A_120, %dma_start3A_121] : memref<10240x128xf32, #tpu.memory_space<vmem_shared>> -> memref<10240x128xf32, #tpu.memory_space<vmem_shared>>
    %dma_start3A_123 = tpu.memref_slice %arg9[%dma_start3A_119] : memref<4x!tpu.dma_semaphore, #tpu.memory_space<semaphore_mem>> -> memref<1x!tpu.dma_semaphore, #tpu.memory_space<semaphore_mem>>
    %dma_start3A_124 = tpu.memref_squeeze %dma_start3A_123 : memref<1x!tpu.dma_semaphore, #tpu.memory_space<semaphore_mem>> -> memref<!tpu.dma_semaphore, #tpu.memory_space<semaphore_mem>>
    tpu.enqueue_indirect_dma source(%arg20 : memref<80x128xf32, #tpu.memory_space<vmem>>) target(%dma_start3A_122 : memref<10240x128xf32, #tpu.memory_space<vmem_shared>>) offsets(%arg16 : memref<80xi32, #tpu.memory_space<vmem>>) semaphore(%dma_start3A_124 : memref<!tpu.dma_semaphore, #tpu.memory_space<semaphore_mem>>) {add = true}
    %dma_wait3A_125 = arith.constant 0 : i32
    %dma_wait3A_126 = arith.constant 0 : i32
    %dma_wait3A_127 = arith.constant 0 : i32
    %dma_wait3A_128 = tpu.memref_slice %arg7[%dma_wait3A_126, %dma_wait3A_127] : memref<10240x128xf32, #tpu.memory_space<vmem_shared>> -> memref<10240x128xf32, #tpu.memory_space<vmem_shared>>
    %dma_wait3A_129 = tpu.memref_slice %arg9[%dma_wait3A_125] : memref<4x!tpu.dma_semaphore, #tpu.memory_space<semaphore_mem>> -> memref<1x!tpu.dma_semaphore, #tpu.memory_space<semaphore_mem>>
    %dma_wait3A_130 = tpu.memref_squeeze %dma_wait3A_129 : memref<1x!tpu.dma_semaphore, #tpu.memory_space<semaphore_mem>> -> memref<!tpu.dma_semaphore, #tpu.memory_space<semaphore_mem>>
    tpu.wait_indirect_dma semaphore(%dma_wait3A_130 : memref<!tpu.dma_semaphore, #tpu.memory_space<semaphore_mem>>) src(%arg20 : memref<80x128xf32, #tpu.memory_space<vmem>>) dst(%dma_wait3A_128 : memref<10240x128xf32, #tpu.memory_space<vmem_shared>>)
    %dma_wait3A_131 = arith.constant 1 : i32
    %dma_wait3A_132 = arith.constant 0 : i32
    %dma_wait3A_133 = arith.constant 0 : i32
    %dma_wait3A_134 = tpu.memref_slice %arg2[%dma_wait3A_132, %dma_wait3A_133] : memref<10000x128xf32, #tpu.memory_space<hbm>> -> memref<10000x128xf32, #tpu.memory_space<hbm>>
    %dma_wait3A_135 = tpu.memref_slice %arg8[%dma_wait3A_131] : memref<4x!tpu.dma_semaphore, #tpu.memory_space<semaphore_mem>> -> memref<1x!tpu.dma_semaphore, #tpu.memory_space<semaphore_mem>>
    %dma_wait3A_136 = tpu.memref_squeeze %dma_wait3A_135 : memref<1x!tpu.dma_semaphore, #tpu.memory_space<semaphore_mem>> -> memref<!tpu.dma_semaphore, #tpu.memory_space<semaphore_mem>>
    tpu.wait_indirect_dma semaphore(%dma_wait3A_136 : memref<!tpu.dma_semaphore, #tpu.memory_space<semaphore_mem>>) src(%dma_wait3A_134 : memref<10000x128xf32, #tpu.memory_space<hbm>>) dst(%arg21 : memref<80x128xf32, #tpu.memory_space<vmem>>)
    %dma_wait3A_137 = arith.constant 1 : i32
    %dma_wait3A_138 = tpu.memref_slice %arg4[%mul3A_4] : memref<320000xi32, #tpu.memory_space<hbm>> -> memref<80xi32, #tpu.memory_space<hbm>>
    %dma_wait3A_139 = tpu.memref_slice %arg11[%dma_wait3A_137] : memref<4x!tpu.dma_semaphore, #tpu.memory_space<semaphore_mem>> -> memref<1x!tpu.dma_semaphore, #tpu.memory_space<semaphore_mem>>
    %dma_wait3A_140 = tpu.memref_squeeze %dma_wait3A_139 : memref<1x!tpu.dma_semaphore, #tpu.memory_space<semaphore_mem>> -> memref<!tpu.dma_semaphore, #tpu.memory_space<semaphore_mem>>
    %dma_wait3A_141 = tpu.memref_slice %arg4[%mul3A_4] : memref<320000xi32, #tpu.memory_space<hbm>> -> memref<80xi32, #tpu.memory_space<hbm>>
    tpu.wait_dma2 semaphore(%dma_wait3A_140 : memref<!tpu.dma_semaphore, #tpu.memory_space<semaphore_mem>>) src(%dma_wait3A_141 : memref<80xi32, #tpu.memory_space<hbm>>) dst(%arg17 : memref<80xi32, #tpu.memory_space<vmem>>)
    %dma_wait3A_142 = arith.constant 2 : i32
    %dma_wait3A_143 = arith.constant 0 : i32
    %dma_wait3A_144 = arith.constant 0 : i32
    %dma_wait3A_145 = tpu.memref_slice %arg2[%dma_wait3A_143, %dma_wait3A_144] : memref<10000x128xf32, #tpu.memory_space<hbm>> -> memref<10000x128xf32, #tpu.memory_space<hbm>>
    %dma_wait3A_146 = tpu.memref_slice %arg8[%dma_wait3A_142] : memref<4x!tpu.dma_semaphore, #tpu.memory_space<semaphore_mem>> -> memref<1x!tpu.dma_semaphore, #tpu.memory_space<semaphore_mem>>
    %dma_wait3A_147 = tpu.memref_squeeze %dma_wait3A_146 : memref<1x!tpu.dma_semaphore, #tpu.memory_space<semaphore_mem>> -> memref<!tpu.dma_semaphore, #tpu.memory_space<semaphore_mem>>
    tpu.wait_indirect_dma semaphore(%dma_wait3A_147 : memref<!tpu.dma_semaphore, #tpu.memory_space<semaphore_mem>>) src(%dma_wait3A_145 : memref<10000x128xf32, #tpu.memory_space<hbm>>) dst(%arg22 : memref<80x128xf32, #tpu.memory_space<vmem>>)
    %dma_wait3A_148 = arith.constant 2 : i32
    %dma_wait3A_149 = tpu.memref_slice %arg4[%mul3A_4] : memref<320000xi32, #tpu.memory_space<hbm>> -> memref<80xi32, #tpu.memory_space<hbm>>
    %dma_wait3A_150 = tpu.memref_slice %arg11[%dma_wait3A_148] : memref<4x!tpu.dma_semaphore, #tpu.memory_space<semaphore_mem>> -> memref<1x!tpu.dma_semaphore, #tpu.memory_space<semaphore_mem>>
    %dma_wait3A_151 = tpu.memref_squeeze %dma_wait3A_150 : memref<1x!tpu.dma_semaphore, #tpu.memory_space<semaphore_mem>> -> memref<!tpu.dma_semaphore, #tpu.memory_space<semaphore_mem>>
    %dma_wait3A_152 = tpu.memref_slice %arg4[%mul3A_4] : memref<320000xi32, #tpu.memory_space<hbm>> -> memref<80xi32, #tpu.memory_space<hbm>>
    tpu.wait_dma2 semaphore(%dma_wait3A_151 : memref<!tpu.dma_semaphore, #tpu.memory_space<semaphore_mem>>) src(%dma_wait3A_152 : memref<80xi32, #tpu.memory_space<hbm>>) dst(%arg18 : memref<80xi32, #tpu.memory_space<vmem>>)
    %dma_wait3A_153 = arith.constant 3 : i32
    %dma_wait3A_154 = arith.constant 0 : i32
    %dma_wait3A_155 = arith.constant 0 : i32
    %dma_wait3A_156 = tpu.memref_slice %arg2[%dma_wait3A_154, %dma_wait3A_155] : memref<10000x128xf32, #tpu.memory_space<hbm>> -> memref<10000x128xf32, #tpu.memory_space<hbm>>
    %dma_wait3A_157 = tpu.memref_slice %arg8[%dma_wait3A_153] : memref<4x!tpu.dma_semaphore, #tpu.memory_space<semaphore_mem>> -> memref<1x!tpu.dma_semaphore, #tpu.memory_space<semaphore_mem>>
    %dma_wait3A_158 = tpu.memref_squeeze %dma_wait3A_157 : memref<1x!tpu.dma_semaphore, #tpu.memory_space<semaphore_mem>> -> memref<!tpu.dma_semaphore, #tpu.memory_space<semaphore_mem>>
    tpu.wait_indirect_dma semaphore(%dma_wait3A_158 : memref<!tpu.dma_semaphore, #tpu.memory_space<semaphore_mem>>) src(%dma_wait3A_156 : memref<10000x128xf32, #tpu.memory_space<hbm>>) dst(%arg23 : memref<80x128xf32, #tpu.memory_space<vmem>>)
    %dma_wait3A_159 = arith.constant 3 : i32
    %dma_wait3A_160 = tpu.memref_slice %arg4[%mul3A_4] : memref<320000xi32, #tpu.memory_space<hbm>> -> memref<80xi32, #tpu.memory_space<hbm>>
    %dma_wait3A_161 = tpu.memref_slice %arg11[%dma_wait3A_159] : memref<4x!tpu.dma_semaphore, #tpu.memory_space<semaphore_mem>> -> memref<1x!tpu.dma_semaphore, #tpu.memory_space<semaphore_mem>>
    %dma_wait3A_162 = tpu.memref_squeeze %dma_wait3A_161 : memref<1x!tpu.dma_semaphore, #tpu.memory_space<semaphore_mem>> -> memref<!tpu.dma_semaphore, #tpu.memory_space<semaphore_mem>>
    %dma_wait3A_163 = tpu.memref_slice %arg4[%mul3A_4] : memref<320000xi32, #tpu.memory_space<hbm>> -> memref<80xi32, #tpu.memory_space<hbm>>
    tpu.wait_dma2 semaphore(%dma_wait3A_162 : memref<!tpu.dma_semaphore, #tpu.memory_space<semaphore_mem>>) src(%dma_wait3A_163 : memref<80xi32, #tpu.memory_space<hbm>>) dst(%arg19 : memref<80xi32, #tpu.memory_space<vmem>>)
    %barrier3A_164 = arith.constant 0 : index
    tpu.barrier barrier_id(%barrier3A_164)
    "tpu.region"() ({
      %run_scoped3A = tpu.sem_alloc : memref<!tpu.dma_semaphore, #tpu.memory_space<semaphore_mem>>
      %dma_start3A_165 = arith.constant 0 : i32
      %dma_start3A_166 = tpu.memref_slice %arg6[%arg0, %mul3A_2, %dma_start3A_165] : memref<2x10240x128xf32, #tpu.memory_space<hbm>> -> memref<1x640x128xf32, #tpu.memory_space<hbm>>
      %dma_start3A_167 = tpu.memref_squeeze %dma_start3A_166 : memref<1x640x128xf32, #tpu.memory_space<hbm>> -> memref<640x128xf32, #tpu.memory_space<hbm>>
      %dma_start3A_168 = arith.constant 0 : i32
      %dma_start3A_169 = tpu.memref_slice %arg7[%mul3A_2, %dma_start3A_168] : memref<10240x128xf32, #tpu.memory_space<vmem_shared>> -> memref<640x128xf32, #tpu.memory_space<vmem_shared>>
      tpu.enqueue_dma source(%dma_start3A_169 : memref<640x128xf32, #tpu.memory_space<vmem_shared>>) target(%dma_start3A_167 : memref<640x128xf32, #tpu.memory_space<hbm>>) target_semaphore(%run_scoped3A : memref<!tpu.dma_semaphore, #tpu.memory_space<semaphore_mem>>)
      %dma_wait3A_170 = arith.constant 0 : i32
      %dma_wait3A_171 = tpu.memref_slice %arg6[%arg0, %mul3A_2, %dma_wait3A_170] : memref<2x10240x128xf32, #tpu.memory_space<hbm>> -> memref<1x640x128xf32, #tpu.memory_space<hbm>>
      %dma_wait3A_172 = tpu.memref_squeeze %dma_wait3A_171 : memref<1x640x128xf32, #tpu.memory_space<hbm>> -> memref<640x128xf32, #tpu.memory_space<hbm>>
      %dma_wait3A_173 = arith.constant 0 : i32
      %dma_wait3A_174 = tpu.memref_slice %arg7[%mul3A_2, %dma_wait3A_173] : memref<10240x128xf32, #tpu.memory_space<vmem_shared>> -> memref<640x128xf32, #tpu.memory_space<vmem_shared>>
      tpu.wait_dma2 semaphore(%run_scoped3A : memref<!tpu.dma_semaphore, #tpu.memory_space<semaphore_mem>>) src(%dma_wait3A_174 : memref<640x128xf32, #tpu.memory_space<vmem_shared>>) dst(%dma_wait3A_172 : memref<640x128xf32, #tpu.memory_space<hbm>>)
      tpu.yield
    }) : () -> ()
    return
  }
}

#map = affine_map<(d0, d1) -> (0, 0)>
#map1 = affine_map<(d0, d1) -> (0)>
#map2 = affine_map<(d0, d1) -> (0, 0, 0)>
module attributes {stable_mosaic.version = 14 : i64} {
  func.func @_prop_body(%arg0: i32, %arg1: i32, %arg2: memref<10000x128xf32, #tpu.memory_space<hbm>>, %arg3: memref<320000xi32, #tpu.memory_space<hbm>>, %arg4: memref<320000xi32, #tpu.memory_space<hbm>>, %arg5: memref<640x128xf32, #tpu.memory_space<hbm>>, %arg6: memref<2x10240x128xf32, #tpu.memory_space<hbm>>, %arg7: memref<10240x128xf32, #tpu.memory_space<vmem_shared>>, %arg8: memref<4x!tpu.dma_semaphore, #tpu.memory_space<semaphore_mem>>, %arg9: memref<4x!tpu.dma_semaphore, #tpu.memory_space<semaphore_mem>>, %arg10: memref<4x!tpu.dma_semaphore, #tpu.memory_space<semaphore_mem>>, %arg11: memref<4x!tpu.dma_semaphore, #tpu.memory_space<semaphore_mem>>, %arg12: memref<80xi32, #tpu.memory_space<vmem>>, %arg13: memref<80xi32, #tpu.memory_space<vmem>>, %arg14: memref<80xi32, #tpu.memory_space<vmem>>, %arg15: memref<80xi32, #tpu.memory_space<vmem>>, %arg16: memref<80xi32, #tpu.memory_space<vmem>>, %arg17: memref<80xi32, #tpu.memory_space<vmem>>, %arg18: memref<80xi32, #tpu.memory_space<vmem>>, %arg19: memref<80xi32, #tpu.memory_space<vmem>>, %arg20: memref<80x128xf32, #tpu.memory_space<vmem>>, %arg21: memref<80x128xf32, #tpu.memory_space<vmem>>, %arg22: memref<80x128xf32, #tpu.memory_space<vmem>>, %arg23: memref<80x128xf32, #tpu.memory_space<vmem>>) attributes {dimension_semantics = [#tpu.dimension_semantics<core_parallel>, #tpu.dimension_semantics<subcore_parallel>], iteration_bounds = array<i64: 2, 16>, scalar_prefetch = 0 : i64, scratch_operands = 17 : i64, tpu.core_type = #tpu.core_type<sc_vector_subcore>, window_params = [{transform_indices = #map}, {transform_indices = #map1}, {transform_indices = #map1}, {transform_indices = #map}, {transform_indices = #map2}]} {
    %mul3A = arith.constant 2 : i32
    %mul3A_0 = arith.muli %arg1, %mul3A : i32
    %add3A = arith.addi %mul3A_0, %arg0 : i32
    %mul3A_1 = arith.constant 640 : i32
    %mul3A_2 = arith.muli %arg1, %mul3A_1 : i32
    %mul3A_3 = arith.constant 10000 : i32
    %mul3A_4 = arith.muli %add3A, %mul3A_3 : i32
    "tpu.region"() ({
      %run_scoped3A = tpu.sem_alloc : memref<!tpu.dma_semaphore, #tpu.memory_space<semaphore_mem>>
      %dma_start3A_165 = arith.constant 0 : i32
      %dma_start3A_166 = tpu.memref_slice %arg7[%mul3A_2, %dma_start3A_165] : memref<10240x128xf32, #tpu.memory_space<vmem_shared>> -> memref<640x128xf32, #tpu.memory_space<vmem_shared>>
      tpu.enqueue_dma source(%arg5 : memref<640x128xf32, #tpu.memory_space<hbm>>) target(%dma_start3A_166 : memref<640x128xf32, #tpu.memory_space<vmem_shared>>) target_semaphore(%run_scoped3A : memref<!tpu.dma_semaphore, #tpu.memory_space<semaphore_mem>>)
      %dma_wait3A_167 = arith.constant 0 : i32
      %dma_wait3A_168 = tpu.memref_slice %arg7[%mul3A_2, %dma_wait3A_167] : memref<10240x128xf32, #tpu.memory_space<vmem_shared>> -> memref<640x128xf32, #tpu.memory_space<vmem_shared>>
      tpu.wait_dma2 semaphore(%run_scoped3A : memref<!tpu.dma_semaphore, #tpu.memory_space<semaphore_mem>>) src(%arg5 : memref<640x128xf32, #tpu.memory_space<hbm>>) dst(%dma_wait3A_168 : memref<640x128xf32, #tpu.memory_space<vmem_shared>>)
      tpu.yield
    }) : () -> ()
    %barrier3A = arith.constant 0 : index
    tpu.barrier barrier_id(%barrier3A)
    %add3A_5 = arith.constant 0 : i32
    %add3A_6 = arith.addi %mul3A_4, %add3A_5 : i32
    %dma_start3A = arith.constant 0 : i32
    %dma_start3A_7 = tpu.memref_slice %arg3[%add3A_6] : memref<320000xi32, #tpu.memory_space<hbm>> -> memref<80xi32, #tpu.memory_space<hbm>>
    %dma_start3A_8 = tpu.memref_slice %arg10[%dma_start3A] : memref<4x!tpu.dma_semaphore, #tpu.memory_space<semaphore_mem>> -> memref<1x!tpu.dma_semaphore, #tpu.memory_space<semaphore_mem>>
    %dma_start3A_9 = tpu.memref_squeeze %dma_start3A_8 : memref<1x!tpu.dma_semaphore, #tpu.memory_space<semaphore_mem>> -> memref<!tpu.dma_semaphore, #tpu.memory_space<semaphore_mem>>
    %dma_start3A_10 = tpu.memref_slice %arg3[%add3A_6] : memref<320000xi32, #tpu.memory_space<hbm>> -> memref<80xi32, #tpu.memory_space<hbm>>
    tpu.enqueue_dma source(%dma_start3A_10 : memref<80xi32, #tpu.memory_space<hbm>>) target(%arg12 : memref<80xi32, #tpu.memory_space<vmem>>) target_semaphore(%dma_start3A_9 : memref<!tpu.dma_semaphore, #tpu.memory_space<semaphore_mem>>)
    %add3A_11 = arith.constant 0 : i32
    %add3A_12 = arith.addi %mul3A_4, %add3A_11 : i32
    %dma_start3A_13 = arith.constant 0 : i32
    %dma_start3A_14 = tpu.memref_slice %arg4[%add3A_12] : memref<320000xi32, #tpu.memory_space<hbm>> -> memref<80xi32, #tpu.memory_space<hbm>>
    %dma_start3A_15 = tpu.memref_slice %arg11[%dma_start3A_13] : memref<4x!tpu.dma_semaphore, #tpu.memory_space<semaphore_mem>> -> memref<1x!tpu.dma_semaphore, #tpu.memory_space<semaphore_mem>>
    %dma_start3A_16 = tpu.memref_squeeze %dma_start3A_15 : memref<1x!tpu.dma_semaphore, #tpu.memory_space<semaphore_mem>> -> memref<!tpu.dma_semaphore, #tpu.memory_space<semaphore_mem>>
    %dma_start3A_17 = tpu.memref_slice %arg4[%add3A_12] : memref<320000xi32, #tpu.memory_space<hbm>> -> memref<80xi32, #tpu.memory_space<hbm>>
    tpu.enqueue_dma source(%dma_start3A_17 : memref<80xi32, #tpu.memory_space<hbm>>) target(%arg16 : memref<80xi32, #tpu.memory_space<vmem>>) target_semaphore(%dma_start3A_16 : memref<!tpu.dma_semaphore, #tpu.memory_space<semaphore_mem>>)
    %add3A_18 = arith.constant 80 : i32
    %add3A_19 = arith.addi %mul3A_4, %add3A_18 : i32
    %dma_start3A_20 = arith.constant 1 : i32
    %dma_start3A_21 = tpu.memref_slice %arg3[%add3A_19] : memref<320000xi32, #tpu.memory_space<hbm>> -> memref<80xi32, #tpu.memory_space<hbm>>
    %dma_start3A_22 = tpu.memref_slice %arg10[%dma_start3A_20] : memref<4x!tpu.dma_semaphore, #tpu.memory_space<semaphore_mem>> -> memref<1x!tpu.dma_semaphore, #tpu.memory_space<semaphore_mem>>
    %dma_start3A_23 = tpu.memref_squeeze %dma_start3A_22 : memref<1x!tpu.dma_semaphore, #tpu.memory_space<semaphore_mem>> -> memref<!tpu.dma_semaphore, #tpu.memory_space<semaphore_mem>>
    %dma_start3A_24 = tpu.memref_slice %arg3[%add3A_19] : memref<320000xi32, #tpu.memory_space<hbm>> -> memref<80xi32, #tpu.memory_space<hbm>>
    tpu.enqueue_dma source(%dma_start3A_24 : memref<80xi32, #tpu.memory_space<hbm>>) target(%arg13 : memref<80xi32, #tpu.memory_space<vmem>>) target_semaphore(%dma_start3A_23 : memref<!tpu.dma_semaphore, #tpu.memory_space<semaphore_mem>>)
    %add3A_25 = arith.constant 80 : i32
    %add3A_26 = arith.addi %mul3A_4, %add3A_25 : i32
    %dma_start3A_27 = arith.constant 1 : i32
    %dma_start3A_28 = tpu.memref_slice %arg4[%add3A_26] : memref<320000xi32, #tpu.memory_space<hbm>> -> memref<80xi32, #tpu.memory_space<hbm>>
    %dma_start3A_29 = tpu.memref_slice %arg11[%dma_start3A_27] : memref<4x!tpu.dma_semaphore, #tpu.memory_space<semaphore_mem>> -> memref<1x!tpu.dma_semaphore, #tpu.memory_space<semaphore_mem>>
    %dma_start3A_30 = tpu.memref_squeeze %dma_start3A_29 : memref<1x!tpu.dma_semaphore, #tpu.memory_space<semaphore_mem>> -> memref<!tpu.dma_semaphore, #tpu.memory_space<semaphore_mem>>
    %dma_start3A_31 = tpu.memref_slice %arg4[%add3A_26] : memref<320000xi32, #tpu.memory_space<hbm>> -> memref<80xi32, #tpu.memory_space<hbm>>
    tpu.enqueue_dma source(%dma_start3A_31 : memref<80xi32, #tpu.memory_space<hbm>>) target(%arg17 : memref<80xi32, #tpu.memory_space<vmem>>) target_semaphore(%dma_start3A_30 : memref<!tpu.dma_semaphore, #tpu.memory_space<semaphore_mem>>)
    %add3A_32 = arith.constant 160 : i32
    %add3A_33 = arith.addi %mul3A_4, %add3A_32 : i32
    %dma_start3A_34 = arith.constant 2 : i32
    %dma_start3A_35 = tpu.memref_slice %arg3[%add3A_33] : memref<320000xi32, #tpu.memory_space<hbm>> -> memref<80xi32, #tpu.memory_space<hbm>>
    %dma_start3A_36 = tpu.memref_slice %arg10[%dma_start3A_34] : memref<4x!tpu.dma_semaphore, #tpu.memory_space<semaphore_mem>> -> memref<1x!tpu.dma_semaphore, #tpu.memory_space<semaphore_mem>>
    %dma_start3A_37 = tpu.memref_squeeze %dma_start3A_36 : memref<1x!tpu.dma_semaphore, #tpu.memory_space<semaphore_mem>> -> memref<!tpu.dma_semaphore, #tpu.memory_space<semaphore_mem>>
    %dma_start3A_38 = tpu.memref_slice %arg3[%add3A_33] : memref<320000xi32, #tpu.memory_space<hbm>> -> memref<80xi32, #tpu.memory_space<hbm>>
    tpu.enqueue_dma source(%dma_start3A_38 : memref<80xi32, #tpu.memory_space<hbm>>) target(%arg14 : memref<80xi32, #tpu.memory_space<vmem>>) target_semaphore(%dma_start3A_37 : memref<!tpu.dma_semaphore, #tpu.memory_space<semaphore_mem>>)
    %add3A_39 = arith.constant 160 : i32
    %add3A_40 = arith.addi %mul3A_4, %add3A_39 : i32
    %dma_start3A_41 = arith.constant 2 : i32
    %dma_start3A_42 = tpu.memref_slice %arg4[%add3A_40] : memref<320000xi32, #tpu.memory_space<hbm>> -> memref<80xi32, #tpu.memory_space<hbm>>
    %dma_start3A_43 = tpu.memref_slice %arg11[%dma_start3A_41] : memref<4x!tpu.dma_semaphore, #tpu.memory_space<semaphore_mem>> -> memref<1x!tpu.dma_semaphore, #tpu.memory_space<semaphore_mem>>
    %dma_start3A_44 = tpu.memref_squeeze %dma_start3A_43 : memref<1x!tpu.dma_semaphore, #tpu.memory_space<semaphore_mem>> -> memref<!tpu.dma_semaphore, #tpu.memory_space<semaphore_mem>>
    %dma_start3A_45 = tpu.memref_slice %arg4[%add3A_40] : memref<320000xi32, #tpu.memory_space<hbm>> -> memref<80xi32, #tpu.memory_space<hbm>>
    tpu.enqueue_dma source(%dma_start3A_45 : memref<80xi32, #tpu.memory_space<hbm>>) target(%arg18 : memref<80xi32, #tpu.memory_space<vmem>>) target_semaphore(%dma_start3A_44 : memref<!tpu.dma_semaphore, #tpu.memory_space<semaphore_mem>>)
    %add3A_46 = arith.constant 240 : i32
    %add3A_47 = arith.addi %mul3A_4, %add3A_46 : i32
    %dma_start3A_48 = arith.constant 3 : i32
    %dma_start3A_49 = tpu.memref_slice %arg3[%add3A_47] : memref<320000xi32, #tpu.memory_space<hbm>> -> memref<80xi32, #tpu.memory_space<hbm>>
    %dma_start3A_50 = tpu.memref_slice %arg10[%dma_start3A_48] : memref<4x!tpu.dma_semaphore, #tpu.memory_space<semaphore_mem>> -> memref<1x!tpu.dma_semaphore, #tpu.memory_space<semaphore_mem>>
    %dma_start3A_51 = tpu.memref_squeeze %dma_start3A_50 : memref<1x!tpu.dma_semaphore, #tpu.memory_space<semaphore_mem>> -> memref<!tpu.dma_semaphore, #tpu.memory_space<semaphore_mem>>
    %dma_start3A_52 = tpu.memref_slice %arg3[%add3A_47] : memref<320000xi32, #tpu.memory_space<hbm>> -> memref<80xi32, #tpu.memory_space<hbm>>
    tpu.enqueue_dma source(%dma_start3A_52 : memref<80xi32, #tpu.memory_space<hbm>>) target(%arg15 : memref<80xi32, #tpu.memory_space<vmem>>) target_semaphore(%dma_start3A_51 : memref<!tpu.dma_semaphore, #tpu.memory_space<semaphore_mem>>)
    %add3A_53 = arith.constant 240 : i32
    %add3A_54 = arith.addi %mul3A_4, %add3A_53 : i32
    %dma_start3A_55 = arith.constant 3 : i32
    %dma_start3A_56 = tpu.memref_slice %arg4[%add3A_54] : memref<320000xi32, #tpu.memory_space<hbm>> -> memref<80xi32, #tpu.memory_space<hbm>>
    %dma_start3A_57 = tpu.memref_slice %arg11[%dma_start3A_55] : memref<4x!tpu.dma_semaphore, #tpu.memory_space<semaphore_mem>> -> memref<1x!tpu.dma_semaphore, #tpu.memory_space<semaphore_mem>>
    %dma_start3A_58 = tpu.memref_squeeze %dma_start3A_57 : memref<1x!tpu.dma_semaphore, #tpu.memory_space<semaphore_mem>> -> memref<!tpu.dma_semaphore, #tpu.memory_space<semaphore_mem>>
    %dma_start3A_59 = tpu.memref_slice %arg4[%add3A_54] : memref<320000xi32, #tpu.memory_space<hbm>> -> memref<80xi32, #tpu.memory_space<hbm>>
    tpu.enqueue_dma source(%dma_start3A_59 : memref<80xi32, #tpu.memory_space<hbm>>) target(%arg19 : memref<80xi32, #tpu.memory_space<vmem>>) target_semaphore(%dma_start3A_58 : memref<!tpu.dma_semaphore, #tpu.memory_space<semaphore_mem>>)
    %dma_wait3A = arith.constant 0 : i32
    %dma_wait3A_60 = tpu.memref_slice %arg3[%mul3A_4] : memref<320000xi32, #tpu.memory_space<hbm>> -> memref<80xi32, #tpu.memory_space<hbm>>
    %dma_wait3A_61 = tpu.memref_slice %arg10[%dma_wait3A] : memref<4x!tpu.dma_semaphore, #tpu.memory_space<semaphore_mem>> -> memref<1x!tpu.dma_semaphore, #tpu.memory_space<semaphore_mem>>
    %dma_wait3A_62 = tpu.memref_squeeze %dma_wait3A_61 : memref<1x!tpu.dma_semaphore, #tpu.memory_space<semaphore_mem>> -> memref<!tpu.dma_semaphore, #tpu.memory_space<semaphore_mem>>
    %dma_wait3A_63 = tpu.memref_slice %arg3[%mul3A_4] : memref<320000xi32, #tpu.memory_space<hbm>> -> memref<80xi32, #tpu.memory_space<hbm>>
    tpu.wait_dma2 semaphore(%dma_wait3A_62 : memref<!tpu.dma_semaphore, #tpu.memory_space<semaphore_mem>>) src(%dma_wait3A_63 : memref<80xi32, #tpu.memory_space<hbm>>) dst(%arg12 : memref<80xi32, #tpu.memory_space<vmem>>)
    %dma_start3A_64 = arith.constant 0 : i32
    %dma_start3A_65 = arith.constant 0 : i32
    %dma_start3A_66 = arith.constant 0 : i32
    %dma_start3A_67 = tpu.memref_slice %arg2[%dma_start3A_65, %dma_start3A_66] : memref<10000x128xf32, #tpu.memory_space<hbm>> -> memref<10000x128xf32, #tpu.memory_space<hbm>>
    %dma_start3A_68 = tpu.memref_slice %arg8[%dma_start3A_64] : memref<4x!tpu.dma_semaphore, #tpu.memory_space<semaphore_mem>> -> memref<1x!tpu.dma_semaphore, #tpu.memory_space<semaphore_mem>>
    %dma_start3A_69 = tpu.memref_squeeze %dma_start3A_68 : memref<1x!tpu.dma_semaphore, #tpu.memory_space<semaphore_mem>> -> memref<!tpu.dma_semaphore, #tpu.memory_space<semaphore_mem>>
    tpu.enqueue_indirect_dma source(%dma_start3A_67 : memref<10000x128xf32, #tpu.memory_space<hbm>>) target(%arg20 : memref<80x128xf32, #tpu.memory_space<vmem>>) offsets(%arg12 : memref<80xi32, #tpu.memory_space<vmem>>) semaphore(%dma_start3A_69 : memref<!tpu.dma_semaphore, #tpu.memory_space<semaphore_mem>>)
    %dma_wait3A_70 = arith.constant 1 : i32
    %dma_wait3A_71 = tpu.memref_slice %arg3[%mul3A_4] : memref<320000xi32, #tpu.memory_space<hbm>> -> memref<80xi32, #tpu.memory_space<hbm>>
    %dma_wait3A_72 = tpu.memref_slice %arg10[%dma_wait3A_70] : memref<4x!tpu.dma_semaphore, #tpu.memory_space<semaphore_mem>> -> memref<1x!tpu.dma_semaphore, #tpu.memory_space<semaphore_mem>>
    %dma_wait3A_73 = tpu.memref_squeeze %dma_wait3A_72 : memref<1x!tpu.dma_semaphore, #tpu.memory_space<semaphore_mem>> -> memref<!tpu.dma_semaphore, #tpu.memory_space<semaphore_mem>>
    %dma_wait3A_74 = tpu.memref_slice %arg3[%mul3A_4] : memref<320000xi32, #tpu.memory_space<hbm>> -> memref<80xi32, #tpu.memory_space<hbm>>
    tpu.wait_dma2 semaphore(%dma_wait3A_73 : memref<!tpu.dma_semaphore, #tpu.memory_space<semaphore_mem>>) src(%dma_wait3A_74 : memref<80xi32, #tpu.memory_space<hbm>>) dst(%arg13 : memref<80xi32, #tpu.memory_space<vmem>>)
    %dma_start3A_75 = arith.constant 1 : i32
    %dma_start3A_76 = arith.constant 0 : i32
    %dma_start3A_77 = arith.constant 0 : i32
    %dma_start3A_78 = tpu.memref_slice %arg2[%dma_start3A_76, %dma_start3A_77] : memref<10000x128xf32, #tpu.memory_space<hbm>> -> memref<10000x128xf32, #tpu.memory_space<hbm>>
    %dma_start3A_79 = tpu.memref_slice %arg8[%dma_start3A_75] : memref<4x!tpu.dma_semaphore, #tpu.memory_space<semaphore_mem>> -> memref<1x!tpu.dma_semaphore, #tpu.memory_space<semaphore_mem>>
    %dma_start3A_80 = tpu.memref_squeeze %dma_start3A_79 : memref<1x!tpu.dma_semaphore, #tpu.memory_space<semaphore_mem>> -> memref<!tpu.dma_semaphore, #tpu.memory_space<semaphore_mem>>
    tpu.enqueue_indirect_dma source(%dma_start3A_78 : memref<10000x128xf32, #tpu.memory_space<hbm>>) target(%arg21 : memref<80x128xf32, #tpu.memory_space<vmem>>) offsets(%arg13 : memref<80xi32, #tpu.memory_space<vmem>>) semaphore(%dma_start3A_80 : memref<!tpu.dma_semaphore, #tpu.memory_space<semaphore_mem>>)
    %dma_wait3A_81 = arith.constant 2 : i32
    %dma_wait3A_82 = tpu.memref_slice %arg3[%mul3A_4] : memref<320000xi32, #tpu.memory_space<hbm>> -> memref<80xi32, #tpu.memory_space<hbm>>
    %dma_wait3A_83 = tpu.memref_slice %arg10[%dma_wait3A_81] : memref<4x!tpu.dma_semaphore, #tpu.memory_space<semaphore_mem>> -> memref<1x!tpu.dma_semaphore, #tpu.memory_space<semaphore_mem>>
    %dma_wait3A_84 = tpu.memref_squeeze %dma_wait3A_83 : memref<1x!tpu.dma_semaphore, #tpu.memory_space<semaphore_mem>> -> memref<!tpu.dma_semaphore, #tpu.memory_space<semaphore_mem>>
    %dma_wait3A_85 = tpu.memref_slice %arg3[%mul3A_4] : memref<320000xi32, #tpu.memory_space<hbm>> -> memref<80xi32, #tpu.memory_space<hbm>>
    tpu.wait_dma2 semaphore(%dma_wait3A_84 : memref<!tpu.dma_semaphore, #tpu.memory_space<semaphore_mem>>) src(%dma_wait3A_85 : memref<80xi32, #tpu.memory_space<hbm>>) dst(%arg14 : memref<80xi32, #tpu.memory_space<vmem>>)
    %dma_start3A_86 = arith.constant 2 : i32
    %dma_start3A_87 = arith.constant 0 : i32
    %dma_start3A_88 = arith.constant 0 : i32
    %dma_start3A_89 = tpu.memref_slice %arg2[%dma_start3A_87, %dma_start3A_88] : memref<10000x128xf32, #tpu.memory_space<hbm>> -> memref<10000x128xf32, #tpu.memory_space<hbm>>
    %dma_start3A_90 = tpu.memref_slice %arg8[%dma_start3A_86] : memref<4x!tpu.dma_semaphore, #tpu.memory_space<semaphore_mem>> -> memref<1x!tpu.dma_semaphore, #tpu.memory_space<semaphore_mem>>
    %dma_start3A_91 = tpu.memref_squeeze %dma_start3A_90 : memref<1x!tpu.dma_semaphore, #tpu.memory_space<semaphore_mem>> -> memref<!tpu.dma_semaphore, #tpu.memory_space<semaphore_mem>>
    tpu.enqueue_indirect_dma source(%dma_start3A_89 : memref<10000x128xf32, #tpu.memory_space<hbm>>) target(%arg22 : memref<80x128xf32, #tpu.memory_space<vmem>>) offsets(%arg14 : memref<80xi32, #tpu.memory_space<vmem>>) semaphore(%dma_start3A_91 : memref<!tpu.dma_semaphore, #tpu.memory_space<semaphore_mem>>)
    %dma_wait3A_92 = arith.constant 3 : i32
    %dma_wait3A_93 = tpu.memref_slice %arg3[%mul3A_4] : memref<320000xi32, #tpu.memory_space<hbm>> -> memref<80xi32, #tpu.memory_space<hbm>>
    %dma_wait3A_94 = tpu.memref_slice %arg10[%dma_wait3A_92] : memref<4x!tpu.dma_semaphore, #tpu.memory_space<semaphore_mem>> -> memref<1x!tpu.dma_semaphore, #tpu.memory_space<semaphore_mem>>
    %dma_wait3A_95 = tpu.memref_squeeze %dma_wait3A_94 : memref<1x!tpu.dma_semaphore, #tpu.memory_space<semaphore_mem>> -> memref<!tpu.dma_semaphore, #tpu.memory_space<semaphore_mem>>
    %dma_wait3A_96 = tpu.memref_slice %arg3[%mul3A_4] : memref<320000xi32, #tpu.memory_space<hbm>> -> memref<80xi32, #tpu.memory_space<hbm>>
    tpu.wait_dma2 semaphore(%dma_wait3A_95 : memref<!tpu.dma_semaphore, #tpu.memory_space<semaphore_mem>>) src(%dma_wait3A_96 : memref<80xi32, #tpu.memory_space<hbm>>) dst(%arg15 : memref<80xi32, #tpu.memory_space<vmem>>)
    %dma_start3A_97 = arith.constant 3 : i32
    %dma_start3A_98 = arith.constant 0 : i32
    %dma_start3A_99 = arith.constant 0 : i32
    %dma_start3A_100 = tpu.memref_slice %arg2[%dma_start3A_98, %dma_start3A_99] : memref<10000x128xf32, #tpu.memory_space<hbm>> -> memref<10000x128xf32, #tpu.memory_space<hbm>>
    %dma_start3A_101 = tpu.memref_slice %arg8[%dma_start3A_97] : memref<4x!tpu.dma_semaphore, #tpu.memory_space<semaphore_mem>> -> memref<1x!tpu.dma_semaphore, #tpu.memory_space<semaphore_mem>>
    %dma_start3A_102 = tpu.memref_squeeze %dma_start3A_101 : memref<1x!tpu.dma_semaphore, #tpu.memory_space<semaphore_mem>> -> memref<!tpu.dma_semaphore, #tpu.memory_space<semaphore_mem>>
    tpu.enqueue_indirect_dma source(%dma_start3A_100 : memref<10000x128xf32, #tpu.memory_space<hbm>>) target(%arg23 : memref<80x128xf32, #tpu.memory_space<vmem>>) offsets(%arg15 : memref<80xi32, #tpu.memory_space<vmem>>) semaphore(%dma_start3A_102 : memref<!tpu.dma_semaphore, #tpu.memory_space<semaphore_mem>>)
    %scan3A = arith.constant 0 : i32
    %scan3A_103 = arith.constant 0 : i32
    %scan3A_104 = arith.constant 31 : i32
    %scan3A_105 = arith.addi %scan3A_103, %scan3A_104 : i32
    %scan3A_106 = arith.constant 1 : i32
    scf.for %scan3A_165 = %scan3A_103 to %scan3A_105 step %scan3A_106  : i32 {
      %mul3A_166 = arith.constant 4 : i32
      %mul3A_167 = arith.muli %scan3A_165, %mul3A_166 : i32
      %add3A_168 = arith.constant 0 : i32
      %add3A_169 = arith.addi %mul3A_167, %add3A_168 : i32
      %add3A_170 = arith.constant 4 : i32
      %add3A_171 = arith.addi %add3A_169, %add3A_170 : i32
      %rem3A = arith.constant 125 : i32
      %rem3A_172 = arith.remsi %add3A_171, %rem3A : i32
      %dma_wait3A_173 = arith.constant 0 : i32
      %dma_wait3A_174 = arith.constant 0 : i32
      %dma_wait3A_175 = arith.constant 0 : i32
      %dma_wait3A_176 = tpu.memref_slice %arg2[%dma_wait3A_174, %dma_wait3A_175] : memref<10000x128xf32, #tpu.memory_space<hbm>> -> memref<10000x128xf32, #tpu.memory_space<hbm>>
      %dma_wait3A_177 = tpu.memref_slice %arg8[%dma_wait3A_173] : memref<4x!tpu.dma_semaphore, #tpu.memory_space<semaphore_mem>> -> memref<1x!tpu.dma_semaphore, #tpu.memory_space<semaphore_mem>>
      %dma_wait3A_178 = tpu.memref_squeeze %dma_wait3A_177 : memref<1x!tpu.dma_semaphore, #tpu.memory_space<semaphore_mem>> -> memref<!tpu.dma_semaphore, #tpu.memory_space<semaphore_mem>>
      tpu.wait_indirect_dma semaphore(%dma_wait3A_178 : memref<!tpu.dma_semaphore, #tpu.memory_space<semaphore_mem>>) src(%dma_wait3A_176 : memref<10000x128xf32, #tpu.memory_space<hbm>>) dst(%arg20 : memref<80x128xf32, #tpu.memory_space<vmem>>)
      %dma_wait3A_179 = arith.constant 0 : i32
      %dma_wait3A_180 = tpu.memref_slice %arg4[%mul3A_4] : memref<320000xi32, #tpu.memory_space<hbm>> -> memref<80xi32, #tpu.memory_space<hbm>>
      %dma_wait3A_181 = tpu.memref_slice %arg11[%dma_wait3A_179] : memref<4x!tpu.dma_semaphore, #tpu.memory_space<semaphore_mem>> -> memref<1x!tpu.dma_semaphore, #tpu.memory_space<semaphore_mem>>
      %dma_wait3A_182 = tpu.memref_squeeze %dma_wait3A_181 : memref<1x!tpu.dma_semaphore, #tpu.memory_space<semaphore_mem>> -> memref<!tpu.dma_semaphore, #tpu.memory_space<semaphore_mem>>
      %dma_wait3A_183 = tpu.memref_slice %arg4[%mul3A_4] : memref<320000xi32, #tpu.memory_space<hbm>> -> memref<80xi32, #tpu.memory_space<hbm>>
      tpu.wait_dma2 semaphore(%dma_wait3A_182 : memref<!tpu.dma_semaphore, #tpu.memory_space<semaphore_mem>>) src(%dma_wait3A_183 : memref<80xi32, #tpu.memory_space<hbm>>) dst(%arg16 : memref<80xi32, #tpu.memory_space<vmem>>)
      %dma_start3A_184 = arith.constant 0 : i32
      %dma_start3A_185 = arith.constant 0 : i32
      %dma_start3A_186 = arith.constant 0 : i32
      %dma_start3A_187 = tpu.memref_slice %arg7[%dma_start3A_185, %dma_start3A_186] : memref<10240x128xf32, #tpu.memory_space<vmem_shared>> -> memref<10240x128xf32, #tpu.memory_space<vmem_shared>>
      %dma_start3A_188 = tpu.memref_slice %arg9[%dma_start3A_184] : memref<4x!tpu.dma_semaphore, #tpu.memory_space<semaphore_mem>> -> memref<1x!tpu.dma_semaphore, #tpu.memory_space<semaphore_mem>>
      %dma_start3A_189 = tpu.memref_squeeze %dma_start3A_188 : memref<1x!tpu.dma_semaphore, #tpu.memory_space<semaphore_mem>> -> memref<!tpu.dma_semaphore, #tpu.memory_space<semaphore_mem>>
      tpu.enqueue_indirect_dma source(%arg20 : memref<80x128xf32, #tpu.memory_space<vmem>>) target(%dma_start3A_187 : memref<10240x128xf32, #tpu.memory_space<vmem_shared>>) offsets(%arg16 : memref<80xi32, #tpu.memory_space<vmem>>) semaphore(%dma_start3A_189 : memref<!tpu.dma_semaphore, #tpu.memory_space<semaphore_mem>>) {add = true}
      %mul3A_190 = arith.constant 80 : i32
      %mul3A_191 = arith.muli %rem3A_172, %mul3A_190 : i32
      %add3A_192 = arith.addi %mul3A_4, %mul3A_191 : i32
      %dma_start3A_193 = arith.constant 0 : i32
      %dma_start3A_194 = tpu.memref_slice %arg3[%add3A_192] : memref<320000xi32, #tpu.memory_space<hbm>> -> memref<80xi32, #tpu.memory_space<hbm>>
      %dma_start3A_195 = tpu.memref_slice %arg10[%dma_start3A_193] : memref<4x!tpu.dma_semaphore, #tpu.memory_space<semaphore_mem>> -> memref<1x!tpu.dma_semaphore, #tpu.memory_space<semaphore_mem>>
      %dma_start3A_196 = tpu.memref_squeeze %dma_start3A_195 : memref<1x!tpu.dma_semaphore, #tpu.memory_space<semaphore_mem>> -> memref<!tpu.dma_semaphore, #tpu.memory_space<semaphore_mem>>
      %dma_start3A_197 = tpu.memref_slice %arg3[%add3A_192] : memref<320000xi32, #tpu.memory_space<hbm>> -> memref<80xi32, #tpu.memory_space<hbm>>
      tpu.enqueue_dma source(%dma_start3A_197 : memref<80xi32, #tpu.memory_space<hbm>>) target(%arg12 : memref<80xi32, #tpu.memory_space<vmem>>) target_semaphore(%dma_start3A_196 : memref<!tpu.dma_semaphore, #tpu.memory_space<semaphore_mem>>)
      %mul3A_198 = arith.constant 4 : i32
      %mul3A_199 = arith.muli %scan3A_165, %mul3A_198 : i32
      %add3A_200 = arith.constant 1 : i32
      %add3A_201 = arith.addi %mul3A_199, %add3A_200 : i32
      %add3A_202 = arith.constant 4 : i32
      %add3A_203 = arith.addi %add3A_201, %add3A_202 : i32
      %rem3A_204 = arith.constant 125 : i32
      %rem3A_205 = arith.remsi %add3A_203, %rem3A_204 : i32
      %dma_wait3A_206 = arith.constant 1 : i32
      %dma_wait3A_207 = arith.constant 0 : i32
      %dma_wait3A_208 = arith.constant 0 : i32
      %dma_wait3A_209 = tpu.memref_slice %arg2[%dma_wait3A_207, %dma_wait3A_208] : memref<10000x128xf32, #tpu.memory_space<hbm>> -> memref<10000x128xf32, #tpu.memory_space<hbm>>
      %dma_wait3A_210 = tpu.memref_slice %arg8[%dma_wait3A_206] : memref<4x!tpu.dma_semaphore, #tpu.memory_space<semaphore_mem>> -> memref<1x!tpu.dma_semaphore, #tpu.memory_space<semaphore_mem>>
      %dma_wait3A_211 = tpu.memref_squeeze %dma_wait3A_210 : memref<1x!tpu.dma_semaphore, #tpu.memory_space<semaphore_mem>> -> memref<!tpu.dma_semaphore, #tpu.memory_space<semaphore_mem>>
      tpu.wait_indirect_dma semaphore(%dma_wait3A_211 : memref<!tpu.dma_semaphore, #tpu.memory_space<semaphore_mem>>) src(%dma_wait3A_209 : memref<10000x128xf32, #tpu.memory_space<hbm>>) dst(%arg21 : memref<80x128xf32, #tpu.memory_space<vmem>>)
      %dma_wait3A_212 = arith.constant 1 : i32
      %dma_wait3A_213 = tpu.memref_slice %arg4[%mul3A_4] : memref<320000xi32, #tpu.memory_space<hbm>> -> memref<80xi32, #tpu.memory_space<hbm>>
      %dma_wait3A_214 = tpu.memref_slice %arg11[%dma_wait3A_212] : memref<4x!tpu.dma_semaphore, #tpu.memory_space<semaphore_mem>> -> memref<1x!tpu.dma_semaphore, #tpu.memory_space<semaphore_mem>>
      %dma_wait3A_215 = tpu.memref_squeeze %dma_wait3A_214 : memref<1x!tpu.dma_semaphore, #tpu.memory_space<semaphore_mem>> -> memref<!tpu.dma_semaphore, #tpu.memory_space<semaphore_mem>>
      %dma_wait3A_216 = tpu.memref_slice %arg4[%mul3A_4] : memref<320000xi32, #tpu.memory_space<hbm>> -> memref<80xi32, #tpu.memory_space<hbm>>
      tpu.wait_dma2 semaphore(%dma_wait3A_215 : memref<!tpu.dma_semaphore, #tpu.memory_space<semaphore_mem>>) src(%dma_wait3A_216 : memref<80xi32, #tpu.memory_space<hbm>>) dst(%arg17 : memref<80xi32, #tpu.memory_space<vmem>>)
      %dma_start3A_217 = arith.constant 1 : i32
      %dma_start3A_218 = arith.constant 0 : i32
      %dma_start3A_219 = arith.constant 0 : i32
      %dma_start3A_220 = tpu.memref_slice %arg7[%dma_start3A_218, %dma_start3A_219] : memref<10240x128xf32, #tpu.memory_space<vmem_shared>> -> memref<10240x128xf32, #tpu.memory_space<vmem_shared>>
      %dma_start3A_221 = tpu.memref_slice %arg9[%dma_start3A_217] : memref<4x!tpu.dma_semaphore, #tpu.memory_space<semaphore_mem>> -> memref<1x!tpu.dma_semaphore, #tpu.memory_space<semaphore_mem>>
      %dma_start3A_222 = tpu.memref_squeeze %dma_start3A_221 : memref<1x!tpu.dma_semaphore, #tpu.memory_space<semaphore_mem>> -> memref<!tpu.dma_semaphore, #tpu.memory_space<semaphore_mem>>
      tpu.enqueue_indirect_dma source(%arg21 : memref<80x128xf32, #tpu.memory_space<vmem>>) target(%dma_start3A_220 : memref<10240x128xf32, #tpu.memory_space<vmem_shared>>) offsets(%arg17 : memref<80xi32, #tpu.memory_space<vmem>>) semaphore(%dma_start3A_222 : memref<!tpu.dma_semaphore, #tpu.memory_space<semaphore_mem>>) {add = true}
      %mul3A_223 = arith.constant 80 : i32
      %mul3A_224 = arith.muli %rem3A_205, %mul3A_223 : i32
      %add3A_225 = arith.addi %mul3A_4, %mul3A_224 : i32
      %dma_start3A_226 = arith.constant 1 : i32
      %dma_start3A_227 = tpu.memref_slice %arg3[%add3A_225] : memref<320000xi32, #tpu.memory_space<hbm>> -> memref<80xi32, #tpu.memory_space<hbm>>
      %dma_start3A_228 = tpu.memref_slice %arg10[%dma_start3A_226] : memref<4x!tpu.dma_semaphore, #tpu.memory_space<semaphore_mem>> -> memref<1x!tpu.dma_semaphore, #tpu.memory_space<semaphore_mem>>
      %dma_start3A_229 = tpu.memref_squeeze %dma_start3A_228 : memref<1x!tpu.dma_semaphore, #tpu.memory_space<semaphore_mem>> -> memref<!tpu.dma_semaphore, #tpu.memory_space<semaphore_mem>>
      %dma_start3A_230 = tpu.memref_slice %arg3[%add3A_225] : memref<320000xi32, #tpu.memory_space<hbm>> -> memref<80xi32, #tpu.memory_space<hbm>>
      tpu.enqueue_dma source(%dma_start3A_230 : memref<80xi32, #tpu.memory_space<hbm>>) target(%arg13 : memref<80xi32, #tpu.memory_space<vmem>>) target_semaphore(%dma_start3A_229 : memref<!tpu.dma_semaphore, #tpu.memory_space<semaphore_mem>>)
      %mul3A_231 = arith.constant 4 : i32
      %mul3A_232 = arith.muli %scan3A_165, %mul3A_231 : i32
      %add3A_233 = arith.constant 2 : i32
      %add3A_234 = arith.addi %mul3A_232, %add3A_233 : i32
      %add3A_235 = arith.constant 4 : i32
      %add3A_236 = arith.addi %add3A_234, %add3A_235 : i32
      %rem3A_237 = arith.constant 125 : i32
      %rem3A_238 = arith.remsi %add3A_236, %rem3A_237 : i32
      %dma_wait3A_239 = arith.constant 2 : i32
      %dma_wait3A_240 = arith.constant 0 : i32
      %dma_wait3A_241 = arith.constant 0 : i32
      %dma_wait3A_242 = tpu.memref_slice %arg2[%dma_wait3A_240, %dma_wait3A_241] : memref<10000x128xf32, #tpu.memory_space<hbm>> -> memref<10000x128xf32, #tpu.memory_space<hbm>>
      %dma_wait3A_243 = tpu.memref_slice %arg8[%dma_wait3A_239] : memref<4x!tpu.dma_semaphore, #tpu.memory_space<semaphore_mem>> -> memref<1x!tpu.dma_semaphore, #tpu.memory_space<semaphore_mem>>
      %dma_wait3A_244 = tpu.memref_squeeze %dma_wait3A_243 : memref<1x!tpu.dma_semaphore, #tpu.memory_space<semaphore_mem>> -> memref<!tpu.dma_semaphore, #tpu.memory_space<semaphore_mem>>
      tpu.wait_indirect_dma semaphore(%dma_wait3A_244 : memref<!tpu.dma_semaphore, #tpu.memory_space<semaphore_mem>>) src(%dma_wait3A_242 : memref<10000x128xf32, #tpu.memory_space<hbm>>) dst(%arg22 : memref<80x128xf32, #tpu.memory_space<vmem>>)
      %dma_wait3A_245 = arith.constant 2 : i32
      %dma_wait3A_246 = tpu.memref_slice %arg4[%mul3A_4] : memref<320000xi32, #tpu.memory_space<hbm>> -> memref<80xi32, #tpu.memory_space<hbm>>
      %dma_wait3A_247 = tpu.memref_slice %arg11[%dma_wait3A_245] : memref<4x!tpu.dma_semaphore, #tpu.memory_space<semaphore_mem>> -> memref<1x!tpu.dma_semaphore, #tpu.memory_space<semaphore_mem>>
      %dma_wait3A_248 = tpu.memref_squeeze %dma_wait3A_247 : memref<1x!tpu.dma_semaphore, #tpu.memory_space<semaphore_mem>> -> memref<!tpu.dma_semaphore, #tpu.memory_space<semaphore_mem>>
      %dma_wait3A_249 = tpu.memref_slice %arg4[%mul3A_4] : memref<320000xi32, #tpu.memory_space<hbm>> -> memref<80xi32, #tpu.memory_space<hbm>>
      tpu.wait_dma2 semaphore(%dma_wait3A_248 : memref<!tpu.dma_semaphore, #tpu.memory_space<semaphore_mem>>) src(%dma_wait3A_249 : memref<80xi32, #tpu.memory_space<hbm>>) dst(%arg18 : memref<80xi32, #tpu.memory_space<vmem>>)
      %dma_start3A_250 = arith.constant 2 : i32
      %dma_start3A_251 = arith.constant 0 : i32
      %dma_start3A_252 = arith.constant 0 : i32
      %dma_start3A_253 = tpu.memref_slice %arg7[%dma_start3A_251, %dma_start3A_252] : memref<10240x128xf32, #tpu.memory_space<vmem_shared>> -> memref<10240x128xf32, #tpu.memory_space<vmem_shared>>
      %dma_start3A_254 = tpu.memref_slice %arg9[%dma_start3A_250] : memref<4x!tpu.dma_semaphore, #tpu.memory_space<semaphore_mem>> -> memref<1x!tpu.dma_semaphore, #tpu.memory_space<semaphore_mem>>
      %dma_start3A_255 = tpu.memref_squeeze %dma_start3A_254 : memref<1x!tpu.dma_semaphore, #tpu.memory_space<semaphore_mem>> -> memref<!tpu.dma_semaphore, #tpu.memory_space<semaphore_mem>>
      tpu.enqueue_indirect_dma source(%arg22 : memref<80x128xf32, #tpu.memory_space<vmem>>) target(%dma_start3A_253 : memref<10240x128xf32, #tpu.memory_space<vmem_shared>>) offsets(%arg18 : memref<80xi32, #tpu.memory_space<vmem>>) semaphore(%dma_start3A_255 : memref<!tpu.dma_semaphore, #tpu.memory_space<semaphore_mem>>) {add = true}
      %mul3A_256 = arith.constant 80 : i32
      %mul3A_257 = arith.muli %rem3A_238, %mul3A_256 : i32
      %add3A_258 = arith.addi %mul3A_4, %mul3A_257 : i32
      %dma_start3A_259 = arith.constant 2 : i32
      %dma_start3A_260 = tpu.memref_slice %arg3[%add3A_258] : memref<320000xi32, #tpu.memory_space<hbm>> -> memref<80xi32, #tpu.memory_space<hbm>>
      %dma_start3A_261 = tpu.memref_slice %arg10[%dma_start3A_259] : memref<4x!tpu.dma_semaphore, #tpu.memory_space<semaphore_mem>> -> memref<1x!tpu.dma_semaphore, #tpu.memory_space<semaphore_mem>>
      %dma_start3A_262 = tpu.memref_squeeze %dma_start3A_261 : memref<1x!tpu.dma_semaphore, #tpu.memory_space<semaphore_mem>> -> memref<!tpu.dma_semaphore, #tpu.memory_space<semaphore_mem>>
      %dma_start3A_263 = tpu.memref_slice %arg3[%add3A_258] : memref<320000xi32, #tpu.memory_space<hbm>> -> memref<80xi32, #tpu.memory_space<hbm>>
      tpu.enqueue_dma source(%dma_start3A_263 : memref<80xi32, #tpu.memory_space<hbm>>) target(%arg14 : memref<80xi32, #tpu.memory_space<vmem>>) target_semaphore(%dma_start3A_262 : memref<!tpu.dma_semaphore, #tpu.memory_space<semaphore_mem>>)
      %mul3A_264 = arith.constant 4 : i32
      %mul3A_265 = arith.muli %scan3A_165, %mul3A_264 : i32
      %add3A_266 = arith.constant 3 : i32
      %add3A_267 = arith.addi %mul3A_265, %add3A_266 : i32
      %add3A_268 = arith.constant 4 : i32
      %add3A_269 = arith.addi %add3A_267, %add3A_268 : i32
      %rem3A_270 = arith.constant 125 : i32
      %rem3A_271 = arith.remsi %add3A_269, %rem3A_270 : i32
      %dma_wait3A_272 = arith.constant 3 : i32
      %dma_wait3A_273 = arith.constant 0 : i32
      %dma_wait3A_274 = arith.constant 0 : i32
      %dma_wait3A_275 = tpu.memref_slice %arg2[%dma_wait3A_273, %dma_wait3A_274] : memref<10000x128xf32, #tpu.memory_space<hbm>> -> memref<10000x128xf32, #tpu.memory_space<hbm>>
      %dma_wait3A_276 = tpu.memref_slice %arg8[%dma_wait3A_272] : memref<4x!tpu.dma_semaphore, #tpu.memory_space<semaphore_mem>> -> memref<1x!tpu.dma_semaphore, #tpu.memory_space<semaphore_mem>>
      %dma_wait3A_277 = tpu.memref_squeeze %dma_wait3A_276 : memref<1x!tpu.dma_semaphore, #tpu.memory_space<semaphore_mem>> -> memref<!tpu.dma_semaphore, #tpu.memory_space<semaphore_mem>>
      tpu.wait_indirect_dma semaphore(%dma_wait3A_277 : memref<!tpu.dma_semaphore, #tpu.memory_space<semaphore_mem>>) src(%dma_wait3A_275 : memref<10000x128xf32, #tpu.memory_space<hbm>>) dst(%arg23 : memref<80x128xf32, #tpu.memory_space<vmem>>)
      %dma_wait3A_278 = arith.constant 3 : i32
      %dma_wait3A_279 = tpu.memref_slice %arg4[%mul3A_4] : memref<320000xi32, #tpu.memory_space<hbm>> -> memref<80xi32, #tpu.memory_space<hbm>>
      %dma_wait3A_280 = tpu.memref_slice %arg11[%dma_wait3A_278] : memref<4x!tpu.dma_semaphore, #tpu.memory_space<semaphore_mem>> -> memref<1x!tpu.dma_semaphore, #tpu.memory_space<semaphore_mem>>
      %dma_wait3A_281 = tpu.memref_squeeze %dma_wait3A_280 : memref<1x!tpu.dma_semaphore, #tpu.memory_space<semaphore_mem>> -> memref<!tpu.dma_semaphore, #tpu.memory_space<semaphore_mem>>
      %dma_wait3A_282 = tpu.memref_slice %arg4[%mul3A_4] : memref<320000xi32, #tpu.memory_space<hbm>> -> memref<80xi32, #tpu.memory_space<hbm>>
      tpu.wait_dma2 semaphore(%dma_wait3A_281 : memref<!tpu.dma_semaphore, #tpu.memory_space<semaphore_mem>>) src(%dma_wait3A_282 : memref<80xi32, #tpu.memory_space<hbm>>) dst(%arg19 : memref<80xi32, #tpu.memory_space<vmem>>)
      %dma_start3A_283 = arith.constant 3 : i32
      %dma_start3A_284 = arith.constant 0 : i32
      %dma_start3A_285 = arith.constant 0 : i32
      %dma_start3A_286 = tpu.memref_slice %arg7[%dma_start3A_284, %dma_start3A_285] : memref<10240x128xf32, #tpu.memory_space<vmem_shared>> -> memref<10240x128xf32, #tpu.memory_space<vmem_shared>>
      %dma_start3A_287 = tpu.memref_slice %arg9[%dma_start3A_283] : memref<4x!tpu.dma_semaphore, #tpu.memory_space<semaphore_mem>> -> memref<1x!tpu.dma_semaphore, #tpu.memory_space<semaphore_mem>>
      %dma_start3A_288 = tpu.memref_squeeze %dma_start3A_287 : memref<1x!tpu.dma_semaphore, #tpu.memory_space<semaphore_mem>> -> memref<!tpu.dma_semaphore, #tpu.memory_space<semaphore_mem>>
      tpu.enqueue_indirect_dma source(%arg23 : memref<80x128xf32, #tpu.memory_space<vmem>>) target(%dma_start3A_286 : memref<10240x128xf32, #tpu.memory_space<vmem_shared>>) offsets(%arg19 : memref<80xi32, #tpu.memory_space<vmem>>) semaphore(%dma_start3A_288 : memref<!tpu.dma_semaphore, #tpu.memory_space<semaphore_mem>>) {add = true}
      %mul3A_289 = arith.constant 80 : i32
      %mul3A_290 = arith.muli %rem3A_271, %mul3A_289 : i32
      %add3A_291 = arith.addi %mul3A_4, %mul3A_290 : i32
      %dma_start3A_292 = arith.constant 3 : i32
      %dma_start3A_293 = tpu.memref_slice %arg3[%add3A_291] : memref<320000xi32, #tpu.memory_space<hbm>> -> memref<80xi32, #tpu.memory_space<hbm>>
      %dma_start3A_294 = tpu.memref_slice %arg10[%dma_start3A_292] : memref<4x!tpu.dma_semaphore, #tpu.memory_space<semaphore_mem>> -> memref<1x!tpu.dma_semaphore, #tpu.memory_space<semaphore_mem>>
      %dma_start3A_295 = tpu.memref_squeeze %dma_start3A_294 : memref<1x!tpu.dma_semaphore, #tpu.memory_space<semaphore_mem>> -> memref<!tpu.dma_semaphore, #tpu.memory_space<semaphore_mem>>
      %dma_start3A_296 = tpu.memref_slice %arg3[%add3A_291] : memref<320000xi32, #tpu.memory_space<hbm>> -> memref<80xi32, #tpu.memory_space<hbm>>
      tpu.enqueue_dma source(%dma_start3A_296 : memref<80xi32, #tpu.memory_space<hbm>>) target(%arg15 : memref<80xi32, #tpu.memory_space<vmem>>) target_semaphore(%dma_start3A_295 : memref<!tpu.dma_semaphore, #tpu.memory_space<semaphore_mem>>)
      %mul3A_297 = arith.constant 4 : i32
      %mul3A_298 = arith.muli %scan3A_165, %mul3A_297 : i32
      %add3A_299 = arith.constant 0 : i32
      %add3A_300 = arith.addi %mul3A_298, %add3A_299 : i32
      %add3A_301 = arith.constant 4 : i32
      %add3A_302 = arith.addi %add3A_300, %add3A_301 : i32
      %rem3A_303 = arith.constant 125 : i32
      %rem3A_304 = arith.remsi %add3A_302, %rem3A_303 : i32
      %dma_wait3A_305 = arith.constant 0 : i32
      %dma_wait3A_306 = arith.constant 0 : i32
      %dma_wait3A_307 = arith.constant 0 : i32
      %dma_wait3A_308 = tpu.memref_slice %arg7[%dma_wait3A_306, %dma_wait3A_307] : memref<10240x128xf32, #tpu.memory_space<vmem_shared>> -> memref<10240x128xf32, #tpu.memory_space<vmem_shared>>
      %dma_wait3A_309 = tpu.memref_slice %arg9[%dma_wait3A_305] : memref<4x!tpu.dma_semaphore, #tpu.memory_space<semaphore_mem>> -> memref<1x!tpu.dma_semaphore, #tpu.memory_space<semaphore_mem>>
      %dma_wait3A_310 = tpu.memref_squeeze %dma_wait3A_309 : memref<1x!tpu.dma_semaphore, #tpu.memory_space<semaphore_mem>> -> memref<!tpu.dma_semaphore, #tpu.memory_space<semaphore_mem>>
      tpu.wait_indirect_dma semaphore(%dma_wait3A_310 : memref<!tpu.dma_semaphore, #tpu.memory_space<semaphore_mem>>) src(%arg20 : memref<80x128xf32, #tpu.memory_space<vmem>>) dst(%dma_wait3A_308 : memref<10240x128xf32, #tpu.memory_space<vmem_shared>>)
      %mul3A_311 = arith.constant 80 : i32
      %mul3A_312 = arith.muli %rem3A_304, %mul3A_311 : i32
      %add3A_313 = arith.addi %mul3A_4, %mul3A_312 : i32
      %dma_start3A_314 = arith.constant 0 : i32
      %dma_start3A_315 = tpu.memref_slice %arg4[%add3A_313] : memref<320000xi32, #tpu.memory_space<hbm>> -> memref<80xi32, #tpu.memory_space<hbm>>
      %dma_start3A_316 = tpu.memref_slice %arg11[%dma_start3A_314] : memref<4x!tpu.dma_semaphore, #tpu.memory_space<semaphore_mem>> -> memref<1x!tpu.dma_semaphore, #tpu.memory_space<semaphore_mem>>
      %dma_start3A_317 = tpu.memref_squeeze %dma_start3A_316 : memref<1x!tpu.dma_semaphore, #tpu.memory_space<semaphore_mem>> -> memref<!tpu.dma_semaphore, #tpu.memory_space<semaphore_mem>>
      %dma_start3A_318 = tpu.memref_slice %arg4[%add3A_313] : memref<320000xi32, #tpu.memory_space<hbm>> -> memref<80xi32, #tpu.memory_space<hbm>>
      tpu.enqueue_dma source(%dma_start3A_318 : memref<80xi32, #tpu.memory_space<hbm>>) target(%arg16 : memref<80xi32, #tpu.memory_space<vmem>>) target_semaphore(%dma_start3A_317 : memref<!tpu.dma_semaphore, #tpu.memory_space<semaphore_mem>>)
      %dma_wait3A_319 = arith.constant 0 : i32
      %dma_wait3A_320 = tpu.memref_slice %arg3[%mul3A_4] : memref<320000xi32, #tpu.memory_space<hbm>> -> memref<80xi32, #tpu.memory_space<hbm>>
      %dma_wait3A_321 = tpu.memref_slice %arg10[%dma_wait3A_319] : memref<4x!tpu.dma_semaphore, #tpu.memory_space<semaphore_mem>> -> memref<1x!tpu.dma_semaphore, #tpu.memory_space<semaphore_mem>>
      %dma_wait3A_322 = tpu.memref_squeeze %dma_wait3A_321 : memref<1x!tpu.dma_semaphore, #tpu.memory_space<semaphore_mem>> -> memref<!tpu.dma_semaphore, #tpu.memory_space<semaphore_mem>>
      %dma_wait3A_323 = tpu.memref_slice %arg3[%mul3A_4] : memref<320000xi32, #tpu.memory_space<hbm>> -> memref<80xi32, #tpu.memory_space<hbm>>
      tpu.wait_dma2 semaphore(%dma_wait3A_322 : memref<!tpu.dma_semaphore, #tpu.memory_space<semaphore_mem>>) src(%dma_wait3A_323 : memref<80xi32, #tpu.memory_space<hbm>>) dst(%arg12 : memref<80xi32, #tpu.memory_space<vmem>>)
      %dma_start3A_324 = arith.constant 0 : i32
      %dma_start3A_325 = arith.constant 0 : i32
      %dma_start3A_326 = arith.constant 0 : i32
      %dma_start3A_327 = tpu.memref_slice %arg2[%dma_start3A_325, %dma_start3A_326] : memref<10000x128xf32, #tpu.memory_space<hbm>> -> memref<10000x128xf32, #tpu.memory_space<hbm>>
      %dma_start3A_328 = tpu.memref_slice %arg8[%dma_start3A_324] : memref<4x!tpu.dma_semaphore, #tpu.memory_space<semaphore_mem>> -> memref<1x!tpu.dma_semaphore, #tpu.memory_space<semaphore_mem>>
      %dma_start3A_329 = tpu.memref_squeeze %dma_start3A_328 : memref<1x!tpu.dma_semaphore, #tpu.memory_space<semaphore_mem>> -> memref<!tpu.dma_semaphore, #tpu.memory_space<semaphore_mem>>
      tpu.enqueue_indirect_dma source(%dma_start3A_327 : memref<10000x128xf32, #tpu.memory_space<hbm>>) target(%arg20 : memref<80x128xf32, #tpu.memory_space<vmem>>) offsets(%arg12 : memref<80xi32, #tpu.memory_space<vmem>>) semaphore(%dma_start3A_329 : memref<!tpu.dma_semaphore, #tpu.memory_space<semaphore_mem>>)
      %mul3A_330 = arith.constant 4 : i32
      %mul3A_331 = arith.muli %scan3A_165, %mul3A_330 : i32
      %add3A_332 = arith.constant 1 : i32
      %add3A_333 = arith.addi %mul3A_331, %add3A_332 : i32
      %add3A_334 = arith.constant 4 : i32
      %add3A_335 = arith.addi %add3A_333, %add3A_334 : i32
      %rem3A_336 = arith.constant 125 : i32
      %rem3A_337 = arith.remsi %add3A_335, %rem3A_336 : i32
      %dma_wait3A_338 = arith.constant 1 : i32
      %dma_wait3A_339 = arith.constant 0 : i32
      %dma_wait3A_340 = arith.constant 0 : i32
      %dma_wait3A_341 = tpu.memref_slice %arg7[%dma_wait3A_339, %dma_wait3A_340] : memref<10240x128xf32, #tpu.memory_space<vmem_shared>> -> memref<10240x128xf32, #tpu.memory_space<vmem_shared>>
      %dma_wait3A_342 = tpu.memref_slice %arg9[%dma_wait3A_338] : memref<4x!tpu.dma_semaphore, #tpu.memory_space<semaphore_mem>> -> memref<1x!tpu.dma_semaphore, #tpu.memory_space<semaphore_mem>>
      %dma_wait3A_343 = tpu.memref_squeeze %dma_wait3A_342 : memref<1x!tpu.dma_semaphore, #tpu.memory_space<semaphore_mem>> -> memref<!tpu.dma_semaphore, #tpu.memory_space<semaphore_mem>>
      tpu.wait_indirect_dma semaphore(%dma_wait3A_343 : memref<!tpu.dma_semaphore, #tpu.memory_space<semaphore_mem>>) src(%arg21 : memref<80x128xf32, #tpu.memory_space<vmem>>) dst(%dma_wait3A_341 : memref<10240x128xf32, #tpu.memory_space<vmem_shared>>)
      %mul3A_344 = arith.constant 80 : i32
      %mul3A_345 = arith.muli %rem3A_337, %mul3A_344 : i32
      %add3A_346 = arith.addi %mul3A_4, %mul3A_345 : i32
      %dma_start3A_347 = arith.constant 1 : i32
      %dma_start3A_348 = tpu.memref_slice %arg4[%add3A_346] : memref<320000xi32, #tpu.memory_space<hbm>> -> memref<80xi32, #tpu.memory_space<hbm>>
      %dma_start3A_349 = tpu.memref_slice %arg11[%dma_start3A_347] : memref<4x!tpu.dma_semaphore, #tpu.memory_space<semaphore_mem>> -> memref<1x!tpu.dma_semaphore, #tpu.memory_space<semaphore_mem>>
      %dma_start3A_350 = tpu.memref_squeeze %dma_start3A_349 : memref<1x!tpu.dma_semaphore, #tpu.memory_space<semaphore_mem>> -> memref<!tpu.dma_semaphore, #tpu.memory_space<semaphore_mem>>
      %dma_start3A_351 = tpu.memref_slice %arg4[%add3A_346] : memref<320000xi32, #tpu.memory_space<hbm>> -> memref<80xi32, #tpu.memory_space<hbm>>
      tpu.enqueue_dma source(%dma_start3A_351 : memref<80xi32, #tpu.memory_space<hbm>>) target(%arg17 : memref<80xi32, #tpu.memory_space<vmem>>) target_semaphore(%dma_start3A_350 : memref<!tpu.dma_semaphore, #tpu.memory_space<semaphore_mem>>)
      %dma_wait3A_352 = arith.constant 1 : i32
      %dma_wait3A_353 = tpu.memref_slice %arg3[%mul3A_4] : memref<320000xi32, #tpu.memory_space<hbm>> -> memref<80xi32, #tpu.memory_space<hbm>>
      %dma_wait3A_354 = tpu.memref_slice %arg10[%dma_wait3A_352] : memref<4x!tpu.dma_semaphore, #tpu.memory_space<semaphore_mem>> -> memref<1x!tpu.dma_semaphore, #tpu.memory_space<semaphore_mem>>
      %dma_wait3A_355 = tpu.memref_squeeze %dma_wait3A_354 : memref<1x!tpu.dma_semaphore, #tpu.memory_space<semaphore_mem>> -> memref<!tpu.dma_semaphore, #tpu.memory_space<semaphore_mem>>
      %dma_wait3A_356 = tpu.memref_slice %arg3[%mul3A_4] : memref<320000xi32, #tpu.memory_space<hbm>> -> memref<80xi32, #tpu.memory_space<hbm>>
      tpu.wait_dma2 semaphore(%dma_wait3A_355 : memref<!tpu.dma_semaphore, #tpu.memory_space<semaphore_mem>>) src(%dma_wait3A_356 : memref<80xi32, #tpu.memory_space<hbm>>) dst(%arg13 : memref<80xi32, #tpu.memory_space<vmem>>)
      %dma_start3A_357 = arith.constant 1 : i32
      %dma_start3A_358 = arith.constant 0 : i32
      %dma_start3A_359 = arith.constant 0 : i32
      %dma_start3A_360 = tpu.memref_slice %arg2[%dma_start3A_358, %dma_start3A_359] : memref<10000x128xf32, #tpu.memory_space<hbm>> -> memref<10000x128xf32, #tpu.memory_space<hbm>>
      %dma_start3A_361 = tpu.memref_slice %arg8[%dma_start3A_357] : memref<4x!tpu.dma_semaphore, #tpu.memory_space<semaphore_mem>> -> memref<1x!tpu.dma_semaphore, #tpu.memory_space<semaphore_mem>>
      %dma_start3A_362 = tpu.memref_squeeze %dma_start3A_361 : memref<1x!tpu.dma_semaphore, #tpu.memory_space<semaphore_mem>> -> memref<!tpu.dma_semaphore, #tpu.memory_space<semaphore_mem>>
      tpu.enqueue_indirect_dma source(%dma_start3A_360 : memref<10000x128xf32, #tpu.memory_space<hbm>>) target(%arg21 : memref<80x128xf32, #tpu.memory_space<vmem>>) offsets(%arg13 : memref<80xi32, #tpu.memory_space<vmem>>) semaphore(%dma_start3A_362 : memref<!tpu.dma_semaphore, #tpu.memory_space<semaphore_mem>>)
      %mul3A_363 = arith.constant 4 : i32
      %mul3A_364 = arith.muli %scan3A_165, %mul3A_363 : i32
      %add3A_365 = arith.constant 2 : i32
      %add3A_366 = arith.addi %mul3A_364, %add3A_365 : i32
      %add3A_367 = arith.constant 4 : i32
      %add3A_368 = arith.addi %add3A_366, %add3A_367 : i32
      %rem3A_369 = arith.constant 125 : i32
      %rem3A_370 = arith.remsi %add3A_368, %rem3A_369 : i32
      %dma_wait3A_371 = arith.constant 2 : i32
      %dma_wait3A_372 = arith.constant 0 : i32
      %dma_wait3A_373 = arith.constant 0 : i32
      %dma_wait3A_374 = tpu.memref_slice %arg7[%dma_wait3A_372, %dma_wait3A_373] : memref<10240x128xf32, #tpu.memory_space<vmem_shared>> -> memref<10240x128xf32, #tpu.memory_space<vmem_shared>>
      %dma_wait3A_375 = tpu.memref_slice %arg9[%dma_wait3A_371] : memref<4x!tpu.dma_semaphore, #tpu.memory_space<semaphore_mem>> -> memref<1x!tpu.dma_semaphore, #tpu.memory_space<semaphore_mem>>
      %dma_wait3A_376 = tpu.memref_squeeze %dma_wait3A_375 : memref<1x!tpu.dma_semaphore, #tpu.memory_space<semaphore_mem>> -> memref<!tpu.dma_semaphore, #tpu.memory_space<semaphore_mem>>
      tpu.wait_indirect_dma semaphore(%dma_wait3A_376 : memref<!tpu.dma_semaphore, #tpu.memory_space<semaphore_mem>>) src(%arg22 : memref<80x128xf32, #tpu.memory_space<vmem>>) dst(%dma_wait3A_374 : memref<10240x128xf32, #tpu.memory_space<vmem_shared>>)
      %mul3A_377 = arith.constant 80 : i32
      %mul3A_378 = arith.muli %rem3A_370, %mul3A_377 : i32
      %add3A_379 = arith.addi %mul3A_4, %mul3A_378 : i32
      %dma_start3A_380 = arith.constant 2 : i32
      %dma_start3A_381 = tpu.memref_slice %arg4[%add3A_379] : memref<320000xi32, #tpu.memory_space<hbm>> -> memref<80xi32, #tpu.memory_space<hbm>>
      %dma_start3A_382 = tpu.memref_slice %arg11[%dma_start3A_380] : memref<4x!tpu.dma_semaphore, #tpu.memory_space<semaphore_mem>> -> memref<1x!tpu.dma_semaphore, #tpu.memory_space<semaphore_mem>>
      %dma_start3A_383 = tpu.memref_squeeze %dma_start3A_382 : memref<1x!tpu.dma_semaphore, #tpu.memory_space<semaphore_mem>> -> memref<!tpu.dma_semaphore, #tpu.memory_space<semaphore_mem>>
      %dma_start3A_384 = tpu.memref_slice %arg4[%add3A_379] : memref<320000xi32, #tpu.memory_space<hbm>> -> memref<80xi32, #tpu.memory_space<hbm>>
      tpu.enqueue_dma source(%dma_start3A_384 : memref<80xi32, #tpu.memory_space<hbm>>) target(%arg18 : memref<80xi32, #tpu.memory_space<vmem>>) target_semaphore(%dma_start3A_383 : memref<!tpu.dma_semaphore, #tpu.memory_space<semaphore_mem>>)
      %dma_wait3A_385 = arith.constant 2 : i32
      %dma_wait3A_386 = tpu.memref_slice %arg3[%mul3A_4] : memref<320000xi32, #tpu.memory_space<hbm>> -> memref<80xi32, #tpu.memory_space<hbm>>
      %dma_wait3A_387 = tpu.memref_slice %arg10[%dma_wait3A_385] : memref<4x!tpu.dma_semaphore, #tpu.memory_space<semaphore_mem>> -> memref<1x!tpu.dma_semaphore, #tpu.memory_space<semaphore_mem>>
      %dma_wait3A_388 = tpu.memref_squeeze %dma_wait3A_387 : memref<1x!tpu.dma_semaphore, #tpu.memory_space<semaphore_mem>> -> memref<!tpu.dma_semaphore, #tpu.memory_space<semaphore_mem>>
      %dma_wait3A_389 = tpu.memref_slice %arg3[%mul3A_4] : memref<320000xi32, #tpu.memory_space<hbm>> -> memref<80xi32, #tpu.memory_space<hbm>>
      tpu.wait_dma2 semaphore(%dma_wait3A_388 : memref<!tpu.dma_semaphore, #tpu.memory_space<semaphore_mem>>) src(%dma_wait3A_389 : memref<80xi32, #tpu.memory_space<hbm>>) dst(%arg14 : memref<80xi32, #tpu.memory_space<vmem>>)
      %dma_start3A_390 = arith.constant 2 : i32
      %dma_start3A_391 = arith.constant 0 : i32
      %dma_start3A_392 = arith.constant 0 : i32
      %dma_start3A_393 = tpu.memref_slice %arg2[%dma_start3A_391, %dma_start3A_392] : memref<10000x128xf32, #tpu.memory_space<hbm>> -> memref<10000x128xf32, #tpu.memory_space<hbm>>
      %dma_start3A_394 = tpu.memref_slice %arg8[%dma_start3A_390] : memref<4x!tpu.dma_semaphore, #tpu.memory_space<semaphore_mem>> -> memref<1x!tpu.dma_semaphore, #tpu.memory_space<semaphore_mem>>
      %dma_start3A_395 = tpu.memref_squeeze %dma_start3A_394 : memref<1x!tpu.dma_semaphore, #tpu.memory_space<semaphore_mem>> -> memref<!tpu.dma_semaphore, #tpu.memory_space<semaphore_mem>>
      tpu.enqueue_indirect_dma source(%dma_start3A_393 : memref<10000x128xf32, #tpu.memory_space<hbm>>) target(%arg22 : memref<80x128xf32, #tpu.memory_space<vmem>>) offsets(%arg14 : memref<80xi32, #tpu.memory_space<vmem>>) semaphore(%dma_start3A_395 : memref<!tpu.dma_semaphore, #tpu.memory_space<semaphore_mem>>)
      %mul3A_396 = arith.constant 4 : i32
      %mul3A_397 = arith.muli %scan3A_165, %mul3A_396 : i32
      %add3A_398 = arith.constant 3 : i32
      %add3A_399 = arith.addi %mul3A_397, %add3A_398 : i32
      %add3A_400 = arith.constant 4 : i32
      %add3A_401 = arith.addi %add3A_399, %add3A_400 : i32
      %rem3A_402 = arith.constant 125 : i32
      %rem3A_403 = arith.remsi %add3A_401, %rem3A_402 : i32
      %dma_wait3A_404 = arith.constant 3 : i32
      %dma_wait3A_405 = arith.constant 0 : i32
      %dma_wait3A_406 = arith.constant 0 : i32
      %dma_wait3A_407 = tpu.memref_slice %arg7[%dma_wait3A_405, %dma_wait3A_406] : memref<10240x128xf32, #tpu.memory_space<vmem_shared>> -> memref<10240x128xf32, #tpu.memory_space<vmem_shared>>
      %dma_wait3A_408 = tpu.memref_slice %arg9[%dma_wait3A_404] : memref<4x!tpu.dma_semaphore, #tpu.memory_space<semaphore_mem>> -> memref<1x!tpu.dma_semaphore, #tpu.memory_space<semaphore_mem>>
      %dma_wait3A_409 = tpu.memref_squeeze %dma_wait3A_408 : memref<1x!tpu.dma_semaphore, #tpu.memory_space<semaphore_mem>> -> memref<!tpu.dma_semaphore, #tpu.memory_space<semaphore_mem>>
      tpu.wait_indirect_dma semaphore(%dma_wait3A_409 : memref<!tpu.dma_semaphore, #tpu.memory_space<semaphore_mem>>) src(%arg23 : memref<80x128xf32, #tpu.memory_space<vmem>>) dst(%dma_wait3A_407 : memref<10240x128xf32, #tpu.memory_space<vmem_shared>>)
      %mul3A_410 = arith.constant 80 : i32
      %mul3A_411 = arith.muli %rem3A_403, %mul3A_410 : i32
      %add3A_412 = arith.addi %mul3A_4, %mul3A_411 : i32
      %dma_start3A_413 = arith.constant 3 : i32
      %dma_start3A_414 = tpu.memref_slice %arg4[%add3A_412] : memref<320000xi32, #tpu.memory_space<hbm>> -> memref<80xi32, #tpu.memory_space<hbm>>
      %dma_start3A_415 = tpu.memref_slice %arg11[%dma_start3A_413] : memref<4x!tpu.dma_semaphore, #tpu.memory_space<semaphore_mem>> -> memref<1x!tpu.dma_semaphore, #tpu.memory_space<semaphore_mem>>
      %dma_start3A_416 = tpu.memref_squeeze %dma_start3A_415 : memref<1x!tpu.dma_semaphore, #tpu.memory_space<semaphore_mem>> -> memref<!tpu.dma_semaphore, #tpu.memory_space<semaphore_mem>>
      %dma_start3A_417 = tpu.memref_slice %arg4[%add3A_412] : memref<320000xi32, #tpu.memory_space<hbm>> -> memref<80xi32, #tpu.memory_space<hbm>>
      tpu.enqueue_dma source(%dma_start3A_417 : memref<80xi32, #tpu.memory_space<hbm>>) target(%arg19 : memref<80xi32, #tpu.memory_space<vmem>>) target_semaphore(%dma_start3A_416 : memref<!tpu.dma_semaphore, #tpu.memory_space<semaphore_mem>>)
      %dma_wait3A_418 = arith.constant 3 : i32
      %dma_wait3A_419 = tpu.memref_slice %arg3[%mul3A_4] : memref<320000xi32, #tpu.memory_space<hbm>> -> memref<80xi32, #tpu.memory_space<hbm>>
      %dma_wait3A_420 = tpu.memref_slice %arg10[%dma_wait3A_418] : memref<4x!tpu.dma_semaphore, #tpu.memory_space<semaphore_mem>> -> memref<1x!tpu.dma_semaphore, #tpu.memory_space<semaphore_mem>>
      %dma_wait3A_421 = tpu.memref_squeeze %dma_wait3A_420 : memref<1x!tpu.dma_semaphore, #tpu.memory_space<semaphore_mem>> -> memref<!tpu.dma_semaphore, #tpu.memory_space<semaphore_mem>>
      %dma_wait3A_422 = tpu.memref_slice %arg3[%mul3A_4] : memref<320000xi32, #tpu.memory_space<hbm>> -> memref<80xi32, #tpu.memory_space<hbm>>
      tpu.wait_dma2 semaphore(%dma_wait3A_421 : memref<!tpu.dma_semaphore, #tpu.memory_space<semaphore_mem>>) src(%dma_wait3A_422 : memref<80xi32, #tpu.memory_space<hbm>>) dst(%arg15 : memref<80xi32, #tpu.memory_space<vmem>>)
      %dma_start3A_423 = arith.constant 3 : i32
      %dma_start3A_424 = arith.constant 0 : i32
      %dma_start3A_425 = arith.constant 0 : i32
      %dma_start3A_426 = tpu.memref_slice %arg2[%dma_start3A_424, %dma_start3A_425] : memref<10000x128xf32, #tpu.memory_space<hbm>> -> memref<10000x128xf32, #tpu.memory_space<hbm>>
      %dma_start3A_427 = tpu.memref_slice %arg8[%dma_start3A_423] : memref<4x!tpu.dma_semaphore, #tpu.memory_space<semaphore_mem>> -> memref<1x!tpu.dma_semaphore, #tpu.memory_space<semaphore_mem>>
      %dma_start3A_428 = tpu.memref_squeeze %dma_start3A_427 : memref<1x!tpu.dma_semaphore, #tpu.memory_space<semaphore_mem>> -> memref<!tpu.dma_semaphore, #tpu.memory_space<semaphore_mem>>
      tpu.enqueue_indirect_dma source(%dma_start3A_426 : memref<10000x128xf32, #tpu.memory_space<hbm>>) target(%arg23 : memref<80x128xf32, #tpu.memory_space<vmem>>) offsets(%arg15 : memref<80xi32, #tpu.memory_space<vmem>>) semaphore(%dma_start3A_428 : memref<!tpu.dma_semaphore, #tpu.memory_space<semaphore_mem>>)
    }
    %scan3A_107 = arith.constant 31 : i32
    %dma_wait3A_108 = arith.constant 0 : i32
    %dma_wait3A_109 = arith.constant 0 : i32
    %dma_wait3A_110 = arith.constant 0 : i32
    %dma_wait3A_111 = tpu.memref_slice %arg2[%dma_wait3A_109, %dma_wait3A_110] : memref<10000x128xf32, #tpu.memory_space<hbm>> -> memref<10000x128xf32, #tpu.memory_space<hbm>>
    %dma_wait3A_112 = tpu.memref_slice %arg8[%dma_wait3A_108] : memref<4x!tpu.dma_semaphore, #tpu.memory_space<semaphore_mem>> -> memref<1x!tpu.dma_semaphore, #tpu.memory_space<semaphore_mem>>
    %dma_wait3A_113 = tpu.memref_squeeze %dma_wait3A_112 : memref<1x!tpu.dma_semaphore, #tpu.memory_space<semaphore_mem>> -> memref<!tpu.dma_semaphore, #tpu.memory_space<semaphore_mem>>
    tpu.wait_indirect_dma semaphore(%dma_wait3A_113 : memref<!tpu.dma_semaphore, #tpu.memory_space<semaphore_mem>>) src(%dma_wait3A_111 : memref<10000x128xf32, #tpu.memory_space<hbm>>) dst(%arg20 : memref<80x128xf32, #tpu.memory_space<vmem>>)
    %dma_wait3A_114 = arith.constant 0 : i32
    %dma_wait3A_115 = tpu.memref_slice %arg4[%mul3A_4] : memref<320000xi32, #tpu.memory_space<hbm>> -> memref<80xi32, #tpu.memory_space<hbm>>
    %dma_wait3A_116 = tpu.memref_slice %arg11[%dma_wait3A_114] : memref<4x!tpu.dma_semaphore, #tpu.memory_space<semaphore_mem>> -> memref<1x!tpu.dma_semaphore, #tpu.memory_space<semaphore_mem>>
    %dma_wait3A_117 = tpu.memref_squeeze %dma_wait3A_116 : memref<1x!tpu.dma_semaphore, #tpu.memory_space<semaphore_mem>> -> memref<!tpu.dma_semaphore, #tpu.memory_space<semaphore_mem>>
    %dma_wait3A_118 = tpu.memref_slice %arg4[%mul3A_4] : memref<320000xi32, #tpu.memory_space<hbm>> -> memref<80xi32, #tpu.memory_space<hbm>>
    tpu.wait_dma2 semaphore(%dma_wait3A_117 : memref<!tpu.dma_semaphore, #tpu.memory_space<semaphore_mem>>) src(%dma_wait3A_118 : memref<80xi32, #tpu.memory_space<hbm>>) dst(%arg16 : memref<80xi32, #tpu.memory_space<vmem>>)
    %dma_start3A_119 = arith.constant 0 : i32
    %dma_start3A_120 = arith.constant 0 : i32
    %dma_start3A_121 = arith.constant 0 : i32
    %dma_start3A_122 = tpu.memref_slice %arg7[%dma_start3A_120, %dma_start3A_121] : memref<10240x128xf32, #tpu.memory_space<vmem_shared>> -> memref<10240x128xf32, #tpu.memory_space<vmem_shared>>
    %dma_start3A_123 = tpu.memref_slice %arg9[%dma_start3A_119] : memref<4x!tpu.dma_semaphore, #tpu.memory_space<semaphore_mem>> -> memref<1x!tpu.dma_semaphore, #tpu.memory_space<semaphore_mem>>
    %dma_start3A_124 = tpu.memref_squeeze %dma_start3A_123 : memref<1x!tpu.dma_semaphore, #tpu.memory_space<semaphore_mem>> -> memref<!tpu.dma_semaphore, #tpu.memory_space<semaphore_mem>>
    tpu.enqueue_indirect_dma source(%arg20 : memref<80x128xf32, #tpu.memory_space<vmem>>) target(%dma_start3A_122 : memref<10240x128xf32, #tpu.memory_space<vmem_shared>>) offsets(%arg16 : memref<80xi32, #tpu.memory_space<vmem>>) semaphore(%dma_start3A_124 : memref<!tpu.dma_semaphore, #tpu.memory_space<semaphore_mem>>) {add = true}
    %dma_wait3A_125 = arith.constant 0 : i32
    %dma_wait3A_126 = arith.constant 0 : i32
    %dma_wait3A_127 = arith.constant 0 : i32
    %dma_wait3A_128 = tpu.memref_slice %arg7[%dma_wait3A_126, %dma_wait3A_127] : memref<10240x128xf32, #tpu.memory_space<vmem_shared>> -> memref<10240x128xf32, #tpu.memory_space<vmem_shared>>
    %dma_wait3A_129 = tpu.memref_slice %arg9[%dma_wait3A_125] : memref<4x!tpu.dma_semaphore, #tpu.memory_space<semaphore_mem>> -> memref<1x!tpu.dma_semaphore, #tpu.memory_space<semaphore_mem>>
    %dma_wait3A_130 = tpu.memref_squeeze %dma_wait3A_129 : memref<1x!tpu.dma_semaphore, #tpu.memory_space<semaphore_mem>> -> memref<!tpu.dma_semaphore, #tpu.memory_space<semaphore_mem>>
    tpu.wait_indirect_dma semaphore(%dma_wait3A_130 : memref<!tpu.dma_semaphore, #tpu.memory_space<semaphore_mem>>) src(%arg20 : memref<80x128xf32, #tpu.memory_space<vmem>>) dst(%dma_wait3A_128 : memref<10240x128xf32, #tpu.memory_space<vmem_shared>>)
    %dma_wait3A_131 = arith.constant 1 : i32
    %dma_wait3A_132 = arith.constant 0 : i32
    %dma_wait3A_133 = arith.constant 0 : i32
    %dma_wait3A_134 = tpu.memref_slice %arg2[%dma_wait3A_132, %dma_wait3A_133] : memref<10000x128xf32, #tpu.memory_space<hbm>> -> memref<10000x128xf32, #tpu.memory_space<hbm>>
    %dma_wait3A_135 = tpu.memref_slice %arg8[%dma_wait3A_131] : memref<4x!tpu.dma_semaphore, #tpu.memory_space<semaphore_mem>> -> memref<1x!tpu.dma_semaphore, #tpu.memory_space<semaphore_mem>>
    %dma_wait3A_136 = tpu.memref_squeeze %dma_wait3A_135 : memref<1x!tpu.dma_semaphore, #tpu.memory_space<semaphore_mem>> -> memref<!tpu.dma_semaphore, #tpu.memory_space<semaphore_mem>>
    tpu.wait_indirect_dma semaphore(%dma_wait3A_136 : memref<!tpu.dma_semaphore, #tpu.memory_space<semaphore_mem>>) src(%dma_wait3A_134 : memref<10000x128xf32, #tpu.memory_space<hbm>>) dst(%arg21 : memref<80x128xf32, #tpu.memory_space<vmem>>)
    %dma_wait3A_137 = arith.constant 1 : i32
    %dma_wait3A_138 = tpu.memref_slice %arg4[%mul3A_4] : memref<320000xi32, #tpu.memory_space<hbm>> -> memref<80xi32, #tpu.memory_space<hbm>>
    %dma_wait3A_139 = tpu.memref_slice %arg11[%dma_wait3A_137] : memref<4x!tpu.dma_semaphore, #tpu.memory_space<semaphore_mem>> -> memref<1x!tpu.dma_semaphore, #tpu.memory_space<semaphore_mem>>
    %dma_wait3A_140 = tpu.memref_squeeze %dma_wait3A_139 : memref<1x!tpu.dma_semaphore, #tpu.memory_space<semaphore_mem>> -> memref<!tpu.dma_semaphore, #tpu.memory_space<semaphore_mem>>
    %dma_wait3A_141 = tpu.memref_slice %arg4[%mul3A_4] : memref<320000xi32, #tpu.memory_space<hbm>> -> memref<80xi32, #tpu.memory_space<hbm>>
    tpu.wait_dma2 semaphore(%dma_wait3A_140 : memref<!tpu.dma_semaphore, #tpu.memory_space<semaphore_mem>>) src(%dma_wait3A_141 : memref<80xi32, #tpu.memory_space<hbm>>) dst(%arg17 : memref<80xi32, #tpu.memory_space<vmem>>)
    %dma_wait3A_142 = arith.constant 2 : i32
    %dma_wait3A_143 = arith.constant 0 : i32
    %dma_wait3A_144 = arith.constant 0 : i32
    %dma_wait3A_145 = tpu.memref_slice %arg2[%dma_wait3A_143, %dma_wait3A_144] : memref<10000x128xf32, #tpu.memory_space<hbm>> -> memref<10000x128xf32, #tpu.memory_space<hbm>>
    %dma_wait3A_146 = tpu.memref_slice %arg8[%dma_wait3A_142] : memref<4x!tpu.dma_semaphore, #tpu.memory_space<semaphore_mem>> -> memref<1x!tpu.dma_semaphore, #tpu.memory_space<semaphore_mem>>
    %dma_wait3A_147 = tpu.memref_squeeze %dma_wait3A_146 : memref<1x!tpu.dma_semaphore, #tpu.memory_space<semaphore_mem>> -> memref<!tpu.dma_semaphore, #tpu.memory_space<semaphore_mem>>
    tpu.wait_indirect_dma semaphore(%dma_wait3A_147 : memref<!tpu.dma_semaphore, #tpu.memory_space<semaphore_mem>>) src(%dma_wait3A_145 : memref<10000x128xf32, #tpu.memory_space<hbm>>) dst(%arg22 : memref<80x128xf32, #tpu.memory_space<vmem>>)
    %dma_wait3A_148 = arith.constant 2 : i32
    %dma_wait3A_149 = tpu.memref_slice %arg4[%mul3A_4] : memref<320000xi32, #tpu.memory_space<hbm>> -> memref<80xi32, #tpu.memory_space<hbm>>
    %dma_wait3A_150 = tpu.memref_slice %arg11[%dma_wait3A_148] : memref<4x!tpu.dma_semaphore, #tpu.memory_space<semaphore_mem>> -> memref<1x!tpu.dma_semaphore, #tpu.memory_space<semaphore_mem>>
    %dma_wait3A_151 = tpu.memref_squeeze %dma_wait3A_150 : memref<1x!tpu.dma_semaphore, #tpu.memory_space<semaphore_mem>> -> memref<!tpu.dma_semaphore, #tpu.memory_space<semaphore_mem>>
    %dma_wait3A_152 = tpu.memref_slice %arg4[%mul3A_4] : memref<320000xi32, #tpu.memory_space<hbm>> -> memref<80xi32, #tpu.memory_space<hbm>>
    tpu.wait_dma2 semaphore(%dma_wait3A_151 : memref<!tpu.dma_semaphore, #tpu.memory_space<semaphore_mem>>) src(%dma_wait3A_152 : memref<80xi32, #tpu.memory_space<hbm>>) dst(%arg18 : memref<80xi32, #tpu.memory_space<vmem>>)
    %dma_wait3A_153 = arith.constant 3 : i32
    %dma_wait3A_154 = arith.constant 0 : i32
    %dma_wait3A_155 = arith.constant 0 : i32
    %dma_wait3A_156 = tpu.memref_slice %arg2[%dma_wait3A_154, %dma_wait3A_155] : memref<10000x128xf32, #tpu.memory_space<hbm>> -> memref<10000x128xf32, #tpu.memory_space<hbm>>
    %dma_wait3A_157 = tpu.memref_slice %arg8[%dma_wait3A_153] : memref<4x!tpu.dma_semaphore, #tpu.memory_space<semaphore_mem>> -> memref<1x!tpu.dma_semaphore, #tpu.memory_space<semaphore_mem>>
    %dma_wait3A_158 = tpu.memref_squeeze %dma_wait3A_157 : memref<1x!tpu.dma_semaphore, #tpu.memory_space<semaphore_mem>> -> memref<!tpu.dma_semaphore, #tpu.memory_space<semaphore_mem>>
    tpu.wait_indirect_dma semaphore(%dma_wait3A_158 : memref<!tpu.dma_semaphore, #tpu.memory_space<semaphore_mem>>) src(%dma_wait3A_156 : memref<10000x128xf32, #tpu.memory_space<hbm>>) dst(%arg23 : memref<80x128xf32, #tpu.memory_space<vmem>>)
    %dma_wait3A_159 = arith.constant 3 : i32
    %dma_wait3A_160 = tpu.memref_slice %arg4[%mul3A_4] : memref<320000xi32, #tpu.memory_space<hbm>> -> memref<80xi32, #tpu.memory_space<hbm>>
    %dma_wait3A_161 = tpu.memref_slice %arg11[%dma_wait3A_159] : memref<4x!tpu.dma_semaphore, #tpu.memory_space<semaphore_mem>> -> memref<1x!tpu.dma_semaphore, #tpu.memory_space<semaphore_mem>>
    %dma_wait3A_162 = tpu.memref_squeeze %dma_wait3A_161 : memref<1x!tpu.dma_semaphore, #tpu.memory_space<semaphore_mem>> -> memref<!tpu.dma_semaphore, #tpu.memory_space<semaphore_mem>>
    %dma_wait3A_163 = tpu.memref_slice %arg4[%mul3A_4] : memref<320000xi32, #tpu.memory_space<hbm>> -> memref<80xi32, #tpu.memory_space<hbm>>
    tpu.wait_dma2 semaphore(%dma_wait3A_162 : memref<!tpu.dma_semaphore, #tpu.memory_space<semaphore_mem>>) src(%dma_wait3A_163 : memref<80xi32, #tpu.memory_space<hbm>>) dst(%arg19 : memref<80xi32, #tpu.memory_space<vmem>>)
    %barrier3A_164 = arith.constant 0 : index
    tpu.barrier barrier_id(%barrier3A_164)
    "tpu.region"() ({
      %run_scoped3A = tpu.sem_alloc : memref<!tpu.dma_semaphore, #tpu.memory_space<semaphore_mem>>
      %dma_start3A_165 = arith.constant 0 : i32
      %dma_start3A_166 = tpu.memref_slice %arg6[%arg0, %mul3A_2, %dma_start3A_165] : memref<2x10240x128xf32, #tpu.memory_space<hbm>> -> memref<1x640x128xf32, #tpu.memory_space<hbm>>
      %dma_start3A_167 = tpu.memref_squeeze %dma_start3A_166 : memref<1x640x128xf32, #tpu.memory_space<hbm>> -> memref<640x128xf32, #tpu.memory_space<hbm>>
      %dma_start3A_168 = arith.constant 0 : i32
      %dma_start3A_169 = tpu.memref_slice %arg7[%mul3A_2, %dma_start3A_168] : memref<10240x128xf32, #tpu.memory_space<vmem_shared>> -> memref<640x128xf32, #tpu.memory_space<vmem_shared>>
      tpu.enqueue_dma source(%dma_start3A_169 : memref<640x128xf32, #tpu.memory_space<vmem_shared>>) target(%dma_start3A_167 : memref<640x128xf32, #tpu.memory_space<hbm>>) target_semaphore(%run_scoped3A : memref<!tpu.dma_semaphore, #tpu.memory_space<semaphore_mem>>)
      %dma_wait3A_170 = arith.constant 0 : i32
      %dma_wait3A_171 = tpu.memref_slice %arg6[%arg0, %mul3A_2, %dma_wait3A_170] : memref<2x10240x128xf32, #tpu.memory_space<hbm>> -> memref<1x640x128xf32, #tpu.memory_space<hbm>>
      %dma_wait3A_172 = tpu.memref_squeeze %dma_wait3A_171 : memref<1x640x128xf32, #tpu.memory_space<hbm>> -> memref<640x128xf32, #tpu.memory_space<hbm>>
      %dma_wait3A_173 = arith.constant 0 : i32
      %dma_wait3A_174 = tpu.memref_slice %arg7[%mul3A_2, %dma_wait3A_173] : memref<10240x128xf32, #tpu.memory_space<vmem_shared>> -> memref<640x128xf32, #tpu.memory_space<vmem_shared>>
      tpu.wait_dma2 semaphore(%run_scoped3A : memref<!tpu.dma_semaphore, #tpu.memory_space<semaphore_mem>>) src(%dma_wait3A_174 : memref<640x128xf32, #tpu.memory_space<vmem_shared>>) dst(%dma_wait3A_172 : memref<640x128xf32, #tpu.memory_space<hbm>>)
      tpu.yield
    }) : () -> ()
    return
  }
}

module attributes {stable_mosaic.version = 14 : i64} {
  func.func @_scale_body(%arg0: i32, %arg1: memref<2x2000x128xf32, #tpu.memory_space<vmem>>, %arg2: memref<2000x128xf32, #tpu.memory_space<vmem>>, %arg3: memref<128x128xf32, #tpu.memory_space<vmem>>, %arg4: memref<2000x128xf32, #tpu.memory_space<vmem>>, %arg5: memref<2000x128xf32, #tpu.memory_space<vmem>>) attributes {dimension_semantics = [#tpu.dimension_semantics<arbitrary>], iteration_bounds = array<i64: 5>, scalar_prefetch = 0 : i64, scratch_operands = 0 : i64, tpu.core_type = #tpu.core_type<tc>, window_params = [{transform_indices = @transform_0, window_bounds = array<i64: 2, 2000, 128>}, {transform_indices = @transform_1, window_bounds = array<i64: 2000, 128>}, {pipeline_mode = #tpu.pipeline_mode<synchronous>, transform_indices = @transform_2, window_bounds = array<i64: 128, 128>}, {transform_indices = @transform_3, window_bounds = array<i64: 2000, 128>}, {transform_indices = @transform_4, window_bounds = array<i64: 2000, 128>}]} {
    %get3A = arith.constant 0 : index
    %get3A_0 = arith.constant 0 : index
    %get3A_1 = arith.constant 0 : index
    %get3A_2 = vector.load %arg1[%get3A, %get3A_0, %get3A_1] : memref<2x2000x128xf32, #tpu.memory_space<vmem>>, vector<2x2000x128xf32>
    %slice3A = vector.extract_strided_slice %get3A_2 {offsets = [0, 0, 0], sizes = [1, 2000, 1], strides = [1, 1, 1]} : vector<2x2000x128xf32> to vector<1x2000x1xf32>
    %squeeze3A = vector.shape_cast %slice3A : vector<1x2000x1xf32> to vector<2000x1xf32>
    %slice3A_3 = vector.extract_strided_slice %get3A_2 {offsets = [1, 0, 0], sizes = [1, 2000, 1], strides = [1, 1, 1]} : vector<2x2000x128xf32> to vector<1x2000x1xf32>
    %squeeze3A_4 = vector.shape_cast %slice3A_3 : vector<1x2000x1xf32> to vector<2000x1xf32>
    %add3A = arith.addf %squeeze3A, %squeeze3A_4 : vector<2000x1xf32>
    %gt3A = arith.constant 0.000000e+00 : f32
    %gt3A_5 = vector.broadcast %gt3A : f32 to vector<2000x1xf32>
    %gt3A_6 = arith.cmpf ogt, %add3A, %gt3A_5 : vector<2000x1xf32>
    %max3A = arith.constant 9.99999996E-13 : f32
    %max3A_7 = vector.broadcast %max3A : f32 to vector<2000x1xf32>
    %max3A_8 = arith.maximumf %add3A, %max3A_7 : vector<2000x1xf32>
    %sqrt3A = math.sqrt %max3A_8 : vector<2000x1xf32>
    %div3A = arith.constant 1.000000e+00 : f32
    %div3A_9 = vector.broadcast %div3A : f32 to vector<2000x1xf32>
    %div3A_10 = arith.divf %div3A_9, %sqrt3A : vector<2000x1xf32>
    %jit3A = arith.constant 0.000000e+00 : f32
    %broadcast_in_dim3A = vector.broadcast %jit3A : f32 to vector<2000x1xf32>
    %select_n3A = arith.select %gt3A_6, %div3A_10, %broadcast_in_dim3A : vector<2000x1xi1>, vector<2000x1xf32>
    %broadcast_in_dim3A_11 = vector.shape_cast %select_n3A : vector<2000x1xf32> to vector<2000x1xf32>
    %broadcast_in_dim3A_12 = vector.broadcast %broadcast_in_dim3A_11 : vector<2000x1xf32> to vector<2000x128xf32>
    %get3A_13 = arith.constant 0 : index
    %get3A_14 = arith.constant 0 : index
    %get3A_15 = vector.load %arg2[%get3A_13, %get3A_14] : memref<2000x128xf32, #tpu.memory_space<vmem>>, vector<2000x128xf32>
    %get3A_16 = arith.constant 0 : index
    %get3A_17 = arith.constant 0 : index
    %get3A_18 = vector.load %arg3[%get3A_16, %get3A_17] : memref<128x128xf32, #tpu.memory_space<vmem>>, vector<128x128xf32>
    %dot_general3A = arith.constant dense<0.000000e+00> : vector<2000x128xf32>
    %dot_general3A_19 = tpu.matmul %get3A_15, %get3A_18, %dot_general3A {dimension_numbers = #tpu.dot_dimension_numbers<[1], [0], [0], [1], [0, 0, 1, 1], [], []>, transpose_lhs_hint = false} : vector<2000x128xf32>, vector<128x128xf32>, vector<2000x128xf32> -> vector<2000x128xf32>
    %swap3A = arith.constant 0 : index
    %swap3A_20 = arith.constant 0 : index
    %swap3A_21 = vector.load %arg4[%swap3A, %swap3A_20] : memref<2000x128xf32, #tpu.memory_space<vmem>>, vector<2000x128xf32>
    tpu.vector_store %arg4[%swap3A, %swap3A_20], %broadcast_in_dim3A_12 {strides = array<i32>} : memref<2000x128xf32, #tpu.memory_space<vmem>>, vector<2000x128xf32>,
    %mul3A = arith.mulf %dot_general3A_19, %broadcast_in_dim3A_12 : vector<2000x128xf32>
    %swap3A_22 = arith.constant 0 : index
    %swap3A_23 = arith.constant 0 : index
    %swap3A_24 = vector.load %arg5[%swap3A_22, %swap3A_23] : memref<2000x128xf32, #tpu.memory_space<vmem>>, vector<2000x128xf32>
    tpu.vector_store %arg5[%swap3A_22, %swap3A_23], %mul3A {strides = array<i32>} : memref<2000x128xf32, #tpu.memory_space<vmem>>, vector<2000x128xf32>,
    return
  }
  func.func @transform_0(%arg0: i32) -> (i32, i32, i32) {
    %c0_i32 = arith.constant 0 : i32
    %c0_i32_0 = arith.constant 0 : i32
    %c0_i32_1 = arith.constant 0 : i32
    return %c0_i32, %arg0, %c0_i32_0 : i32, i32, i32
  }
  func.func @transform_1(%arg0: i32) -> (i32, i32) {
    %c0_i32 = arith.constant 0 : i32
    %c0_i32_0 = arith.constant 0 : i32
    return %arg0, %c0_i32 : i32, i32
  }
  func.func @transform_2(%arg0: i32) -> (i32, i32) {
    %c0_i32 = arith.constant 0 : i32
    %c0_i32_0 = arith.constant 0 : i32
    %c0_i32_1 = arith.constant 0 : i32
    return %c0_i32, %c0_i32_0 : i32, i32
  }
  func.func @transform_3(%arg0: i32) -> (i32, i32) {
    %c0_i32 = arith.constant 0 : i32
    %c0_i32_0 = arith.constant 0 : i32
    return %arg0, %c0_i32 : i32, i32
  }
  func.func @transform_4(%arg0: i32) -> (i32, i32) {
    %c0_i32 = arith.constant 0 : i32
    %c0_i32_0 = arith.constant 0 : i32
    return %arg0, %c0_i32 : i32, i32
  }
}

module attributes {stable_mosaic.version = 14 : i64} {
  func.func @_mid_body(%arg0: i32, %arg1: memref<2x2000x128xf32, #tpu.memory_space<vmem>>, %arg2: memref<2000x128xf32, #tpu.memory_space<vmem>>, %arg3: memref<1x128xf32, #tpu.memory_space<vmem>>, %arg4: memref<128x128xf32, #tpu.memory_space<vmem>>, %arg5: memref<2000x128xf32, #tpu.memory_space<vmem>>) attributes {dimension_semantics = [#tpu.dimension_semantics<arbitrary>], iteration_bounds = array<i64: 5>, scalar_prefetch = 0 : i64, scratch_operands = 0 : i64, tpu.core_type = #tpu.core_type<tc>, window_params = [{transform_indices = @transform_0, window_bounds = array<i64: 2, 2000, 128>}, {transform_indices = @transform_1, window_bounds = array<i64: 2000, 128>}, {pipeline_mode = #tpu.pipeline_mode<synchronous>, transform_indices = @transform_2, window_bounds = array<i64: 1, 128>}, {pipeline_mode = #tpu.pipeline_mode<synchronous>, transform_indices = @transform_3, window_bounds = array<i64: 128, 128>}, {transform_indices = @transform_4, window_bounds = array<i64: 2000, 128>}]} {
    %get3A = arith.constant 0 : index
    %get3A_0 = arith.constant 0 : index
    %get3A_1 = arith.constant 0 : index
    %get3A_2 = vector.load %arg1[%get3A, %get3A_0, %get3A_1] : memref<2x2000x128xf32, #tpu.memory_space<vmem>>, vector<2x2000x128xf32>
    %get3A_3 = arith.constant 0 : index
    %get3A_4 = arith.constant 0 : index
    %get3A_5 = vector.load %arg2[%get3A_3, %get3A_4] : memref<2000x128xf32, #tpu.memory_space<vmem>>, vector<2000x128xf32>
    %slice3A = vector.extract_strided_slice %get3A_2 {offsets = [0, 0, 0], sizes = [1, 2000, 128], strides = [1, 1, 1]} : vector<2x2000x128xf32> to vector<1x2000x128xf32>
    %squeeze3A = vector.shape_cast %slice3A : vector<1x2000x128xf32> to vector<2000x128xf32>
    %slice3A_6 = vector.extract_strided_slice %get3A_2 {offsets = [1, 0, 0], sizes = [1, 2000, 128], strides = [1, 1, 1]} : vector<2x2000x128xf32> to vector<1x2000x128xf32>
    %squeeze3A_7 = vector.shape_cast %slice3A_6 : vector<1x2000x128xf32> to vector<2000x128xf32>
    %add3A = arith.addf %squeeze3A, %squeeze3A_7 : vector<2000x128xf32>
    %mul3A = arith.mulf %get3A_5, %add3A : vector<2000x128xf32>
    %get3A_8 = arith.constant 0 : index
    %get3A_9 = arith.constant 0 : index
    %get3A_10 = vector.load %arg3[%get3A_8, %get3A_9] : memref<1x128xf32, #tpu.memory_space<vmem>>, vector<1x128xf32>
    %add3A_11 = vector.broadcast %get3A_10 : vector<1x128xf32> to vector<2000x128xf32>
    %add3A_12 = arith.addf %mul3A, %add3A_11 : vector<2000x128xf32>
    %max3A = arith.constant 0.000000e+00 : f32
    %max3A_13 = vector.broadcast %max3A : f32 to vector<2000x128xf32>
    %max3A_14 = arith.maximumf %add3A_12, %max3A_13 : vector<2000x128xf32>
    %get3A_15 = arith.constant 0 : index
    %get3A_16 = arith.constant 0 : index
    %get3A_17 = vector.load %arg4[%get3A_15, %get3A_16] : memref<128x128xf32, #tpu.memory_space<vmem>>, vector<128x128xf32>
    %dot_general3A = arith.constant dense<0.000000e+00> : vector<2000x128xf32>
    %dot_general3A_18 = tpu.matmul %max3A_14, %get3A_17, %dot_general3A {dimension_numbers = #tpu.dot_dimension_numbers<[1], [0], [0], [1], [0, 0, 1, 1], [], []>, transpose_lhs_hint = false} : vector<2000x128xf32>, vector<128x128xf32>, vector<2000x128xf32> -> vector<2000x128xf32>
    %mul3A_19 = arith.mulf %dot_general3A_18, %get3A_5 : vector<2000x128xf32>
    %swap3A = arith.constant 0 : index
    %swap3A_20 = arith.constant 0 : index
    %swap3A_21 = vector.load %arg5[%swap3A, %swap3A_20] : memref<2000x128xf32, #tpu.memory_space<vmem>>, vector<2000x128xf32>
    tpu.vector_store %arg5[%swap3A, %swap3A_20], %mul3A_19 {strides = array<i32>} : memref<2000x128xf32, #tpu.memory_space<vmem>>, vector<2000x128xf32>,
    return
  }
  func.func @transform_0(%arg0: i32) -> (i32, i32, i32) {
    %c0_i32 = arith.constant 0 : i32
    %c0_i32_0 = arith.constant 0 : i32
    %c0_i32_1 = arith.constant 0 : i32
    return %c0_i32, %arg0, %c0_i32_0 : i32, i32, i32
  }
  func.func @transform_1(%arg0: i32) -> (i32, i32) {
    %c0_i32 = arith.constant 0 : i32
    %c0_i32_0 = arith.constant 0 : i32
    return %arg0, %c0_i32 : i32, i32
  }
  func.func @transform_2(%arg0: i32) -> (i32, i32) {
    %c0_i32 = arith.constant 0 : i32
    %c0_i32_0 = arith.constant 0 : i32
    %c0_i32_1 = arith.constant 0 : i32
    return %c0_i32, %c0_i32_0 : i32, i32
  }
  func.func @transform_3(%arg0: i32) -> (i32, i32) {
    %c0_i32 = arith.constant 0 : i32
    %c0_i32_0 = arith.constant 0 : i32
    %c0_i32_1 = arith.constant 0 : i32
    return %c0_i32, %c0_i32_0 : i32, i32
  }
  func.func @transform_4(%arg0: i32) -> (i32, i32) {
    %c0_i32 = arith.constant 0 : i32
    %c0_i32_0 = arith.constant 0 : i32
    return %arg0, %c0_i32 : i32, i32
  }
}

module attributes {stable_mosaic.version = 14 : i64} {
  func.func @_head_body(%arg0: i32, %arg1: memref<2x2000x128xf32, #tpu.memory_space<vmem>>, %arg2: memref<2000x128xf32, #tpu.memory_space<vmem>>, %arg3: memref<1x128xf32, #tpu.memory_space<vmem>>, %arg4: memref<128x40xf32, #tpu.memory_space<vmem>>, %arg5: memref<1x40xf32, #tpu.memory_space<vmem>>, %arg6: memref<2000x40xf32, #tpu.memory_space<vmem>>) attributes {dimension_semantics = [#tpu.dimension_semantics<arbitrary>], iteration_bounds = array<i64: 5>, scalar_prefetch = 0 : i64, scratch_operands = 0 : i64, tpu.core_type = #tpu.core_type<tc>, window_params = [{transform_indices = @transform_0, window_bounds = array<i64: 2, 2000, 128>}, {transform_indices = @transform_1, window_bounds = array<i64: 2000, 128>}, {pipeline_mode = #tpu.pipeline_mode<synchronous>, transform_indices = @transform_2, window_bounds = array<i64: 1, 128>}, {pipeline_mode = #tpu.pipeline_mode<synchronous>, transform_indices = @transform_3, window_bounds = array<i64: 128, 40>}, {pipeline_mode = #tpu.pipeline_mode<synchronous>, transform_indices = @transform_4, window_bounds = array<i64: 1, 40>}, {transform_indices = @transform_5, window_bounds = array<i64: 2000, 40>}]} {
    %get3A = arith.constant 0 : index
    %get3A_0 = arith.constant 0 : index
    %get3A_1 = arith.constant 0 : index
    %get3A_2 = vector.load %arg1[%get3A, %get3A_0, %get3A_1] : memref<2x2000x128xf32, #tpu.memory_space<vmem>>, vector<2x2000x128xf32>
    %get3A_3 = arith.constant 0 : index
    %get3A_4 = arith.constant 0 : index
    %get3A_5 = vector.load %arg2[%get3A_3, %get3A_4] : memref<2000x128xf32, #tpu.memory_space<vmem>>, vector<2000x128xf32>
    %slice3A = vector.extract_strided_slice %get3A_2 {offsets = [0, 0, 0], sizes = [1, 2000, 128], strides = [1, 1, 1]} : vector<2x2000x128xf32> to vector<1x2000x128xf32>
    %squeeze3A = vector.shape_cast %slice3A : vector<1x2000x128xf32> to vector<2000x128xf32>
    %slice3A_6 = vector.extract_strided_slice %get3A_2 {offsets = [1, 0, 0], sizes = [1, 2000, 128], strides = [1, 1, 1]} : vector<2x2000x128xf32> to vector<1x2000x128xf32>
    %squeeze3A_7 = vector.shape_cast %slice3A_6 : vector<1x2000x128xf32> to vector<2000x128xf32>
    %add3A = arith.addf %squeeze3A, %squeeze3A_7 : vector<2000x128xf32>
    %mul3A = arith.mulf %get3A_5, %add3A : vector<2000x128xf32>
    %get3A_8 = arith.constant 0 : index
    %get3A_9 = arith.constant 0 : index
    %get3A_10 = vector.load %arg3[%get3A_8, %get3A_9] : memref<1x128xf32, #tpu.memory_space<vmem>>, vector<1x128xf32>
    %add3A_11 = vector.broadcast %get3A_10 : vector<1x128xf32> to vector<2000x128xf32>
    %add3A_12 = arith.addf %mul3A, %add3A_11 : vector<2000x128xf32>
    %max3A = arith.constant 0.000000e+00 : f32
    %max3A_13 = vector.broadcast %max3A : f32 to vector<2000x128xf32>
    %max3A_14 = arith.maximumf %add3A_12, %max3A_13 : vector<2000x128xf32>
    %get3A_15 = arith.constant 0 : index
    %get3A_16 = arith.constant 0 : index
    %get3A_17 = vector.load %arg4[%get3A_15, %get3A_16] : memref<128x40xf32, #tpu.memory_space<vmem>>, vector<128x40xf32>
    %dot_general3A = arith.constant dense<0.000000e+00> : vector<2000x40xf32>
    %dot_general3A_18 = tpu.matmul %max3A_14, %get3A_17, %dot_general3A {dimension_numbers = #tpu.dot_dimension_numbers<[1], [0], [0], [1], [0, 0, 1, 1], [], []>, transpose_lhs_hint = false} : vector<2000x128xf32>, vector<128x40xf32>, vector<2000x40xf32> -> vector<2000x40xf32>
    %get3A_19 = arith.constant 0 : index
    %get3A_20 = arith.constant 0 : index
    %get3A_21 = vector.load %arg5[%get3A_19, %get3A_20] : memref<1x40xf32, #tpu.memory_space<vmem>>, vector<1x40xf32>
    %add3A_22 = vector.broadcast %get3A_21 : vector<1x40xf32> to vector<2000x40xf32>
    %add3A_23 = arith.addf %dot_general3A_18, %add3A_22 : vector<2000x40xf32>
    %reduce_max3A = arith.constant dense<0xFF800000> : vector<2000xf32>
    %reduce_max3A_24 = vector.multi_reduction <maximumf>, %add3A_23, %reduce_max3A [1] : vector<2000x40xf32> to vector<2000xf32>
    %broadcast_in_dim3A = vector.shape_cast %reduce_max3A_24 : vector<2000xf32> to vector<2000x1xf32>
    %sub3A = vector.broadcast %broadcast_in_dim3A : vector<2000x1xf32> to vector<2000x40xf32>
    %sub3A_25 = arith.subf %add3A_23, %sub3A : vector<2000x40xf32>
    %exp3A = math.exp %sub3A_25 : vector<2000x40xf32>
    %reduce_sum3A = arith.constant dense<0.000000e+00> : vector<2000xf32>
    %reduce_sum3A_26 = vector.multi_reduction <add>, %exp3A, %reduce_sum3A [1] : vector<2000x40xf32> to vector<2000xf32>
    %broadcast_in_dim3A_27 = vector.shape_cast %reduce_sum3A_26 : vector<2000xf32> to vector<2000x1xf32>
    %log3A = math.log %broadcast_in_dim3A_27 : vector<2000x1xf32>
    %sub3A_28 = vector.broadcast %log3A : vector<2000x1xf32> to vector<2000x40xf32>
    %sub3A_29 = arith.subf %sub3A_25, %sub3A_28 : vector<2000x40xf32>
    %swap3A = arith.constant 0 : index
    %swap3A_30 = arith.constant 0 : index
    %swap3A_31 = vector.load %arg6[%swap3A, %swap3A_30] : memref<2000x40xf32, #tpu.memory_space<vmem>>, vector<2000x40xf32>
    tpu.vector_store %arg6[%swap3A, %swap3A_30], %sub3A_29 {strides = array<i32>} : memref<2000x40xf32, #tpu.memory_space<vmem>>, vector<2000x40xf32>,
    return
  }
  func.func @transform_0(%arg0: i32) -> (i32, i32, i32) {
    %c0_i32 = arith.constant 0 : i32
    %c0_i32_0 = arith.constant 0 : i32
    %c0_i32_1 = arith.constant 0 : i32
    return %c0_i32, %arg0, %c0_i32_0 : i32, i32, i32
  }
  func.func @transform_1(%arg0: i32) -> (i32, i32) {
    %c0_i32 = arith.constant 0 : i32
    %c0_i32_0 = arith.constant 0 : i32
    return %arg0, %c0_i32 : i32, i32
  }
  func.func @transform_2(%arg0: i32) -> (i32, i32) {
    %c0_i32 = arith.constant 0 : i32
    %c0_i32_0 = arith.constant 0 : i32
    %c0_i32_1 = arith.constant 0 : i32
    return %c0_i32, %c0_i32_0 : i32, i32
  }
  func.func @transform_3(%arg0: i32) -> (i32, i32) {
    %c0_i32 = arith.constant 0 : i32
    %c0_i32_0 = arith.constant 0 : i32
    %c0_i32_1 = arith.constant 0 : i32
    return %c0_i32, %c0_i32_0 : i32, i32
  }
  func.func @transform_4(%arg0: i32) -> (i32, i32) {
    %c0_i32 = arith.constant 0 : i32
    %c0_i32_0 = arith.constant 0 : i32
    %c0_i32_1 = arith.constant 0 : i32
    return %c0_i32, %c0_i32_0 : i32, i32
  }
  func.func @transform_5(%arg0: i32) -> (i32, i32) {
    %c0_i32 = arith.constant 0 : i32
    %c0_i32_0 = arith.constant 0 : i32
    return %arg0, %c0_i32 : i32, i32
  }
}

</mosaic_0001>

<sc_bundles>
// kernel: kernel.11.cloned.1.call-start
scs
__scs_entry_jumppad:
0x0: {  	(pc) =	sbr.rel $0x88, $3  }
0x1: {  	(tag) =	ssettag $0x0;
	lr =	simm.s32 $0x1  }
0x2: {  	[smem:$0x3F99] =	sst lr;
	_ =	strace $0xD0000000  }
0x3: {  	_ = 	snop  }
0x4: {  	_ = 	snop  }
0x5: {  	_ = 	snop  }
0x6: {  	_ = 	snop  }
0x7: {  	_ = 	snop  }
__scs_overlays_trampoline_lowered:
0x8: {  	[smem:$0x3FA8] =	sst s0  }
0x9: {  	[smem:$0x3FA9] =	sst s1  }
0xa: {  	[smem:$0x3FAA] =	sst s2  }
0xb: {  	[smem:$0x3FAB] =	sst s3  }
0xc: {  	[smem:$0x3FAC] =	sst s4  }
0xd: {  	[smem:$0x3FAD] =	sst s5  }
0xe: {  	[smem:$0x3FAE] =	sst s6  }
0xf: {  	[smem:$0x3FAF] =	sst s7  }
0x10: {  	[smem:$0x3FB0] =	sst s8  }
0x11: {  	[smem:$0x3FB1] =	sst s9;
	s0 =	simm.s32 @!p0 $0x0  }
0x12: {  	s1 =	sld [smem:$0x3F97];
	s0 =	simm.s32 @p0 $0x1  }
0x13: {  	[smem:$0x3FB2] =	sst s0;
	s0 =	simm.s32 @!p1 $0x0  }
0x14: {  	s2 =	sld [smem:$0x3F96];
	s0 =	simm.s32 @p1 $0x1  }
0x15: {  	[smem:$0x3FB3] =	sst s0;
	s0 =	simm.s32 @!p2 $0x0  }
0x16: {  	s3 =	sld [smem:$0x3FDB];
	s0 =	simm.s32 @p2 $0x1  }
0x17: {  	s4 =	simm.s32 $0x1BF5;
	[smem:$0x3FB5] =	sst s0  }
0x18: {  	s0 =	sld [smem:$0x3F98];
	_ =	swait.ge [sflag:s4], $0x0  }
0x19: {  	s7 =	sld [smem:$0x3F99]  }
0x1a: {  	s8 =	sadd.s32 $0xFFFFE003, lr  }
0x1b: {  	s9 =	sadd.s32 $0xFFFFFEF7, lr;
	s5 =	simm.s32 $0xFFFFFFFF;
	p2 =	slt.u32 s8, $0xFFFFF086  }
0x1c: {  	p1 =	slt.u32 s9, $0xF7A;
	s5 =	simm.s32 @!p2 $0x0  }
0x1d: {  	s5 =	simm.s32 @p1 $0x1;
	p0 =	seq.s32 s7, s2  }
0x1e: {  	s7 =	smul.u32 @!p0 $0xF7A, s2;
	p2 =	seq.s32 @!p0 s5, $0x0  }
0x1f: {  	s9 =	smul.u32 $0xF7A, s1;
	s8 =	simm.s32 @!p0 $0x1BF5;
	p2 =	por !p2, p0  }
0x20: {  	[sflag:s8] =	ssyncset.s32 @!p0 $0xFFFFF086;
	s6 =	sadd.s32 @!p0 s3, s7;
	s7 =	simm.s32 @!p0 $0x108  }
0x21: {  	s3 =	sadd.s32 s3, s9;
	s6 =	sadd.s32 @!p0 $0x88, s6;
	s7 =	simm.s32 @p2 $0x1082  }
0x22: {  	[simem:s7], [sflag:s8] =	dma.local @!p0 [hbm:s6], $0xF7A  }
0x23: {  	s9 =	sor.u32 $0xD0000000, s2;
	s6 =	simm.s32 $0x108;
	_ =	swait.ge @!p0 [sflag:s8], $0x0  }
0x24: {  	s3 =	sadd.s32 $0x88, s3;
	s6 =	simm.s32 @!p1 $0x1082;
	[sflag:s4] =	ssyncset.s32 $0xFFFFF086  }
0x25: {  	[simem:s6], [sflag:s4] =	dma.local [hbm:s3], $0xF7A  }
0x26: {  	[smem:$0x3F99] =	sst s1;
	(tag) =	ssettag s2;
	_ =	strace s9  }
0x27: {  	s1 =	sld [smem:$0x3FA9]  }
0x28: {  	s2 =	sld [smem:$0x3FAA]  }
0x29: {  	s4 =	sld [smem:$0x3FAC]  }
0x2a: {  	p0 =	seq.s32 s5, $0x0;
	s5 =	sld [smem:$0x3FAD]  }
0x2b: {  	s6 =	sld [smem:$0x3FAE]  }
0x2c: {  	s7 =	sld [smem:$0x3FAF]  }
0x2d: {  	s3 =	simm.s32 $0x108;
	s8 =	sld [smem:$0x3FB0]  }
0x2e: {  	s3 =	simm.s32 @!p0 $0x1082;
	s9 =	sld [smem:$0x3FB1]  }
0x2f: {  	lr =	sadd.s32 s0, s3;
	s0 =	sld [smem:$0x3FA8]  }
0x30: {  	s3 =	sld [smem:$0x3FAB]  }
0x31: {  	[smem:$0x3FB4] =	sst s10  }
0x32: {  	s10 =	sld [smem:$0x3FB2];
	_ =	sdelay $0x3  }
0x33: {  	p0 =	seq.s32 s10, $0x1;
	s10 =	sld [smem:$0x3FB4];
	_ =	sdelay $0x3  }
0x34: {  	[smem:$0x3FB4] =	sst s10  }
0x35: {  	s10 =	sld [smem:$0x3FB3];
	_ =	sdelay $0x3  }
0x36: {  	p1 =	seq.s32 s10, $0x1;
	s10 =	sld [smem:$0x3FB4];
	_ =	sdelay $0x3  }
0x37: {  	[smem:$0x3FB4] =	sst s10  }
0x38: {  	s10 =	sld [smem:$0x3FB5]  }
0x39: {  	_ = 	snop;
	(pc) =	sbr.ind lr, $3  }
0x3a: {  	_ = 	snop  }
0x3b: {  	_ = 	snop  }
0x3c: {  	p2 =	seq.s32 s10, $0x1;
	s10 =	sld [smem:$0x3FB4]  }
0x3d: {  	_ =	shalt  }
0x3e: {  	_ =	shalt  }
0x3f: {  	_ =	shalt  }
0x40: {  	_ =	shalt  }
0x41: {  	_ =	shalt  }
0x42: {  	_ =	shalt  }
0x43: {  	_ =	shalt  }
0x44: {  	_ =	shalt  }
0x45: {  	_ =	shalt  }
0x46: {  	_ =	shalt  }
0x47: {  	_ =	shalt  }
0x48: {  	_ =	shalt  }
0x49: {  	_ =	shalt  }
0x4a: {  	_ =	shalt  }
0x4b: {  	_ =	shalt  }
0x4c: {  	_ =	shalt  }
0x4d: {  	_ =	shalt  }
0x4e: {  	_ =	shalt  }
0x4f: {  	_ =	shalt  }
0x50: {  	_ =	shalt  }
0x51: {  	_ =	shalt  }
0x52: {  	_ =	shalt  }
0x53: {  	_ =	shalt  }
0x54: {  	_ =	shalt  }
0x55: {  	_ =	shalt  }
0x56: {  	_ =	shalt  }
0x57: {  	_ =	shalt  }
0x58: {  	_ =	shalt  }
0x59: {  	_ =	shalt  }
0x5a: {  	_ =	shalt  }
0x5b: {  	_ =	shalt  }
0x5c: {  	_ =	shalt  }
0x5d: {  	_ =	shalt  }
0x5e: {  	_ =	shalt  }
0x5f: {  	_ =	shalt  }
0x60: {  	_ =	shalt  }
0x61: {  	_ =	shalt  }
0x62: {  	_ =	shalt  }
0x63: {  	_ =	shalt  }
0x64: {  	_ =	shalt  }
0x65: {  	_ =	shalt  }
0x66: {  	_ =	shalt  }
0x67: {  	_ =	shalt  }
0x68: {  	_ =	shalt  }
0x69: {  	_ =	shalt  }
0x6a: {  	_ =	shalt  }
0x6b: {  	_ =	shalt  }
0x6c: {  	_ =	shalt  }
0x6d: {  	_ =	shalt  }
0x6e: {  	_ =	shalt  }
0x6f: {  	_ =	shalt  }
0x70: {  	_ =	shalt  }
0x71: {  	_ =	shalt  }
0x72: {  	_ =	shalt  }
0x73: {  	_ =	shalt  }
0x74: {  	_ =	shalt  }
0x75: {  	_ =	shalt  }
0x76: {  	_ =	shalt  }
0x77: {  	_ =	shalt  }
0x78: {  	_ =	shalt  }
0x79: {  	_ =	shalt  }
0x7a: {  	_ =	shalt  }
0x7b: {  	_ =	shalt  }
0x7c: {  	_ =	shalt  }
0x7d: {  	_ =	shalt  }
0x7e: {  	_ =	shalt  }
0x7f: {  	_ =	shalt  }
0x80: {  	_ =	shalt  }
0x81: {  	_ =	shalt  }
0x82: {  	_ =	shalt  }
0x83: {  	_ =	shalt  }
0x84: {  	_ =	shalt  }
0x85: {  	_ =	shalt  }
0x86: {  	_ =	shalt  }
0x87: {  	_ =	shalt  }
.Lfunc_end0:
.L_simem_size_0:
called_computation.1_lowered:
.L_overlay_start_0:
0x88: {  	s2 =	sld [smem:$0x3FD9]  }
0x89: {  	s3 =	sld [smem:$0x3FFE];
	_ =	sdelay $0x1  }
0x8a: {  	s1 =	srdreg.scid  }
0x8b: {  	s0 =	sand.u32 $0x1, s1  }
0x8c: {  	s17 =	sshll.u32 s0, $0xA;
	s2 =	sadd.s32 s3, s2  }
0x8d: {  	s2 =	sadd.s32 s2, s17  }
0x8e: {  	[smem:$0x3FC0] =	sst s2  }
0x8f: {  	_ = 	snop  }
0x90: {  	s2 =	sld [smem:$0x3FD0];
	(tm) =	ssettm $0x1  }
0x91: {  	s18 =	sld [smem:$0x3FFB];
	_ =	sdelay $0x3  }
0x92: {  	_ =	strace s18  }
0x93: {  	s3 =	sld [smem:$0x3FFC];
	_ =	sdelay $0x3  }
0x94: {  	_ =	strace s3  }
0x95: {  	s3 =	sld [smem:$0x3FFD];
	_ =	sdelay $0x3  }
0x96: {  	_ =	strace s3  }
0x97: {  	_ =	strace $0x8FFFFFFF  }
0x98: {  	s19 =	sld [smem:$0x3FDB];
	_ =	sdelay $0x1  }
0x99: {  	s4 =	simm.s32 $_scs_section_size  }
0x9a: {  	s5 =	simm.s32 $_size__tile_overlayer_lowered;
	s6 =	simm.s32 $_tile_overlayer_lowered  }
0x9b: {  	s22 =	simm.s32 $0x1BFF;
	s21 =	sshll.u32 s6, $0x1;
	s3 =	sadd.s32 s4, s19  }
0x9c: {  	s7 =	simm.s32 $0x0;
	s20 =	sshll.u32 s5, $0x1;
	s5 =	sadd.s32 s21, s3  }
0x9d: {  	[timem:s7], [sflag:s22] =	dma.local [hbm:s5], s20  }
0x9e: {  	_ =	swait.ge [sflag:s22], s20  }
0x9f: {  	s4 =	ssub.s32 $0x0, s20;
	[sflag:s22] =	ssyncset.done $0x0  }
0xa0: {  	[sflag:s22] =	ssyncadd.s32 s4;
	_ =	sdelay $0x1  }
0xa1: {  	s23 =	simm.s32 $0x1B8B  }
0xa2: {  	_ =	swait.ge [sflag:s23], $0x1  }
0xa3: {  	[sflag:s23] =	ssyncset.done $0x0  }
0xa4: {  	s25 =	simm.s32 $0x1B8E;
	s24 =	sld [smem:$0x3FFE];
	[sflag:s23] =	ssyncadd.s32 $0xFFFFFFFF  }
0xa5: {  	s26 =	simm.s32 $execute0_lowered;
	[smem:$0x3FD2] =	sst s25  }
0xa6: {  	s5 =	sshll.u32 s26, $0x1;
	_ =	strace $0x80000049;
	[dreg:$0x1] =	wrdreg $0xFFFFFFFF  }
0xa7: {  	s28 =	simm.s32 $_size_execute0_lowered;
	s3 =	sadd.s32 s3, s5;
	[dreg:$0x0] =	wrdreg $0x0  }
0xa8: {  	s5 =	sshll.u32 s28, $0x1;
	[dreg:$0x2] =	wrdreg s3  }
0xa9: {  	[dreg:$0x3] =	wrdreg s5  }
0xaa: {  	[dreg:$0x4] =	wrdreg $0xC0  }
0xab: {  	_ =	task [dreg:s7], $0x5FFFF  }
0xac: {  	[dreg:$0x1] =	wrdreg $0xFFFFFFFF  }
0xad: {  	[dreg:$0x0] =	wrdreg $0x60  }
0xae: {  	[dreg:$0x2] =	wrdreg s24  }
0xaf: {  	[dreg:$0x3] =	wrdreg s2  }
0xb0: {  	[dreg:$0x4] =	wrdreg $0x0  }
0xb1: {  	[dreg:$0x5] =	wrdreg $0x9  }
0xb2: {  	_ =	task.clear_ibuf [dreg:s7], $0x6FFFF;
	_ =	strace $0x90000049  }
0xb3: {  	s29 =	simm.s32 $0x9;
	_ =	strace $0x8000004B  }
0xb4: {  	_ =	swait.ge [sflag:s29], $0x1  }
0xb5: {  	[sflag:s29] =	ssyncadd.s32 $0xFFFFFFFF  }
0xb6: {  	_ =	strace $0x9000004B  }
0xb7: {  	_ =	sfence  }
0xb8: {  	s30 =	sld [smem:$0x0];
	_ =	sdelay $0x2  }
0xb9: {  	s31 =	sshll.u32 s1, $0xD;
	s1 =	sshrl.u32 s1, $0x2  }
0xba: {  	s3 =	sand.u32 $0x4000, s31;
	s1 =	sadd.s32 s1, s30  }
0xbb: {  	s0 =	sor.u32 s3, s0;
	s1 =	sshll.u32 s1, $0x11  }
0xbc: {  	s0 =	sor.u32 s1, s0  }
0xbd: {  	s0 =	sadd.s32 $0x8F2B, s0  }
0xbe: {  	[sflag:s0] =	ssyncadd.remote.s32 $0x1  }
0xbf: {  	_ =	sfence.sel $0xFFFF  }
0xc0: {  	[dreg:$0x0] =	wrdreg $0xFFFFFFFF;
	(pc) =	sbr.abs _section_cstart, $3  }
0xc1: {  	[dreg:$0x1] =	wrdreg $0xFFFFFFFF  }
0xc2: {  	_ =	task.clear_ibuf [dreg:s7], $0x2FFFF;
	_ =	strace $0x9FFFFFFF  }
0xc3: {  	(tm) =	ssettm $0x7FFFFFFF  }
tec
execute0_lowered:
.L_overlay_start_1:
0x0: {  	(tag) =	ssettag $0x1  }
0x1: {  	s0 =	rddreg [dreg:$0x0]  }
0x2: {  	s2 =	rddreg [dreg:$0x1]  }
0x3: {  	s1 =	rddreg [dreg:$0x2]  }
0x4: {  	s3 =	srdreg.scid;
	s4 =	simm.s32 $0x0;
	s12 =	stileid.u32  }
0x5: {  	s28 =	simm.s32 $0x14280;
	s29 =	simm.s32 $0x14100;
	s30 =	simm.s32 $0x16C00  }
0x6: {  	s31 =	simm.s32 $0xB;
	s3 =	sand.u32 $0x1, s3;
	s8 =	smul.u32 $0x14000, s12  }
0x7: {  	[smem:$0x7FF] =	sst s4;
	s5 =	sadd.s32 $0x1EA00, s0;
	s10 =	smul.u32 $0x50000, s12  }
0x8: {  	s11 =	sshll.u32 s12, $0x1;
	s16 =	sshll.u32 s12, $0x6;
	s12 =	smul.u32 $0x4E20, s12  }
0x9: {  	s6 =	sadd.s32 $0x2400, s0;
	s9 =	sadd.s32 $0x1C200, s0;
	s7 =	smul.u32 $0x140000, s3  }
0xa: {  	_ =	strace $0x8000004A;
	[dreg:$0x5] =	wrdreg s9;
	s13 =	ssub.s32 $0x2, s3  }
0xb: {  	s26 =	sor.u32 $0x1C11, s16;
	s16 =	simm.s32 $0xA;
	s15 =	sshrl.u32 s10, $0x2  }
0xc: {  	[dreg:$0x6] =	wrdreg s26;
	s7 =	sadd.s32 s8, s7;
	s8 =	sor.u32 s3, s11  }
0xd: {  	s11 =	sshrl.u32 s13, $0x1;
	s9 =	sadd.s32 s15, s1;
	s3 =	smul.u32 $0x2710, s3  }
0xe: {  	s15 =	simm.s32 $0x9;
	s7 =	sshrl.u32 s7, $0x3;
	s14 =	ssub.s32 s13, s11  }
0xf: {  	s8 =	smul.u32 $0x2710, s8;
	s0 =	sadd.s32 s7, s0;
	s24 =	smax.u32 s14, $0x1  }
0x10: {  	s3 =	sadd.s32 s3, s12;
	s0 =	sadd.s32 $0x45C00, s0;
	[dreg:$0x10] =	wrdreg s24  }
0x11: {  	s17 =	sshrl.u32 s8, $0x3;
	s25 =	sadd.s32 $0x140, s3;
	[dreg:$0xf] =	wrdreg s0  }
0x12: {  	s12 =	simm.s32 $0x11;
	s18 =	sadd.s32 s2, s17;
	[dreg:$0x4] =	wrdreg s25  }
0x13: {  	s19 =	sadd.s32 $0xA, s17;
	s13 =	sadd.s32 s6, s17;
	[dreg:$0x7] =	wrdreg s18  }
0x14: {  	s14 =	simm.s32 $0x14080;
	[dreg:$0x8] =	wrdreg s13;
	s20 =	sadd.s32 s2, s19  }
0x15: {  	s21 =	sadd.s32 $0x14, s17;
	s10 =	sadd.s32 s6, s19;
	[dreg:$0x9] =	wrdreg s20  }
0x16: {  	s23 =	sadd.s32 $0x1E, s17;
	s22 =	sadd.s32 s2, s21;
	[dreg:$0xa] =	wrdreg s10  }
0x17: {  	s7 =	simm.s32 $0x14300;
	s11 =	sadd.s32 s2, s23;
	[dreg:$0xb] =	wrdreg s22  }
0x18: {  	s24 =	simm.s32 $0x6;
	s10 =	sadd.s32 s6, s21;
	[dreg:$0xd] =	wrdreg s11  }
0x19: {  	s0 =	simm.s32 $0x50;
	[dreg:$0xc] =	wrdreg s10;
	s10 =	sadd.s32 s6, s23  }
0x1a: {  	s25 =	simm.s32 $0x7;
	[dreg:$0xe] =	wrdreg s10;
	s10 =	sshrl.u32 s9, $0x3  }
0x1b: {  	s13 =	simm.s32 $0x14380;
	s11 =	simm.s32 $0x0;
	[dreg:$0x11] =	wrdreg s10  }
.LBB2_1:
0x1c: {  	[dreg:$0x12] =	wrdreg s11  }
0x1d: {  	s3 =	rddreg [dreg:$0x5]  }
0x1e: {  	[spmem:s10], [sflag:s26] =	dma.local [hbm:s3], $0x2800  }
0x1f: {  	_ =	swait.ge [sflag:s12], $0x2800  }
0x20: {  	[sflag:s12] =	ssyncset.done $0x0  }
0x21: {  	[sflag:s12] =	ssyncadd.s32 $0xFFFFD800  }
0x22: {  	[bflag:$0x0] =	sbarrier.arrive $0xFFFF  }
0x23: {  	s12 =	simm.s32 $0x14000;
	s20 =	rddreg [dreg:$0x7]  }
0x24: {  	[tilespmem:s12], [sflag:$0x9] =	stream.linear.gather [hbm4b:s20+s4], $0x50, $0x38;
	[tilespmem:$0x1E400] =	vst v63  }
0x25: {  	s10 =	simm.s32 $0x14200;
	s21 =	rddreg [dreg:$0x8]  }
0x26: {  	[tilespmem:s10], [sflag:$0xD] =	stream.linear.gather [hbm4b:s21+s4], $0x50, $0x38;
	[tilespmem:$0x1E400] =	vst v63  }
0x27: {  	s22 =	rddreg [dreg:$0x9]  }
0x28: {  	[tilespmem:s14], [sflag:$0xA] =	stream.linear.gather [hbm4b:s22+s4], $0x50, $0x38;
	[tilespmem:$0x1E400] =	vst v63  }
0x29: {  	s23 =	rddreg [dreg:$0xa]  }
0x2a: {  	[tilespmem:s28], [sflag:$0xE] =	stream.linear.gather [hbm4b:s23+s4], $0x50, $0x38;
	[tilespmem:$0x1E400] =	vst v63  }
0x2b: {  	s26 =	rddreg [dreg:$0xb]  }
0x2c: {  	[tilespmem:s29], [sflag:$0xB] =	stream.linear.gather [hbm4b:s26+s4], $0x50, $0x38;
	[tilespmem:$0x1E400] =	vst v63  }
0x2d: {  	s1 =	rddreg [dreg:$0xc]  }
0x2e: {  	[tilespmem:s7], [sflag:$0xF] =	stream.linear.gather [hbm4b:s1+s4], $0x50, $0x38;
	[tilespmem:$0x1E400] =	vst v63  }
0x2f: {  	s11 =	simm.s32 $0x14180;
	s9 =	rddreg [dreg:$0xd]  }
0x30: {  	[tilespmem:s11], [sflag:$0xC] =	stream.linear.gather [hbm4b:s9+s4], $0x50, $0x38;
	[tilespmem:$0x1E400] =	vst v63  }
0x31: {  	s17 =	rddreg [dreg:$0xe]  }
0x32: {  	[tilespmem:s13], [sflag:$0x10] =	stream.linear.gather [hbm4b:s17+s4], $0x50, $0x38;
	[tilespmem:$0x1E400] =	vst v63  }
0x33: {  	_ =	swait.ge [sflag:s15], $0x50  }
0x34: {  	[sflag:s15] =	ssyncset.done $0x0  }
0x35: {  	s13 =	simm.s32 $0x14400;
	[sflag:s15] =	ssyncadd.s32 $0xFFFFFFB0  }
0x36: {  	[tilespmem:s13], [sflag:$0x1] =	stream.indirect.gather [hbm4b:s5+s0], $0x80, s12, s0, $0xb8;
	[tilespmem:$0x1E400] =	vst v63  }
0x37: {  	_ =	swait.ge [sflag:s16], $0x50  }
0x38: {  	[sflag:s16] =	ssyncset.done $0x0  }
0x39: {  	[sflag:s16] =	ssyncadd.s32 $0xFFFFFFB0  }
0x3a: {  	[tilespmem:s30], [sflag:$0x2] =	stream.indirect.gather [hbm4b:s5+s0], $0x80, s14, s0, $0xb8;
	[tilespmem:$0x1E400] =	vst v63  }
0x3b: {  	_ =	swait.ge [sflag:s31], $0x50  }
0x3c: {  	[sflag:s31] =	ssyncset.done $0x0  }
0x3d: {  	s14 =	simm.s32 $0xC;
	[sflag:s31] =	ssyncadd.s32 $0xFFFFFFB0;
	s31 =	simm.s32 $0x19400  }
0x3e: {  	[tilespmem:s31], [sflag:$0x3] =	stream.indirect.gather [hbm4b:s5+s0], $0x80, s29, s0, $0xb8;
	[tilespmem:$0x1E400] =	vst v63  }
0x3f: {  	_ =	swait.ge [sflag:s14], $0x50  }
0x40: {  	[sflag:s14] =	ssyncset.done $0x0  }
0x41: {  	s18 =	simm.s32 $0x1;
	s17 =	simm.s32 $0x1BC00;
	[sflag:s14] =	ssyncadd.s32 $0xFFFFFFB0  }
0x42: {  	[tilespmem:s17], [sflag:$0x4] =	stream.indirect.gather [hbm4b:s5+s0], $0x80, s11, s0, $0xb8;
	[tilespmem:$0x1E400] =	vst v63  }
0x43: {  	_ =	swait.ge [sflag:s18], $0x2800  }
0x44: {  	[sflag:s18] =	ssyncset.done $0x0  }
0x45: {  	s19 =	simm.s32 $0xD;
	[sflag:s18] =	ssyncadd.s32 $0xFFFFD800  }
0x46: {  	_ =	swait.ge [sflag:s19], $0x50  }
0x47: {  	[sflag:s19] =	ssyncset.done $0x0;
	s20 =	rddreg [dreg:$0x4]  }
0x48: {  	[sflag:s19] =	ssyncadd.s32 $0xFFFFFFB0;
	s3 =	sadd.s32 $0x0, s20  }
0x49: {  	s1 =	rddreg [dreg:$0x2];
	s3 =	sshrl.u32 s3, $0x3  }
0x4a: {  	[spmem:s1] =	stream.indirect.scatter.add.f32 [tilespmem:s13], [sflag:$0x5], $0x80, s10, s0, $0xb8;
	[tilespmem:$0x1E400] =	vst v63  }
0x4b: {  	s22 =	simm.s32 $0x2;
	s21 =	sadd.s32 s2, s3  }
0x4c: {  	[tilespmem:s12], [sflag:$0x9] =	stream.linear.gather [hbm4b:s21+s4], $0x50, $0x38;
	[tilespmem:$0x1E400] =	vst v63  }
0x4d: {  	_ =	swait.ge [sflag:s22], $0x2800  }
0x4e: {  	p0 =	por $0x0, $0x0;
	[sflag:s22] =	ssyncset.done $0x0  }
0x4f: {  	s23 =	simm.s32 $0xE;
	s26 =	simm.s32 $0x190;
	[sflag:s22] =	ssyncadd.s32 $0xFFFFD800  }
0x50: {  	s26 =	simm.s32 @p0 $0x0;
	_ =	swait.ge [sflag:s23], $0x50  }
0x51: {  	s26 =	sadd.s32 s8, s26;
	[sflag:s23] =	ssyncset.done $0x0  }
0x52: {  	s26 =	sshrl.u32 s26, $0x3;
	[sflag:s23] =	ssyncadd.s32 $0xFFFFFFB0  }
0x53: {  	[spmem:s1] =	stream.indirect.scatter.add.f32 [tilespmem:s30], [sflag:$0x6], $0x80, s28, s0, $0xb8;
	[tilespmem:$0x1E400] =	vst v63  }
0x54: {  	s29 =	sadd.s32 s2, s26;
	s18 =	simm.s32 $0x14080;
	s30 =	simm.s32 $0x3  }
0x55: {  	[tilespmem:s18], [sflag:$0xA] =	stream.linear.gather [hbm4b:s29+s4], $0x50, $0x38;
	[tilespmem:$0x1E400] =	vst v63  }
0x56: {  	_ =	swait.ge [sflag:s30], $0x2800  }
0x57: {  	[sflag:s30] =	ssyncset.done $0x0  }
0x58: {  	s19 =	simm.s32 $0xF;
	s28 =	simm.s32 $0x1E0;
	[sflag:s30] =	ssyncadd.s32 $0xFFFFD800  }
0x59: {  	s28 =	simm.s32 @p0 $0x50;
	_ =	swait.ge [sflag:s19], $0x50  }
0x5a: {  	s28 =	sadd.s32 s8, s28;
	[sflag:s19] =	ssyncset.done $0x0  }
0x5b: {  	s28 =	sshrl.u32 s28, $0x3;
	[sflag:s19] =	ssyncadd.s32 $0xFFFFFFB0  }
0x5c: {  	[spmem:s1] =	stream.indirect.scatter.add.f32 [tilespmem:s31], [sflag:$0x7], $0x80, s7, s0, $0xb8;
	[tilespmem:$0x1E400] =	vst v63  }
0x5d: {  	s22 =	simm.s32 $0x14100;
	s20 =	sadd.s32 s2, s28  }
0x5e: {  	[tilespmem:s22], [sflag:$0xB] =	stream.linear.gather [hbm4b:s20+s4], $0x50, $0x38;
	[tilespmem:$0x1E400] =	vst v63  }
0x5f: {  	s20 =	simm.s32 $0x4  }
0x60: {  	_ =	swait.ge [sflag:s20], $0x2800  }
0x61: {  	[sflag:s20] =	ssyncset.done $0x0  }
0x62: {  	s29 =	simm.s32 $0x230;
	s30 =	simm.s32 $0x10;
	[sflag:s20] =	ssyncadd.s32 $0xFFFFD800  }
0x63: {  	s29 =	simm.s32 @p0 $0xA0;
	_ =	swait.ge [sflag:s30], $0x50  }
0x64: {  	s29 =	sadd.s32 s8, s29;
	[sflag:s30] =	ssyncset.done $0x0  }
0x65: {  	s21 =	simm.s32 $0x14380;
	s29 =	sshrl.u32 s29, $0x3;
	[sflag:s30] =	ssyncadd.s32 $0xFFFFFFB0  }
0x66: {  	[spmem:s1] =	stream.indirect.scatter.add.f32 [tilespmem:s17], [sflag:$0x8], $0x80, s21, s0, $0xb8;
	[tilespmem:$0x1E400] =	vst v63  }
0x67: {  	s20 =	simm.s32 $0x5;
	s17 =	sadd.s32 s2, s29  }
0x68: {  	[tilespmem:s11], [sflag:$0xC] =	stream.linear.gather [hbm4b:s17+s4], $0x50, $0x38;
	[tilespmem:$0x1E400] =	vst v63  }
0x69: {  	_ =	swait.ge [sflag:s20], $0x2800  }
0x6a: {  	[sflag:s20] =	ssyncset.done $0x0  }
0x6b: {  	s3 =	sadd.s32 s6, s3;
	s7 =	simm.s32 $0x9;
	[sflag:s20] =	ssyncadd.s32 $0xFFFFD800  }
0x6c: {  	[tilespmem:s10], [sflag:$0xD] =	stream.linear.gather [hbm4b:s3+s4], $0x50, $0x38;
	[tilespmem:$0x1E400] =	vst v63  }
0x6d: {  	_ =	swait.ge [sflag:s7], $0x50  }
0x6e: {  	[sflag:s7] =	ssyncset.done $0x0  }
0x6f: {  	[sflag:s7] =	ssyncadd.s32 $0xFFFFFFB0  }
0x70: {  	[tilespmem:s13], [sflag:$0x1] =	stream.indirect.gather [hbm4b:s5+s0], $0x80, s12, s0, $0xb8;
	[tilespmem:$0x1E400] =	vst v63  }
0x71: {  	_ =	swait.ge [sflag:s24], $0x2800  }
0x72: {  	[sflag:s24] =	ssyncset.done $0x0  }
0x73: {  	s9 =	simm.s32 $0x14280;
	s26 =	sadd.s32 s6, s26;
	[sflag:s24] =	ssyncadd.s32 $0xFFFFD800  }
0x74: {  	[tilespmem:s9], [sflag:$0xE] =	stream.linear.gather [hbm4b:s26+s4], $0x50, $0x38;
	[tilespmem:$0x1E400] =	vst v63  }
0x75: {  	_ =	swait.ge [sflag:s16], $0x50  }
0x76: {  	[sflag:s16] =	ssyncset.done $0x0  }
0x77: {  	s23 =	simm.s32 $0x16C00;
	[sflag:s16] =	ssyncadd.s32 $0xFFFFFFB0  }
0x78: {  	[tilespmem:s23], [sflag:$0x2] =	stream.indirect.gather [hbm4b:s5+s0], $0x80, s18, s0, $0xb8;
	[tilespmem:$0x1E400] =	vst v63  }
0x79: {  	_ =	swait.ge [sflag:s25], $0x2800  }
0x7a: {  	s15 =	simm.s32 $0xB;
	[sflag:s25] =	ssyncset.done $0x0  }
0x7b: {  	s19 =	simm.s32 $0x14300;
	s30 =	sadd.s32 s6, s28;
	[sflag:s25] =	ssyncadd.s32 $0xFFFFD800  }
0x7c: {  	[tilespmem:s19], [sflag:$0xF] =	stream.linear.gather [hbm4b:s30+s4], $0x50, $0x38;
	[tilespmem:$0x1E400] =	vst v63  }
0x7d: {  	_ =	swait.ge [sflag:s15], $0x50  }
0x7e: {  	[sflag:s15] =	ssyncset.done $0x0  }
0x7f: {  	s1 =	simm.s32 $0x8;
	[sflag:s15] =	ssyncadd.s32 $0xFFFFFFB0  }
0x80: {  	[tilespmem:s31], [sflag:$0x3] =	stream.indirect.gather [hbm4b:s5+s0], $0x80, s22, s0, $0xb8;
	[tilespmem:$0x1E400] =	vst v63  }
0x81: {  	_ =	swait.ge [sflag:s1], $0x2800  }
0x82: {  	[sflag:s1] =	ssyncset.done $0x0  }
0x83: {  	s31 =	sadd.s32 s6, s29;
	[sflag:s1] =	ssyncadd.s32 $0xFFFFD800  }
0x84: {  	[tilespmem:s21], [sflag:$0x10] =	stream.linear.gather [hbm4b:s31+s4], $0x50, $0x38;
	[tilespmem:$0x1E400] =	vst v63  }
0x85: {  	s26 =	simm.s32 $0x140;
	_ =	swait.ge [sflag:s14], $0x50  }
.LBB2_2:
0x86: {  	s31 =	simm.s32 $0xC  }
0x87: {  	s11 =	simm.s32 $0x14180;
	[sflag:s31] =	ssyncset.done $0x0  }
0x88: {  	s13 =	simm.s32 $0x1BC00;
	s10 =	simm.s32 $0x1;
	[sflag:s31] =	ssyncadd.s32 $0xFFFFFFB0  }
0x89: {  	[tilespmem:s13], [sflag:$0x4] =	stream.indirect.gather [hbm4b:s5+s0], $0x80, s11, s0, $0xb8;
	[tilespmem:$0x1E400] =	vst v63  }
0x8a: {  	_ =	swait.ge [sflag:s10], $0x2800  }
0x8b: {  	[sflag:s10] =	ssyncset.done $0x0  }
0x8c: {  	s20 =	simm.s32 $0xD;
	[sflag:s10] =	ssyncadd.s32 $0xFFFFD800  }
0x8d: {  	_ =	swait.ge [sflag:s20], $0x50  }
0x8e: {  	s3 =	smov.u32 s26;
	[sflag:s20] =	ssyncset.done $0x0;
	s28 =	rddreg [dreg:$0x4]  }
0x8f: {  	s14 =	simm.s32 $0x14200;
	[sflag:s20] =	ssyncadd.s32 $0xFFFFFFB0;
	s28 =	sadd.s32 s3, s28  }
0x90: {  	s16 =	simm.s32 $0x14400;
	s7 =	rddreg [dreg:$0x2];
	s29 =	sshrl.u32 s28, $0x3  }
0x91: {  	[spmem:s7] =	stream.indirect.scatter.add.f32 [tilespmem:s16], [sflag:$0x5], $0x80, s14, s0, $0xb8;
	[tilespmem:$0x1E400] =	vst v63  }
0x92: {  	s21 =	simm.s32 $0x2;
	s28 =	sadd.s32 s2, s29  }
0x93: {  	[tilespmem:s12], [sflag:$0x9] =	stream.linear.gather [hbm4b:s28+s4], $0x50, $0x38;
	[tilespmem:$0x1E400] =	vst v63  }
0x94: {  	s17 =	simm.s32 $0xE;
	_ =	swait.ge [sflag:s21], $0x2800  }
0x95: {  	p1 =	seq.s32 s3, $0x2580;
	s10 =	sadd.s32 $0x230, s3;
	[sflag:s21] =	ssyncset.done $0x0  }
0x96: {  	s28 =	sadd.s32 $0x1E0, s3;
	s3 =	sadd.s32 $0x190, s3;
	[sflag:s21] =	ssyncadd.s32 $0xFFFFD800  }
0x97: {  	s3 =	simm.s32 @p1 $0x0;
	_ =	swait.ge [sflag:s17], $0x50  }
0x98: {  	s9 =	simm.s32 $0x14280;
	s3 =	sadd.s32 s8, s3;
	[sflag:s17] =	ssyncset.done $0x0  }
0x99: {  	s23 =	simm.s32 $0x16C00;
	s30 =	sshrl.u32 s3, $0x3;
	[sflag:s17] =	ssyncadd.s32 $0xFFFFFFB0  }
0x9a: {  	[spmem:s7] =	stream.indirect.scatter.add.f32 [tilespmem:s23], [sflag:$0x6], $0x80, s9, s0, $0xb8;
	[tilespmem:$0x1E400] =	vst v63  }
0x9b: {  	s19 =	simm.s32 $0x14080;
	s18 =	simm.s32 $0x3;
	s3 =	sadd.s32 s2, s30  }
0x9c: {  	[tilespmem:s19], [sflag:$0xA] =	stream.linear.gather [hbm4b:s3+s4], $0x50, $0x38;
	[tilespmem:$0x1E400] =	vst v63  }
0x9d: {  	_ =	swait.ge [sflag:s18], $0x2800  }
0x9e: {  	[sflag:s18] =	ssyncset.done $0x0  }
0x9f: {  	s20 =	simm.s32 $0xF;
	s28 =	simm.s32 @p1 $0x50;
	[sflag:s18] =	ssyncadd.s32 $0xFFFFD800  }
0xa0: {  	s22 =	sadd.s32 s8, s28;
	_ =	swait.ge [sflag:s20], $0x50  }
0xa1: {  	s3 =	sshrl.u32 s22, $0x3;
	[sflag:s20] =	ssyncset.done $0x0  }
0xa2: {  	s18 =	simm.s32 $0x19400;
	[sflag:s20] =	ssyncadd.s32 $0xFFFFFFB0;
	s20 =	simm.s32 $0x14300  }
0xa3: {  	[spmem:s7] =	stream.indirect.scatter.add.f32 [tilespmem:s18], [sflag:$0x7], $0x80, s20, s0, $0xb8;
	[tilespmem:$0x1E400] =	vst v63  }
0xa4: {  	s17 =	simm.s32 $0x4;
	s22 =	simm.s32 $0x14100;
	s21 =	sadd.s32 s2, s3  }
0xa5: {  	[tilespmem:s22], [sflag:$0xB] =	stream.linear.gather [hbm4b:s21+s4], $0x50, $0x38;
	[tilespmem:$0x1E400] =	vst v63  }
0xa6: {  	_ =	swait.ge [sflag:s17], $0x2800  }
0xa7: {  	[sflag:s17] =	ssyncset.done $0x0  }
0xa8: {  	s21 =	simm.s32 $0x10;
	[sflag:s17] =	ssyncadd.s32 $0xFFFFD800  }
0xa9: {  	s10 =	simm.s32 @p1 $0xA0;
	_ =	swait.ge [sflag:s21], $0x50  }
0xaa: {  	s10 =	sadd.s32 s8, s10;
	[sflag:s21] =	ssyncset.done $0x0  }
0xab: {  	s28 =	sshrl.u32 s10, $0x3;
	[sflag:s21] =	ssyncadd.s32 $0xFFFFFFB0;
	s21 =	simm.s32 $0x14380  }
0xac: {  	[spmem:s7] =	stream.indirect.scatter.add.f32 [tilespmem:s13], [sflag:$0x8], $0x80, s21, s0, $0xb8;
	[tilespmem:$0x1E400] =	vst v63  }
0xad: {  	s10 =	sadd.s32 s2, s28  }
0xae: {  	[tilespmem:s11], [sflag:$0xC] =	stream.linear.gather [hbm4b:s10+s4], $0x50, $0x38;
	[tilespmem:$0x1E400] =	vst v63  }
0xaf: {  	s10 =	simm.s32 $0x5  }
0xb0: {  	_ =	swait.ge [sflag:s10], $0x2800  }
0xb1: {  	[sflag:s10] =	ssyncset.done $0x0  }
0xb2: {  	s7 =	sadd.s32 s6, s29;
	s11 =	simm.s32 $0x9;
	[sflag:s10] =	ssyncadd.s32 $0xFFFFD800  }
0xb3: {  	[tilespmem:s14], [sflag:$0xD] =	stream.linear.gather [hbm4b:s7+s4], $0x50, $0x38;
	[tilespmem:$0x1E400] =	vst v63  }
0xb4: {  	_ =	swait.ge [sflag:s11], $0x50  }
0xb5: {  	[sflag:s11] =	ssyncset.done $0x0  }
0xb6: {  	s12 =	simm.s32 $0x14000;
	[sflag:s11] =	ssyncadd.s32 $0xFFFFFFB0  }
0xb7: {  	[tilespmem:s16], [sflag:$0x1] =	stream.indirect.gather [hbm4b:s5+s0], $0x80, s12, s0, $0xb8;
	[tilespmem:$0x1E400] =	vst v63  }
0xb8: {  	_ =	swait.ge [sflag:s24], $0x2800  }
0xb9: {  	[sflag:s24] =	ssyncset.done $0x0  }
0xba: {  	s14 =	sadd.s32 s6, s30;
	s16 =	simm.s32 $0xA;
	[sflag:s24] =	ssyncadd.s32 $0xFFFFD800  }
0xbb: {  	[tilespmem:s9], [sflag:$0xE] =	stream.linear.gather [hbm4b:s14+s4], $0x50, $0x38;
	[tilespmem:$0x1E400] =	vst v63  }
0xbc: {  	_ =	swait.ge [sflag:s16], $0x50  }
0xbd: {  	[sflag:s16] =	ssyncset.done $0x0  }
0xbe: {  	[sflag:s16] =	ssyncadd.s32 $0xFFFFFFB0  }
0xbf: {  	[tilespmem:s23], [sflag:$0x2] =	stream.indirect.gather [hbm4b:s5+s0], $0x80, s19, s0, $0xb8;
	[tilespmem:$0x1E400] =	vst v63  }
0xc0: {  	_ =	swait.ge [sflag:s25], $0x2800  }
0xc1: {  	[sflag:s25] =	ssyncset.done $0x0  }
0xc2: {  	s3 =	sadd.s32 s6, s3;
	[sflag:s25] =	ssyncadd.s32 $0xFFFFD800  }
0xc3: {  	[tilespmem:s20], [sflag:$0xF] =	stream.linear.gather [hbm4b:s3+s4], $0x50, $0x38;
	[tilespmem:$0x1E400] =	vst v63  }
0xc4: {  	_ =	swait.ge [sflag:s15], $0x50  }
0xc5: {  	[sflag:s15] =	ssyncset.done $0x0  }
0xc6: {  	p0 =	sne.s32 s26, $0x2580;
	[sflag:s15] =	ssyncadd.s32 $0xFFFFFFB0  }
0xc7: {  	[tilespmem:s18], [sflag:$0x3] =	stream.indirect.gather [hbm4b:s5+s0], $0x80, s22, s0, $0xb8;
	[tilespmem:$0x1E400] =	vst v63  }
.Ltmp0:
0xc8: {  	_ =	swait.ge [sflag:s1], $0x2800;
	(pc) =	sbr.rel @p0 .LBB2_2-.Ltmp0, $4  }
0xc9: {  	s26 =	sadd.s32 $0x140, s26;
	s17 =	simm.s32 $0x1BC00;
	[sflag:s1] =	ssyncset.done $0x0  }
0xca: {  	s13 =	simm.s32 $0x14180;
	s30 =	sadd.s32 s6, s28;
	[sflag:s1] =	ssyncadd.s32 $0xFFFFD800  }
0xcb: {  	[tilespmem:s21], [sflag:$0x10] =	stream.linear.gather [hbm4b:s30+s4], $0x50, $0x38;
	[tilespmem:$0x1E400] =	vst v63  }
0xcc: {  	s29 =	simm.s32 $0x14200;
	s11 =	simm.s32 $0x14400;
	_ =	swait.ge [sflag:s31], $0x50  }
0xcd: {  	s3 =	simm.s32 $0xC  }
0xce: {  	[sflag:s3] =	ssyncset.done $0x0  }
0xcf: {  	s10 =	simm.s32 $0x1;
	[sflag:s3] =	ssyncadd.s32 $0xFFFFFFB0  }
0xd0: {  	[tilespmem:s17], [sflag:$0x4] =	stream.indirect.gather [hbm4b:s5+s0], $0x80, s13, s0, $0xb8;
	[tilespmem:$0x1E400] =	vst v63  }
0xd1: {  	_ =	swait.ge [sflag:s10], $0x2800  }
0xd2: {  	[sflag:s10] =	ssyncset.done $0x0  }
0xd3: {  	s12 =	simm.s32 $0xD;
	[sflag:s10] =	ssyncadd.s32 $0xFFFFD800  }
0xd4: {  	_ =	swait.ge [sflag:s12], $0x50  }
0xd5: {  	[sflag:s12] =	ssyncset.done $0x0  }
0xd6: {  	[sflag:s12] =	ssyncadd.s32 $0xFFFFFFB0  }
0xd7: {  	s13 =	simm.s32 $0x5;
	s1 =	rddreg [dreg:$0x2]  }
0xd8: {  	[spmem:s1] =	stream.indirect.scatter.add.f32 [tilespmem:s11], [sflag:$0x5], $0x80, s29, s0, $0xb8;
	[tilespmem:$0x1E400] =	vst v63  }
0xd9: {  	_ =	swait.ge [sflag:s13], $0x2800  }
0xda: {  	[sflag:s13] =	ssyncset.done $0x0  }
0xdb: {  	s14 =	simm.s32 $0x2;
	[sflag:s13] =	ssyncadd.s32 $0xFFFFD800  }
0xdc: {  	_ =	swait.ge [sflag:s14], $0x2800  }
0xdd: {  	[sflag:s14] =	ssyncset.done $0x0  }
0xde: {  	s15 =	simm.s32 $0xE;
	[sflag:s14] =	ssyncadd.s32 $0xFFFFD800  }
0xdf: {  	_ =	swait.ge [sflag:s15], $0x50  }
0xe0: {  	[sflag:s15] =	ssyncset.done $0x0  }
0xe1: {  	s17 =	simm.s32 $0x3;
	[sflag:s15] =	ssyncadd.s32 $0xFFFFFFB0  }
0xe2: {  	_ =	swait.ge [sflag:s17], $0x2800  }
0xe3: {  	[sflag:s17] =	ssyncset.done $0x0  }
0xe4: {  	s18 =	simm.s32 $0xF;
	[sflag:s17] =	ssyncadd.s32 $0xFFFFD800  }
0xe5: {  	_ =	swait.ge [sflag:s18], $0x50  }
0xe6: {  	[sflag:s18] =	ssyncset.done $0x0  }
0xe7: {  	s19 =	simm.s32 $0x4;
	[sflag:s18] =	ssyncadd.s32 $0xFFFFFFB0  }
0xe8: {  	_ =	swait.ge [sflag:s19], $0x2800  }
0xe9: {  	[sflag:s19] =	ssyncset.done $0x0  }
0xea: {  	s20 =	simm.s32 $0x10;
	[sflag:s19] =	ssyncadd.s32 $0xFFFFD800  }
0xeb: {  	_ =	swait.ge [sflag:s20], $0x50  }
0xec: {  	[sflag:s20] =	ssyncset.done $0x0  }
0xed: {  	[sflag:s20] =	ssyncadd.s32 $0xFFFFFFB0  }
0xee: {  	[bflag:$0x0] =	sbarrier.arrive $0xFFFF  }
0xef: {  	s26 =	rddreg [dreg:$0x6]  }
0xf0: {  	s21 =	rddreg [dreg:$0xf]  }
0xf1: {  	s12 =	simm.s32 $0x11;
	s10 =	rddreg [dreg:$0x11]  }
0xf2: {  	[hbm:s21], [sflag:s26] =	dma.local [spmem:s10], $0x2800  }
0xf3: {  	_ =	swait.ge [sflag:s12], $0x2800  }
0xf4: {  	s22 =	rddreg [dreg:$0x12]  }
0xf5: {  	s23 =	rddreg [dreg:$0x10];
	s11 =	sadd.s32 $0x1, s22  }
0xf6: {  	p0 =	sne.s32 s11, s23  }
.Ltmp1:
0xf7: {  	_ = 	snop;
	(pc) =	sbr.rel @p0 .LBB2_1-.Ltmp1, $4  }
0xf8: {  	s28 =	simm.s32 $0x14280  }
0xf9: {  	s7 =	simm.s32 $0x14300;
	s30 =	simm.s32 $0x16C00;
	s31 =	simm.s32 $0xB  }
0xfa: {  	s29 =	simm.s32 $0x14100;
	s13 =	simm.s32 $0x14380;
	[sflag:s12] =	ssyncset.done $0x0  }
0xfb: {  	s14 =	simm.s32 $0x14080;
	s15 =	simm.s32 $0x9;
	[sflag:s12] =	ssyncadd.s32 $0xFFFFD800  }
0xfc: {  	_ =	sfence.sel $0x180000  }
0xfd: {  	[bflag:$0x0] =	sbarrier.arrive $0xFFFF  }
0xfe: {  	_ =	strace $0x9000004A  }
0xff: {  	s0 =	stileid.u32;
	[bflag:$0x2] =	sbarrier.arrive $0xFFFF  }
0x100: {  	p0 =	sne.s32 s0, $0x0;
	s0 =	rddreg [dreg:$0x3]  }
0x101: {  	s0 =	sadd.s32 @!p0 $0x100000, s0  }
0x102: {  	[sflag:s0] =	ssyncadd.tile.s32 @!p0 $0x1;
	_ =	shalt  }
.Lfunc_end2:
_tile_overlayer_lowered:
.L_overlay_start_2:
0x103: {  	(tag) =	ssettag $0x2  }
0x104: {  	s0 =	rddreg [dreg:$0x0];
	s2 =	stileid.u32  }
0x105: {  	s1 =	rddreg [dreg:$0x1];
	p0 =	sne.s32 s2, $0x0  }
0x106: {  	s3 =	rddreg [dreg:$0x2];
	[bflag:$0x3] =	sbarrier.arrive $0xFFFF;
	s2 =	simm.s32 @!p0 $0x1C11  }
0x107: {  	[timem:s3], [sflag:s2] =	dma.local @!p0 [hbm:s0], s1  }
0x108: {  	s0 =	simm.s32 @!p0 $0x11  }
0x109: {  	_ =	swait.ge @!p0 [sflag:s0], s1  }
0x10a: {  	s1 =	ssub.s32 @!p0 $0x0, s1;
	[sflag:s0] =	ssyncset.done @!p0 $0x0  }
0x10b: {  	[sflag:s0] =	ssyncadd.s32 @!p0 s1  }
0x10c: {  	[bflag:$0x3] =	sbarrier.arrive $0xFFFF  }
0x10d: {  	_ =	shalt  }

// kernel: kernel.14.cloned.1.call-start
scs
__scs_entry_jumppad:
0x0: {  	(pc) =	sbr.rel $0x88, $3  }
0x1: {  	(tag) =	ssettag $0x0;
	lr =	simm.s32 $0x1  }
0x2: {  	[smem:$0x3F99] =	sst lr;
	_ =	strace $0xD0000000  }
0x3: {  	_ = 	snop  }
0x4: {  	_ = 	snop  }
0x5: {  	_ = 	snop  }
0x6: {  	_ = 	snop  }
0x7: {  	_ = 	snop  }
__scs_overlays_trampoline_lowered:
0x8: {  	[smem:$0x3FA8] =	sst s0  }
0x9: {  	[smem:$0x3FA9] =	sst s1  }
0xa: {  	[smem:$0x3FAA] =	sst s2  }
0xb: {  	[smem:$0x3FAB] =	sst s3  }
0xc: {  	[smem:$0x3FAC] =	sst s4  }
0xd: {  	[smem:$0x3FAD] =	sst s5  }
0xe: {  	[smem:$0x3FAE] =	sst s6  }
0xf: {  	[smem:$0x3FAF] =	sst s7  }
0x10: {  	[smem:$0x3FB0] =	sst s8  }
0x11: {  	[smem:$0x3FB1] =	sst s9;
	s0 =	simm.s32 @!p0 $0x0  }
0x12: {  	s1 =	sld [smem:$0x3F97];
	s0 =	simm.s32 @p0 $0x1  }
0x13: {  	[smem:$0x3FB2] =	sst s0;
	s0 =	simm.s32 @!p1 $0x0  }
0x14: {  	s2 =	sld [smem:$0x3F96];
	s0 =	simm.s32 @p1 $0x1  }
0x15: {  	[smem:$0x3FB3] =	sst s0;
	s0 =	simm.s32 @!p2 $0x0  }
0x16: {  	s3 =	sld [smem:$0x3FDB];
	s0 =	simm.s32 @p2 $0x1  }
0x17: {  	s4 =	simm.s32 $0x1BF5;
	[smem:$0x3FB5] =	sst s0  }
0x18: {  	s0 =	sld [smem:$0x3F98];
	_ =	swait.ge [sflag:s4], $0x0  }
0x19: {  	s7 =	sld [smem:$0x3F99]  }
0x1a: {  	s8 =	sadd.s32 $0xFFFFE003, lr  }
0x1b: {  	s9 =	sadd.s32 $0xFFFFFEF7, lr;
	s5 =	simm.s32 $0xFFFFFFFF;
	p2 =	slt.u32 s8, $0xFFFFF086  }
0x1c: {  	p1 =	slt.u32 s9, $0xF7A;
	s5 =	simm.s32 @!p2 $0x0  }
0x1d: {  	s5 =	simm.s32 @p1 $0x1;
	p0 =	seq.s32 s7, s2  }
0x1e: {  	s7 =	smul.u32 @!p0 $0xF7A, s2;
	p2 =	seq.s32 @!p0 s5, $0x0  }
0x1f: {  	s9 =	smul.u32 $0xF7A, s1;
	s8 =	simm.s32 @!p0 $0x1BF5;
	p2 =	por !p2, p0  }
0x20: {  	[sflag:s8] =	ssyncset.s32 @!p0 $0xFFFFF086;
	s6 =	sadd.s32 @!p0 s3, s7;
	s7 =	simm.s32 @!p0 $0x108  }
0x21: {  	s3 =	sadd.s32 s3, s9;
	s6 =	sadd.s32 @!p0 $0x88, s6;
	s7 =	simm.s32 @p2 $0x1082  }
0x22: {  	[simem:s7], [sflag:s8] =	dma.local @!p0 [hbm:s6], $0xF7A  }
0x23: {  	s9 =	sor.u32 $0xD0000000, s2;
	s6 =	simm.s32 $0x108;
	_ =	swait.ge @!p0 [sflag:s8], $0x0  }
0x24: {  	s3 =	sadd.s32 $0x88, s3;
	s6 =	simm.s32 @!p1 $0x1082;
	[sflag:s4] =	ssyncset.s32 $0xFFFFF086  }
0x25: {  	[simem:s6], [sflag:s4] =	dma.local [hbm:s3], $0xF7A  }
0x26: {  	[smem:$0x3F99] =	sst s1;
	(tag) =	ssettag s2;
	_ =	strace s9  }
0x27: {  	s1 =	sld [smem:$0x3FA9]  }
0x28: {  	s2 =	sld [smem:$0x3FAA]  }
0x29: {  	s4 =	sld [smem:$0x3FAC]  }
0x2a: {  	p0 =	seq.s32 s5, $0x0;
	s5 =	sld [smem:$0x3FAD]  }
0x2b: {  	s6 =	sld [smem:$0x3FAE]  }
0x2c: {  	s7 =	sld [smem:$0x3FAF]  }
0x2d: {  	s3 =	simm.s32 $0x108;
	s8 =	sld [smem:$0x3FB0]  }
0x2e: {  	s3 =	simm.s32 @!p0 $0x1082;
	s9 =	sld [smem:$0x3FB1]  }
0x2f: {  	lr =	sadd.s32 s0, s3;
	s0 =	sld [smem:$0x3FA8]  }
0x30: {  	s3 =	sld [smem:$0x3FAB]  }
0x31: {  	[smem:$0x3FB4] =	sst s10  }
0x32: {  	s10 =	sld [smem:$0x3FB2];
	_ =	sdelay $0x3  }
0x33: {  	p0 =	seq.s32 s10, $0x1;
	s10 =	sld [smem:$0x3FB4];
	_ =	sdelay $0x3  }
0x34: {  	[smem:$0x3FB4] =	sst s10  }
0x35: {  	s10 =	sld [smem:$0x3FB3];
	_ =	sdelay $0x3  }
0x36: {  	p1 =	seq.s32 s10, $0x1;
	s10 =	sld [smem:$0x3FB4];
	_ =	sdelay $0x3  }
0x37: {  	[smem:$0x3FB4] =	sst s10  }
0x38: {  	s10 =	sld [smem:$0x3FB5]  }
0x39: {  	_ = 	snop;
	(pc) =	sbr.ind lr, $3  }
0x3a: {  	_ = 	snop  }
0x3b: {  	_ = 	snop  }
0x3c: {  	p2 =	seq.s32 s10, $0x1;
	s10 =	sld [smem:$0x3FB4]  }
0x3d: {  	_ =	shalt  }
0x3e: {  	_ =	shalt  }
0x3f: {  	_ =	shalt  }
0x40: {  	_ =	shalt  }
0x41: {  	_ =	shalt  }
0x42: {  	_ =	shalt  }
0x43: {  	_ =	shalt  }
0x44: {  	_ =	shalt  }
0x45: {  	_ =	shalt  }
0x46: {  	_ =	shalt  }
0x47: {  	_ =	shalt  }
0x48: {  	_ =	shalt  }
0x49: {  	_ =	shalt  }
0x4a: {  	_ =	shalt  }
0x4b: {  	_ =	shalt  }
0x4c: {  	_ =	shalt  }
0x4d: {  	_ =	shalt  }
0x4e: {  	_ =	shalt  }
0x4f: {  	_ =	shalt  }
0x50: {  	_ =	shalt  }
0x51: {  	_ =	shalt  }
0x52: {  	_ =	shalt  }
0x53: {  	_ =	shalt  }
0x54: {  	_ =	shalt  }
0x55: {  	_ =	shalt  }
0x56: {  	_ =	shalt  }
0x57: {  	_ =	shalt  }
0x58: {  	_ =	shalt  }
0x59: {  	_ =	shalt  }
0x5a: {  	_ =	shalt  }
0x5b: {  	_ =	shalt  }
0x5c: {  	_ =	shalt  }
0x5d: {  	_ =	shalt  }
0x5e: {  	_ =	shalt  }
0x5f: {  	_ =	shalt  }
0x60: {  	_ =	shalt  }
0x61: {  	_ =	shalt  }
0x62: {  	_ =	shalt  }
0x63: {  	_ =	shalt  }
0x64: {  	_ =	shalt  }
0x65: {  	_ =	shalt  }
0x66: {  	_ =	shalt  }
0x67: {  	_ =	shalt  }
0x68: {  	_ =	shalt  }
0x69: {  	_ =	shalt  }
0x6a: {  	_ =	shalt  }
0x6b: {  	_ =	shalt  }
0x6c: {  	_ =	shalt  }
0x6d: {  	_ =	shalt  }
0x6e: {  	_ =	shalt  }
0x6f: {  	_ =	shalt  }
0x70: {  	_ =	shalt  }
0x71: {  	_ =	shalt  }
0x72: {  	_ =	shalt  }
0x73: {  	_ =	shalt  }
0x74: {  	_ =	shalt  }
0x75: {  	_ =	shalt  }
0x76: {  	_ =	shalt  }
0x77: {  	_ =	shalt  }
0x78: {  	_ =	shalt  }
0x79: {  	_ =	shalt  }
0x7a: {  	_ =	shalt  }
0x7b: {  	_ =	shalt  }
0x7c: {  	_ =	shalt  }
0x7d: {  	_ =	shalt  }
0x7e: {  	_ =	shalt  }
0x7f: {  	_ =	shalt  }
0x80: {  	_ =	shalt  }
0x81: {  	_ =	shalt  }
0x82: {  	_ =	shalt  }
0x83: {  	_ =	shalt  }
0x84: {  	_ =	shalt  }
0x85: {  	_ =	shalt  }
0x86: {  	_ =	shalt  }
0x87: {  	_ =	shalt  }
.Lfunc_end0:
.L_simem_size_0:
called_computation.2_lowered:
.L_overlay_start_0:
0x88: {  	s2 =	sld [smem:$0x3FD9]  }
0x89: {  	s3 =	sld [smem:$0x3FFE];
	_ =	sdelay $0x1  }
0x8a: {  	s1 =	srdreg.scid  }
0x8b: {  	s0 =	sand.u32 $0x1, s1  }
0x8c: {  	s17 =	sshll.u32 s0, $0xA;
	s2 =	sadd.s32 s3, s2  }
0x8d: {  	s2 =	sadd.s32 s2, s17  }
0x8e: {  	[smem:$0x3FC0] =	sst s2  }
0x8f: {  	_ = 	snop  }
0x90: {  	s2 =	sld [smem:$0x3FD0];
	(tm) =	ssettm $0x1  }
0x91: {  	s18 =	sld [smem:$0x3FFB];
	_ =	sdelay $0x3  }
0x92: {  	_ =	strace s18  }
0x93: {  	s3 =	sld [smem:$0x3FFC];
	_ =	sdelay $0x3  }
0x94: {  	_ =	strace s3  }
0x95: {  	s3 =	sld [smem:$0x3FFD];
	_ =	sdelay $0x3  }
0x96: {  	_ =	strace s3  }
0x97: {  	_ =	strace $0x8FFFFFFF  }
0x98: {  	s19 =	sld [smem:$0x3FDB];
	_ =	sdelay $0x1  }
0x99: {  	s4 =	simm.s32 $_scs_section_size  }
0x9a: {  	s5 =	simm.s32 $_size__tile_overlayer_lowered;
	s6 =	simm.s32 $_tile_overlayer_lowered  }
0x9b: {  	s22 =	simm.s32 $0x1BFF;
	s21 =	sshll.u32 s6, $0x1;
	s3 =	sadd.s32 s4, s19  }
0x9c: {  	s7 =	simm.s32 $0x0;
	s20 =	sshll.u32 s5, $0x1;
	s5 =	sadd.s32 s21, s3  }
0x9d: {  	[timem:s7], [sflag:s22] =	dma.local [hbm:s5], s20  }
0x9e: {  	_ =	swait.ge [sflag:s22], s20  }
0x9f: {  	s4 =	ssub.s32 $0x0, s20;
	[sflag:s22] =	ssyncset.done $0x0  }
0xa0: {  	[sflag:s22] =	ssyncadd.s32 s4;
	_ =	sdelay $0x1  }
0xa1: {  	s23 =	simm.s32 $0x1B8B  }
0xa2: {  	_ =	swait.ge [sflag:s23], $0x1  }
0xa3: {  	[sflag:s23] =	ssyncset.done $0x0  }
0xa4: {  	s25 =	simm.s32 $0x1B8E;
	s24 =	sld [smem:$0x3FFE];
	[sflag:s23] =	ssyncadd.s32 $0xFFFFFFFF  }
0xa5: {  	s26 =	simm.s32 $execute0_lowered;
	[smem:$0x3FD2] =	sst s25  }
0xa6: {  	s5 =	sshll.u32 s26, $0x1;
	_ =	strace $0x8000004C;
	[dreg:$0x1] =	wrdreg $0xFFFFFFFF  }
0xa7: {  	s28 =	simm.s32 $_size_execute0_lowered;
	s3 =	sadd.s32 s3, s5;
	[dreg:$0x0] =	wrdreg $0x0  }
0xa8: {  	s5 =	sshll.u32 s28, $0x1;
	[dreg:$0x2] =	wrdreg s3  }
0xa9: {  	[dreg:$0x3] =	wrdreg s5  }
0xaa: {  	[dreg:$0x4] =	wrdreg $0xC0  }
0xab: {  	_ =	task [dreg:s7], $0x5FFFF  }
0xac: {  	[dreg:$0x1] =	wrdreg $0xFFFFFFFF  }
0xad: {  	[dreg:$0x0] =	wrdreg $0x60  }
0xae: {  	[dreg:$0x2] =	wrdreg s24  }
0xaf: {  	[dreg:$0x3] =	wrdreg s2  }
0xb0: {  	[dreg:$0x4] =	wrdreg $0x0  }
0xb1: {  	[dreg:$0x5] =	wrdreg $0x9  }
0xb2: {  	_ =	task.clear_ibuf [dreg:s7], $0x6FFFF;
	_ =	strace $0x9000004C  }
0xb3: {  	s29 =	simm.s32 $0x9;
	_ =	strace $0x8000004E  }
0xb4: {  	_ =	swait.ge [sflag:s29], $0x1  }
0xb5: {  	[sflag:s29] =	ssyncadd.s32 $0xFFFFFFFF  }
0xb6: {  	_ =	strace $0x9000004E  }
0xb7: {  	_ =	sfence  }
0xb8: {  	s30 =	sld [smem:$0x0];
	_ =	sdelay $0x2  }
0xb9: {  	s31 =	sshll.u32 s1, $0xD;
	s1 =	sshrl.u32 s1, $0x2  }
0xba: {  	s3 =	sand.u32 $0x4000, s31;
	s1 =	sadd.s32 s1, s30  }
0xbb: {  	s0 =	sor.u32 s3, s0;
	s1 =	sshll.u32 s1, $0x11  }
0xbc: {  	s0 =	sor.u32 s1, s0  }
0xbd: {  	s0 =	sadd.s32 $0x8F2B, s0  }
0xbe: {  	[sflag:s0] =	ssyncadd.remote.s32 $0x1  }
0xbf: {  	_ =	sfence.sel $0xFFFF  }
0xc0: {  	[dreg:$0x0] =	wrdreg $0xFFFFFFFF;
	(pc) =	sbr.abs _section_cstart, $3  }
0xc1: {  	[dreg:$0x1] =	wrdreg $0xFFFFFFFF  }
0xc2: {  	_ =	task.clear_ibuf [dreg:s7], $0x2FFFF;
	_ =	strace $0x9FFFFFFF  }
0xc3: {  	(tm) =	ssettm $0x7FFFFFFF  }
tec
execute0_lowered:
.L_overlay_start_1:
0x0: {  	(tag) =	ssettag $0x1  }
0x1: {  	s0 =	rddreg [dreg:$0x0]  }
0x2: {  	s2 =	rddreg [dreg:$0x1]  }
0x3: {  	s1 =	rddreg [dreg:$0x2]  }
0x4: {  	s3 =	srdreg.scid;
	s4 =	simm.s32 $0x0;
	s12 =	stileid.u32  }
0x5: {  	s28 =	simm.s32 $0x14280;
	s29 =	simm.s32 $0x14100;
	s30 =	simm.s32 $0x16C00  }
0x6: {  	s31 =	simm.s32 $0xB;
	s3 =	sand.u32 $0x1, s3;
	s8 =	smul.u32 $0x14000, s12  }
0x7: {  	[smem:$0x7FF] =	sst s4;
	s5 =	sadd.s32 $0x1EA00, s0;
	s10 =	smul.u32 $0x50000, s12  }
0x8: {  	s11 =	sshll.u32 s12, $0x1;
	s16 =	sshll.u32 s12, $0x6;
	s12 =	smul.u32 $0x4E20, s12  }
0x9: {  	s6 =	sadd.s32 $0x2400, s0;
	s9 =	sadd.s32 $0x1C200, s0;
	s7 =	smul.u32 $0x140000, s3  }
0xa: {  	_ =	strace $0x8000004D;
	[dreg:$0x5] =	wrdreg s9;
	s13 =	ssub.s32 $0x2, s3  }
0xb: {  	s26 =	sor.u32 $0x1C11, s16;
	s16 =	simm.s32 $0xA;
	s15 =	sshrl.u32 s10, $0x2  }
0xc: {  	[dreg:$0x6] =	wrdreg s26;
	s7 =	sadd.s32 s8, s7;
	s8 =	sor.u32 s3, s11  }
0xd: {  	s11 =	sshrl.u32 s13, $0x1;
	s9 =	sadd.s32 s15, s1;
	s3 =	smul.u32 $0x2710, s3  }
0xe: {  	s15 =	simm.s32 $0x9;
	s7 =	sshrl.u32 s7, $0x3;
	s14 =	ssub.s32 s13, s11  }
0xf: {  	s8 =	smul.u32 $0x2710, s8;
	s0 =	sadd.s32 s7, s0;
	s24 =	smax.u32 s14, $0x1  }
0x10: {  	s3 =	sadd.s32 s3, s12;
	s0 =	sadd.s32 $0x45C00, s0;
	[dreg:$0x10] =	wrdreg s24  }
0x11: {  	s17 =	sshrl.u32 s8, $0x3;
	s25 =	sadd.s32 $0x140, s3;
	[dreg:$0xf] =	wrdreg s0  }
0x12: {  	s12 =	simm.s32 $0x11;
	s18 =	sadd.s32 s2, s17;
	[dreg:$0x4] =	wrdreg s25  }
0x13: {  	s19 =	sadd.s32 $0xA, s17;
	s13 =	sadd.s32 s6, s17;
	[dreg:$0x7] =	wrdreg s18  }
0x14: {  	s14 =	simm.s32 $0x14080;
	[dreg:$0x8] =	wrdreg s13;
	s20 =	sadd.s32 s2, s19  }
0x15: {  	s21 =	sadd.s32 $0x14, s17;
	s10 =	sadd.s32 s6, s19;
	[dreg:$0x9] =	wrdreg s20  }
0x16: {  	s23 =	sadd.s32 $0x1E, s17;
	s22 =	sadd.s32 s2, s21;
	[dreg:$0xa] =	wrdreg s10  }
0x17: {  	s7 =	simm.s32 $0x14300;
	s11 =	sadd.s32 s2, s23;
	[dreg:$0xb] =	wrdreg s22  }
0x18: {  	s24 =	simm.s32 $0x6;
	s10 =	sadd.s32 s6, s21;
	[dreg:$0xd] =	wrdreg s11  }
0x19: {  	s0 =	simm.s32 $0x50;
	[dreg:$0xc] =	wrdreg s10;
	s10 =	sadd.s32 s6, s23  }
0x1a: {  	s25 =	simm.s32 $0x7;
	[dreg:$0xe] =	wrdreg s10;
	s10 =	sshrl.u32 s9, $0x3  }
0x1b: {  	s13 =	simm.s32 $0x14380;
	s11 =	simm.s32 $0x0;
	[dreg:$0x11] =	wrdreg s10  }
.LBB2_1:
0x1c: {  	[dreg:$0x12] =	wrdreg s11  }
0x1d: {  	s3 =	rddreg [dreg:$0x5]  }
0x1e: {  	[spmem:s10], [sflag:s26] =	dma.local [hbm:s3], $0x2800  }
0x1f: {  	_ =	swait.ge [sflag:s12], $0x2800  }
0x20: {  	[sflag:s12] =	ssyncset.done $0x0  }
0x21: {  	[sflag:s12] =	ssyncadd.s32 $0xFFFFD800  }
0x22: {  	[bflag:$0x0] =	sbarrier.arrive $0xFFFF  }
0x23: {  	s12 =	simm.s32 $0x14000;
	s20 =	rddreg [dreg:$0x7]  }
0x24: {  	[tilespmem:s12], [sflag:$0x9] =	stream.linear.gather [hbm4b:s20+s4], $0x50, $0x38;
	[tilespmem:$0x1E400] =	vst v63  }
0x25: {  	s10 =	simm.s32 $0x14200;
	s21 =	rddreg [dreg:$0x8]  }
0x26: {  	[tilespmem:s10], [sflag:$0xD] =	stream.linear.gather [hbm4b:s21+s4], $0x50, $0x38;
	[tilespmem:$0x1E400] =	vst v63  }
0x27: {  	s22 =	rddreg [dreg:$0x9]  }
0x28: {  	[tilespmem:s14], [sflag:$0xA] =	stream.linear.gather [hbm4b:s22+s4], $0x50, $0x38;
	[tilespmem:$0x1E400] =	vst v63  }
0x29: {  	s23 =	rddreg [dreg:$0xa]  }
0x2a: {  	[tilespmem:s28], [sflag:$0xE] =	stream.linear.gather [hbm4b:s23+s4], $0x50, $0x38;
	[tilespmem:$0x1E400] =	vst v63  }
0x2b: {  	s26 =	rddreg [dreg:$0xb]  }
0x2c: {  	[tilespmem:s29], [sflag:$0xB] =	stream.linear.gather [hbm4b:s26+s4], $0x50, $0x38;
	[tilespmem:$0x1E400] =	vst v63  }
0x2d: {  	s1 =	rddreg [dreg:$0xc]  }
0x2e: {  	[tilespmem:s7], [sflag:$0xF] =	stream.linear.gather [hbm4b:s1+s4], $0x50, $0x38;
	[tilespmem:$0x1E400] =	vst v63  }
0x2f: {  	s11 =	simm.s32 $0x14180;
	s9 =	rddreg [dreg:$0xd]  }
0x30: {  	[tilespmem:s11], [sflag:$0xC] =	stream.linear.gather [hbm4b:s9+s4], $0x50, $0x38;
	[tilespmem:$0x1E400] =	vst v63  }
0x31: {  	s17 =	rddreg [dreg:$0xe]  }
0x32: {  	[tilespmem:s13], [sflag:$0x10] =	stream.linear.gather [hbm4b:s17+s4], $0x50, $0x38;
	[tilespmem:$0x1E400] =	vst v63  }
0x33: {  	_ =	swait.ge [sflag:s15], $0x50  }
0x34: {  	[sflag:s15] =	ssyncset.done $0x0  }
0x35: {  	s13 =	simm.s32 $0x14400;
	[sflag:s15] =	ssyncadd.s32 $0xFFFFFFB0  }
0x36: {  	[tilespmem:s13], [sflag:$0x1] =	stream.indirect.gather [hbm4b:s5+s0], $0x80, s12, s0, $0xb8;
	[tilespmem:$0x1E400] =	vst v63  }
0x37: {  	_ =	swait.ge [sflag:s16], $0x50  }
0x38: {  	[sflag:s16] =	ssyncset.done $0x0  }
0x39: {  	[sflag:s16] =	ssyncadd.s32 $0xFFFFFFB0  }
0x3a: {  	[tilespmem:s30], [sflag:$0x2] =	stream.indirect.gather [hbm4b:s5+s0], $0x80, s14, s0, $0xb8;
	[tilespmem:$0x1E400] =	vst v63  }
0x3b: {  	_ =	swait.ge [sflag:s31], $0x50  }
0x3c: {  	[sflag:s31] =	ssyncset.done $0x0  }
0x3d: {  	s14 =	simm.s32 $0xC;
	[sflag:s31] =	ssyncadd.s32 $0xFFFFFFB0;
	s31 =	simm.s32 $0x19400  }
0x3e: {  	[tilespmem:s31], [sflag:$0x3] =	stream.indirect.gather [hbm4b:s5+s0], $0x80, s29, s0, $0xb8;
	[tilespmem:$0x1E400] =	vst v63  }
0x3f: {  	_ =	swait.ge [sflag:s14], $0x50  }
0x40: {  	[sflag:s14] =	ssyncset.done $0x0  }
0x41: {  	s18 =	simm.s32 $0x1;
	s17 =	simm.s32 $0x1BC00;
	[sflag:s14] =	ssyncadd.s32 $0xFFFFFFB0  }
0x42: {  	[tilespmem:s17], [sflag:$0x4] =	stream.indirect.gather [hbm4b:s5+s0], $0x80, s11, s0, $0xb8;
	[tilespmem:$0x1E400] =	vst v63  }
0x43: {  	_ =	swait.ge [sflag:s18], $0x2800  }
0x44: {  	[sflag:s18] =	ssyncset.done $0x0  }
0x45: {  	s19 =	simm.s32 $0xD;
	[sflag:s18] =	ssyncadd.s32 $0xFFFFD800  }
0x46: {  	_ =	swait.ge [sflag:s19], $0x50  }
0x47: {  	[sflag:s19] =	ssyncset.done $0x0;
	s20 =	rddreg [dreg:$0x4]  }
0x48: {  	[sflag:s19] =	ssyncadd.s32 $0xFFFFFFB0;
	s3 =	sadd.s32 $0x0, s20  }
0x49: {  	s1 =	rddreg [dreg:$0x2];
	s3 =	sshrl.u32 s3, $0x3  }
0x4a: {  	[spmem:s1] =	stream.indirect.scatter.add.f32 [tilespmem:s13], [sflag:$0x5], $0x80, s10, s0, $0xb8;
	[tilespmem:$0x1E400] =	vst v63  }
0x4b: {  	s22 =	simm.s32 $0x2;
	s21 =	sadd.s32 s2, s3  }
0x4c: {  	[tilespmem:s12], [sflag:$0x9] =	stream.linear.gather [hbm4b:s21+s4], $0x50, $0x38;
	[tilespmem:$0x1E400] =	vst v63  }
0x4d: {  	_ =	swait.ge [sflag:s22], $0x2800  }
0x4e: {  	p0 =	por $0x0, $0x0;
	[sflag:s22] =	ssyncset.done $0x0  }
0x4f: {  	s23 =	simm.s32 $0xE;
	s26 =	simm.s32 $0x190;
	[sflag:s22] =	ssyncadd.s32 $0xFFFFD800  }
0x50: {  	s26 =	simm.s32 @p0 $0x0;
	_ =	swait.ge [sflag:s23], $0x50  }
0x51: {  	s26 =	sadd.s32 s8, s26;
	[sflag:s23] =	ssyncset.done $0x0  }
0x52: {  	s26 =	sshrl.u32 s26, $0x3;
	[sflag:s23] =	ssyncadd.s32 $0xFFFFFFB0  }
0x53: {  	[spmem:s1] =	stream.indirect.scatter.add.f32 [tilespmem:s30], [sflag:$0x6], $0x80, s28, s0, $0xb8;
	[tilespmem:$0x1E400] =	vst v63  }
0x54: {  	s29 =	sadd.s32 s2, s26;
	s18 =	simm.s32 $0x14080;
	s30 =	simm.s32 $0x3  }
0x55: {  	[tilespmem:s18], [sflag:$0xA] =	stream.linear.gather [hbm4b:s29+s4], $0x50, $0x38;
	[tilespmem:$0x1E400] =	vst v63  }
0x56: {  	_ =	swait.ge [sflag:s30], $0x2800  }
0x57: {  	[sflag:s30] =	ssyncset.done $0x0  }
0x58: {  	s19 =	simm.s32 $0xF;
	s28 =	simm.s32 $0x1E0;
	[sflag:s30] =	ssyncadd.s32 $0xFFFFD800  }
0x59: {  	s28 =	simm.s32 @p0 $0x50;
	_ =	swait.ge [sflag:s19], $0x50  }
0x5a: {  	s28 =	sadd.s32 s8, s28;
	[sflag:s19] =	ssyncset.done $0x0  }
0x5b: {  	s28 =	sshrl.u32 s28, $0x3;
	[sflag:s19] =	ssyncadd.s32 $0xFFFFFFB0  }
0x5c: {  	[spmem:s1] =	stream.indirect.scatter.add.f32 [tilespmem:s31], [sflag:$0x7], $0x80, s7, s0, $0xb8;
	[tilespmem:$0x1E400] =	vst v63  }
0x5d: {  	s22 =	simm.s32 $0x14100;
	s20 =	sadd.s32 s2, s28  }
0x5e: {  	[tilespmem:s22], [sflag:$0xB] =	stream.linear.gather [hbm4b:s20+s4], $0x50, $0x38;
	[tilespmem:$0x1E400] =	vst v63  }
0x5f: {  	s20 =	simm.s32 $0x4  }
0x60: {  	_ =	swait.ge [sflag:s20], $0x2800  }
0x61: {  	[sflag:s20] =	ssyncset.done $0x0  }
0x62: {  	s29 =	simm.s32 $0x230;
	s30 =	simm.s32 $0x10;
	[sflag:s20] =	ssyncadd.s32 $0xFFFFD800  }
0x63: {  	s29 =	simm.s32 @p0 $0xA0;
	_ =	swait.ge [sflag:s30], $0x50  }
0x64: {  	s29 =	sadd.s32 s8, s29;
	[sflag:s30] =	ssyncset.done $0x0  }
0x65: {  	s21 =	simm.s32 $0x14380;
	s29 =	sshrl.u32 s29, $0x3;
	[sflag:s30] =	ssyncadd.s32 $0xFFFFFFB0  }
0x66: {  	[spmem:s1] =	stream.indirect.scatter.add.f32 [tilespmem:s17], [sflag:$0x8], $0x80, s21, s0, $0xb8;
	[tilespmem:$0x1E400] =	vst v63  }
0x67: {  	s20 =	simm.s32 $0x5;
	s17 =	sadd.s32 s2, s29  }
0x68: {  	[tilespmem:s11], [sflag:$0xC] =	stream.linear.gather [hbm4b:s17+s4], $0x50, $0x38;
	[tilespmem:$0x1E400] =	vst v63  }
0x69: {  	_ =	swait.ge [sflag:s20], $0x2800  }
0x6a: {  	[sflag:s20] =	ssyncset.done $0x0  }
0x6b: {  	s3 =	sadd.s32 s6, s3;
	s7 =	simm.s32 $0x9;
	[sflag:s20] =	ssyncadd.s32 $0xFFFFD800  }
0x6c: {  	[tilespmem:s10], [sflag:$0xD] =	stream.linear.gather [hbm4b:s3+s4], $0x50, $0x38;
	[tilespmem:$0x1E400] =	vst v63  }
0x6d: {  	_ =	swait.ge [sflag:s7], $0x50  }
0x6e: {  	[sflag:s7] =	ssyncset.done $0x0  }
0x6f: {  	[sflag:s7] =	ssyncadd.s32 $0xFFFFFFB0  }
0x70: {  	[tilespmem:s13], [sflag:$0x1] =	stream.indirect.gather [hbm4b:s5+s0], $0x80, s12, s0, $0xb8;
	[tilespmem:$0x1E400] =	vst v63  }
0x71: {  	_ =	swait.ge [sflag:s24], $0x2800  }
0x72: {  	[sflag:s24] =	ssyncset.done $0x0  }
0x73: {  	s9 =	simm.s32 $0x14280;
	s26 =	sadd.s32 s6, s26;
	[sflag:s24] =	ssyncadd.s32 $0xFFFFD800  }
0x74: {  	[tilespmem:s9], [sflag:$0xE] =	stream.linear.gather [hbm4b:s26+s4], $0x50, $0x38;
	[tilespmem:$0x1E400] =	vst v63  }
0x75: {  	_ =	swait.ge [sflag:s16], $0x50  }
0x76: {  	[sflag:s16] =	ssyncset.done $0x0  }
0x77: {  	s23 =	simm.s32 $0x16C00;
	[sflag:s16] =	ssyncadd.s32 $0xFFFFFFB0  }
0x78: {  	[tilespmem:s23], [sflag:$0x2] =	stream.indirect.gather [hbm4b:s5+s0], $0x80, s18, s0, $0xb8;
	[tilespmem:$0x1E400] =	vst v63  }
0x79: {  	_ =	swait.ge [sflag:s25], $0x2800  }
0x7a: {  	s15 =	simm.s32 $0xB;
	[sflag:s25] =	ssyncset.done $0x0  }
0x7b: {  	s19 =	simm.s32 $0x14300;
	s30 =	sadd.s32 s6, s28;
	[sflag:s25] =	ssyncadd.s32 $0xFFFFD800  }
0x7c: {  	[tilespmem:s19], [sflag:$0xF] =	stream.linear.gather [hbm4b:s30+s4], $0x50, $0x38;
	[tilespmem:$0x1E400] =	vst v63  }
0x7d: {  	_ =	swait.ge [sflag:s15], $0x50  }
0x7e: {  	[sflag:s15] =	ssyncset.done $0x0  }
0x7f: {  	s1 =	simm.s32 $0x8;
	[sflag:s15] =	ssyncadd.s32 $0xFFFFFFB0  }
0x80: {  	[tilespmem:s31], [sflag:$0x3] =	stream.indirect.gather [hbm4b:s5+s0], $0x80, s22, s0, $0xb8;
	[tilespmem:$0x1E400] =	vst v63  }
0x81: {  	_ =	swait.ge [sflag:s1], $0x2800  }
0x82: {  	[sflag:s1] =	ssyncset.done $0x0  }
0x83: {  	s31 =	sadd.s32 s6, s29;
	[sflag:s1] =	ssyncadd.s32 $0xFFFFD800  }
0x84: {  	[tilespmem:s21], [sflag:$0x10] =	stream.linear.gather [hbm4b:s31+s4], $0x50, $0x38;
	[tilespmem:$0x1E400] =	vst v63  }
0x85: {  	s26 =	simm.s32 $0x140;
	_ =	swait.ge [sflag:s14], $0x50  }
.LBB2_2:
0x86: {  	s31 =	simm.s32 $0xC  }
0x87: {  	s11 =	simm.s32 $0x14180;
	[sflag:s31] =	ssyncset.done $0x0  }
0x88: {  	s13 =	simm.s32 $0x1BC00;
	s10 =	simm.s32 $0x1;
	[sflag:s31] =	ssyncadd.s32 $0xFFFFFFB0  }
0x89: {  	[tilespmem:s13], [sflag:$0x4] =	stream.indirect.gather [hbm4b:s5+s0], $0x80, s11, s0, $0xb8;
	[tilespmem:$0x1E400] =	vst v63  }
0x8a: {  	_ =	swait.ge [sflag:s10], $0x2800  }
0x8b: {  	[sflag:s10] =	ssyncset.done $0x0  }
0x8c: {  	s20 =	simm.s32 $0xD;
	[sflag:s10] =	ssyncadd.s32 $0xFFFFD800  }
0x8d: {  	_ =	swait.ge [sflag:s20], $0x50  }
0x8e: {  	s3 =	smov.u32 s26;
	[sflag:s20] =	ssyncset.done $0x0;
	s28 =	rddreg [dreg:$0x4]  }
0x8f: {  	s14 =	simm.s32 $0x14200;
	[sflag:s20] =	ssyncadd.s32 $0xFFFFFFB0;
	s28 =	sadd.s32 s3, s28  }
0x90: {  	s16 =	simm.s32 $0x14400;
	s7 =	rddreg [dreg:$0x2];
	s29 =	sshrl.u32 s28, $0x3  }
0x91: {  	[spmem:s7] =	stream.indirect.scatter.add.f32 [tilespmem:s16], [sflag:$0x5], $0x80, s14, s0, $0xb8;
	[tilespmem:$0x1E400] =	vst v63  }
0x92: {  	s21 =	simm.s32 $0x2;
	s28 =	sadd.s32 s2, s29  }
0x93: {  	[tilespmem:s12], [sflag:$0x9] =	stream.linear.gather [hbm4b:s28+s4], $0x50, $0x38;
	[tilespmem:$0x1E400] =	vst v63  }
0x94: {  	s17 =	simm.s32 $0xE;
	_ =	swait.ge [sflag:s21], $0x2800  }
0x95: {  	p1 =	seq.s32 s3, $0x2580;
	s10 =	sadd.s32 $0x230, s3;
	[sflag:s21] =	ssyncset.done $0x0  }
0x96: {  	s28 =	sadd.s32 $0x1E0, s3;
	s3 =	sadd.s32 $0x190, s3;
	[sflag:s21] =	ssyncadd.s32 $0xFFFFD800  }
0x97: {  	s3 =	simm.s32 @p1 $0x0;
	_ =	swait.ge [sflag:s17], $0x50  }
0x98: {  	s9 =	simm.s32 $0x14280;
	s3 =	sadd.s32 s8, s3;
	[sflag:s17] =	ssyncset.done $0x0  }
0x99: {  	s23 =	simm.s32 $0x16C00;
	s30 =	sshrl.u32 s3, $0x3;
	[sflag:s17] =	ssyncadd.s32 $0xFFFFFFB0  }
0x9a: {  	[spmem:s7] =	stream.indirect.scatter.add.f32 [tilespmem:s23], [sflag:$0x6], $0x80, s9, s0, $0xb8;
	[tilespmem:$0x1E400] =	vst v63  }
0x9b: {  	s19 =	simm.s32 $0x14080;
	s18 =	simm.s32 $0x3;
	s3 =	sadd.s32 s2, s30  }
0x9c: {  	[tilespmem:s19], [sflag:$0xA] =	stream.linear.gather [hbm4b:s3+s4], $0x50, $0x38;
	[tilespmem:$0x1E400] =	vst v63  }
0x9d: {  	_ =	swait.ge [sflag:s18], $0x2800  }
0x9e: {  	[sflag:s18] =	ssyncset.done $0x0  }
0x9f: {  	s20 =	simm.s32 $0xF;
	s28 =	simm.s32 @p1 $0x50;
	[sflag:s18] =	ssyncadd.s32 $0xFFFFD800  }
0xa0: {  	s22 =	sadd.s32 s8, s28;
	_ =	swait.ge [sflag:s20], $0x50  }
0xa1: {  	s3 =	sshrl.u32 s22, $0x3;
	[sflag:s20] =	ssyncset.done $0x0  }
0xa2: {  	s18 =	simm.s32 $0x19400;
	[sflag:s20] =	ssyncadd.s32 $0xFFFFFFB0;
	s20 =	simm.s32 $0x14300  }
0xa3: {  	[spmem:s7] =	stream.indirect.scatter.add.f32 [tilespmem:s18], [sflag:$0x7], $0x80, s20, s0, $0xb8;
	[tilespmem:$0x1E400] =	vst v63  }
0xa4: {  	s17 =	simm.s32 $0x4;
	s22 =	simm.s32 $0x14100;
	s21 =	sadd.s32 s2, s3  }
0xa5: {  	[tilespmem:s22], [sflag:$0xB] =	stream.linear.gather [hbm4b:s21+s4], $0x50, $0x38;
	[tilespmem:$0x1E400] =	vst v63  }
0xa6: {  	_ =	swait.ge [sflag:s17], $0x2800  }
0xa7: {  	[sflag:s17] =	ssyncset.done $0x0  }
0xa8: {  	s21 =	simm.s32 $0x10;
	[sflag:s17] =	ssyncadd.s32 $0xFFFFD800  }
0xa9: {  	s10 =	simm.s32 @p1 $0xA0;
	_ =	swait.ge [sflag:s21], $0x50  }
0xaa: {  	s10 =	sadd.s32 s8, s10;
	[sflag:s21] =	ssyncset.done $0x0  }
0xab: {  	s28 =	sshrl.u32 s10, $0x3;
	[sflag:s21] =	ssyncadd.s32 $0xFFFFFFB0;
	s21 =	simm.s32 $0x14380  }
0xac: {  	[spmem:s7] =	stream.indirect.scatter.add.f32 [tilespmem:s13], [sflag:$0x8], $0x80, s21, s0, $0xb8;
	[tilespmem:$0x1E400] =	vst v63  }
0xad: {  	s10 =	sadd.s32 s2, s28  }
0xae: {  	[tilespmem:s11], [sflag:$0xC] =	stream.linear.gather [hbm4b:s10+s4], $0x50, $0x38;
	[tilespmem:$0x1E400] =	vst v63  }
0xaf: {  	s10 =	simm.s32 $0x5  }
0xb0: {  	_ =	swait.ge [sflag:s10], $0x2800  }
0xb1: {  	[sflag:s10] =	ssyncset.done $0x0  }
0xb2: {  	s7 =	sadd.s32 s6, s29;
	s11 =	simm.s32 $0x9;
	[sflag:s10] =	ssyncadd.s32 $0xFFFFD800  }
0xb3: {  	[tilespmem:s14], [sflag:$0xD] =	stream.linear.gather [hbm4b:s7+s4], $0x50, $0x38;
	[tilespmem:$0x1E400] =	vst v63  }
0xb4: {  	_ =	swait.ge [sflag:s11], $0x50  }
0xb5: {  	[sflag:s11] =	ssyncset.done $0x0  }
0xb6: {  	s12 =	simm.s32 $0x14000;
	[sflag:s11] =	ssyncadd.s32 $0xFFFFFFB0  }
0xb7: {  	[tilespmem:s16], [sflag:$0x1] =	stream.indirect.gather [hbm4b:s5+s0], $0x80, s12, s0, $0xb8;
	[tilespmem:$0x1E400] =	vst v63  }
0xb8: {  	_ =	swait.ge [sflag:s24], $0x2800  }
0xb9: {  	[sflag:s24] =	ssyncset.done $0x0  }
0xba: {  	s14 =	sadd.s32 s6, s30;
	s16 =	simm.s32 $0xA;
	[sflag:s24] =	ssyncadd.s32 $0xFFFFD800  }
0xbb: {  	[tilespmem:s9], [sflag:$0xE] =	stream.linear.gather [hbm4b:s14+s4], $0x50, $0x38;
	[tilespmem:$0x1E400] =	vst v63  }
0xbc: {  	_ =	swait.ge [sflag:s16], $0x50  }
0xbd: {  	[sflag:s16] =	ssyncset.done $0x0  }
0xbe: {  	[sflag:s16] =	ssyncadd.s32 $0xFFFFFFB0  }
0xbf: {  	[tilespmem:s23], [sflag:$0x2] =	stream.indirect.gather [hbm4b:s5+s0], $0x80, s19, s0, $0xb8;
	[tilespmem:$0x1E400] =	vst v63  }
0xc0: {  	_ =	swait.ge [sflag:s25], $0x2800  }
0xc1: {  	[sflag:s25] =	ssyncset.done $0x0  }
0xc2: {  	s3 =	sadd.s32 s6, s3;
	[sflag:s25] =	ssyncadd.s32 $0xFFFFD800  }
0xc3: {  	[tilespmem:s20], [sflag:$0xF] =	stream.linear.gather [hbm4b:s3+s4], $0x50, $0x38;
	[tilespmem:$0x1E400] =	vst v63  }
0xc4: {  	_ =	swait.ge [sflag:s15], $0x50  }
0xc5: {  	[sflag:s15] =	ssyncset.done $0x0  }
0xc6: {  	p0 =	sne.s32 s26, $0x2580;
	[sflag:s15] =	ssyncadd.s32 $0xFFFFFFB0  }
0xc7: {  	[tilespmem:s18], [sflag:$0x3] =	stream.indirect.gather [hbm4b:s5+s0], $0x80, s22, s0, $0xb8;
	[tilespmem:$0x1E400] =	vst v63  }
.Ltmp0:
0xc8: {  	_ =	swait.ge [sflag:s1], $0x2800;
	(pc) =	sbr.rel @p0 .LBB2_2-.Ltmp0, $4  }
0xc9: {  	s26 =	sadd.s32 $0x140, s26;
	s17 =	simm.s32 $0x1BC00;
	[sflag:s1] =	ssyncset.done $0x0  }
0xca: {  	s13 =	simm.s32 $0x14180;
	s30 =	sadd.s32 s6, s28;
	[sflag:s1] =	ssyncadd.s32 $0xFFFFD800  }
0xcb: {  	[tilespmem:s21], [sflag:$0x10] =	stream.linear.gather [hbm4b:s30+s4], $0x50, $0x38;
	[tilespmem:$0x1E400] =	vst v63  }
0xcc: {  	s29 =	simm.s32 $0x14200;
	s11 =	simm.s32 $0x14400;
	_ =	swait.ge [sflag:s31], $0x50  }
0xcd: {  	s3 =	simm.s32 $0xC  }
0xce: {  	[sflag:s3] =	ssyncset.done $0x0  }
0xcf: {  	s10 =	simm.s32 $0x1;
	[sflag:s3] =	ssyncadd.s32 $0xFFFFFFB0  }
0xd0: {  	[tilespmem:s17], [sflag:$0x4] =	stream.indirect.gather [hbm4b:s5+s0], $0x80, s13, s0, $0xb8;
	[tilespmem:$0x1E400] =	vst v63  }
0xd1: {  	_ =	swait.ge [sflag:s10], $0x2800  }
0xd2: {  	[sflag:s10] =	ssyncset.done $0x0  }
0xd3: {  	s12 =	simm.s32 $0xD;
	[sflag:s10] =	ssyncadd.s32 $0xFFFFD800  }
0xd4: {  	_ =	swait.ge [sflag:s12], $0x50  }
0xd5: {  	[sflag:s12] =	ssyncset.done $0x0  }
0xd6: {  	[sflag:s12] =	ssyncadd.s32 $0xFFFFFFB0  }
0xd7: {  	s13 =	simm.s32 $0x5;
	s1 =	rddreg [dreg:$0x2]  }
0xd8: {  	[spmem:s1] =	stream.indirect.scatter.add.f32 [tilespmem:s11], [sflag:$0x5], $0x80, s29, s0, $0xb8;
	[tilespmem:$0x1E400] =	vst v63  }
0xd9: {  	_ =	swait.ge [sflag:s13], $0x2800  }
0xda: {  	[sflag:s13] =	ssyncset.done $0x0  }
0xdb: {  	s14 =	simm.s32 $0x2;
	[sflag:s13] =	ssyncadd.s32 $0xFFFFD800  }
0xdc: {  	_ =	swait.ge [sflag:s14], $0x2800  }
0xdd: {  	[sflag:s14] =	ssyncset.done $0x0  }
0xde: {  	s15 =	simm.s32 $0xE;
	[sflag:s14] =	ssyncadd.s32 $0xFFFFD800  }
0xdf: {  	_ =	swait.ge [sflag:s15], $0x50  }
0xe0: {  	[sflag:s15] =	ssyncset.done $0x0  }
0xe1: {  	s17 =	simm.s32 $0x3;
	[sflag:s15] =	ssyncadd.s32 $0xFFFFFFB0  }
0xe2: {  	_ =	swait.ge [sflag:s17], $0x2800  }
0xe3: {  	[sflag:s17] =	ssyncset.done $0x0  }
0xe4: {  	s18 =	simm.s32 $0xF;
	[sflag:s17] =	ssyncadd.s32 $0xFFFFD800  }
0xe5: {  	_ =	swait.ge [sflag:s18], $0x50  }
0xe6: {  	[sflag:s18] =	ssyncset.done $0x0  }
0xe7: {  	s19 =	simm.s32 $0x4;
	[sflag:s18] =	ssyncadd.s32 $0xFFFFFFB0  }
0xe8: {  	_ =	swait.ge [sflag:s19], $0x2800  }
0xe9: {  	[sflag:s19] =	ssyncset.done $0x0  }
0xea: {  	s20 =	simm.s32 $0x10;
	[sflag:s19] =	ssyncadd.s32 $0xFFFFD800  }
0xeb: {  	_ =	swait.ge [sflag:s20], $0x50  }
0xec: {  	[sflag:s20] =	ssyncset.done $0x0  }
0xed: {  	[sflag:s20] =	ssyncadd.s32 $0xFFFFFFB0  }
0xee: {  	[bflag:$0x0] =	sbarrier.arrive $0xFFFF  }
0xef: {  	s26 =	rddreg [dreg:$0x6]  }
0xf0: {  	s21 =	rddreg [dreg:$0xf]  }
0xf1: {  	s12 =	simm.s32 $0x11;
	s10 =	rddreg [dreg:$0x11]  }
0xf2: {  	[hbm:s21], [sflag:s26] =	dma.local [spmem:s10], $0x2800  }
0xf3: {  	_ =	swait.ge [sflag:s12], $0x2800  }
0xf4: {  	s22 =	rddreg [dreg:$0x12]  }
0xf5: {  	s23 =	rddreg [dreg:$0x10];
	s11 =	sadd.s32 $0x1, s22  }
0xf6: {  	p0 =	sne.s32 s11, s23  }
.Ltmp1:
0xf7: {  	_ = 	snop;
	(pc) =	sbr.rel @p0 .LBB2_1-.Ltmp1, $4  }
0xf8: {  	s28 =	simm.s32 $0x14280  }
0xf9: {  	s7 =	simm.s32 $0x14300;
	s30 =	simm.s32 $0x16C00;
	s31 =	simm.s32 $0xB  }
0xfa: {  	s29 =	simm.s32 $0x14100;
	s13 =	simm.s32 $0x14380;
	[sflag:s12] =	ssyncset.done $0x0  }
0xfb: {  	s14 =	simm.s32 $0x14080;
	s15 =	simm.s32 $0x9;
	[sflag:s12] =	ssyncadd.s32 $0xFFFFD800  }
0xfc: {  	_ =	sfence.sel $0x180000  }
0xfd: {  	[bflag:$0x0] =	sbarrier.arrive $0xFFFF  }
0xfe: {  	_ =	strace $0x9000004D  }
0xff: {  	s0 =	stileid.u32;
	[bflag:$0x2] =	sbarrier.arrive $0xFFFF  }
0x100: {  	p0 =	sne.s32 s0, $0x0;
	s0 =	rddreg [dreg:$0x3]  }
0x101: {  	s0 =	sadd.s32 @!p0 $0x100000, s0  }
0x102: {  	[sflag:s0] =	ssyncadd.tile.s32 @!p0 $0x1;
	_ =	shalt  }
.Lfunc_end2:
_tile_overlayer_lowered:
.L_overlay_start_2:
0x103: {  	(tag) =	ssettag $0x2  }
0x104: {  	s0 =	rddreg [dreg:$0x0];
	s2 =	stileid.u32  }
0x105: {  	s1 =	rddreg [dreg:$0x1];
	p0 =	sne.s32 s2, $0x0  }
0x106: {  	s3 =	rddreg [dreg:$0x2];
	[bflag:$0x3] =	sbarrier.arrive $0xFFFF;
	s2 =	simm.s32 @!p0 $0x1C11  }
0x107: {  	[timem:s3], [sflag:s2] =	dma.local @!p0 [hbm:s0], s1  }
0x108: {  	s0 =	simm.s32 @!p0 $0x11  }
0x109: {  	_ =	swait.ge @!p0 [sflag:s0], s1  }
0x10a: {  	s1 =	ssub.s32 @!p0 $0x0, s1;
	[sflag:s0] =	ssyncset.done @!p0 $0x0  }
0x10b: {  	[sflag:s0] =	ssyncadd.s32 @!p0 s1  }
0x10c: {  	[bflag:$0x3] =	sbarrier.arrive $0xFFFF  }
0x10d: {  	_ =	shalt  }

// kernel: kernel.8.cloned.1.call-start
scs
__scs_entry_jumppad:
0x0: {  	(pc) =	sbr.rel $0x88, $3  }
0x1: {  	(tag) =	ssettag $0x0;
	lr =	simm.s32 $0x1  }
0x2: {  	[smem:$0x3F99] =	sst lr;
	_ =	strace $0xD0000000  }
0x3: {  	_ = 	snop  }
0x4: {  	_ = 	snop  }
0x5: {  	_ = 	snop  }
0x6: {  	_ = 	snop  }
0x7: {  	_ = 	snop  }
__scs_overlays_trampoline_lowered:
0x8: {  	[smem:$0x3FA8] =	sst s0  }
0x9: {  	[smem:$0x3FA9] =	sst s1  }
0xa: {  	[smem:$0x3FAA] =	sst s2  }
0xb: {  	[smem:$0x3FAB] =	sst s3  }
0xc: {  	[smem:$0x3FAC] =	sst s4  }
0xd: {  	[smem:$0x3FAD] =	sst s5  }
0xe: {  	[smem:$0x3FAE] =	sst s6  }
0xf: {  	[smem:$0x3FAF] =	sst s7  }
0x10: {  	[smem:$0x3FB0] =	sst s8  }
0x11: {  	[smem:$0x3FB1] =	sst s9;
	s0 =	simm.s32 @!p0 $0x0  }
0x12: {  	s1 =	sld [smem:$0x3F97];
	s0 =	simm.s32 @p0 $0x1  }
0x13: {  	[smem:$0x3FB2] =	sst s0;
	s0 =	simm.s32 @!p1 $0x0  }
0x14: {  	s2 =	sld [smem:$0x3F96];
	s0 =	simm.s32 @p1 $0x1  }
0x15: {  	[smem:$0x3FB3] =	sst s0;
	s0 =	simm.s32 @!p2 $0x0  }
0x16: {  	s3 =	sld [smem:$0x3FDB];
	s0 =	simm.s32 @p2 $0x1  }
0x17: {  	s4 =	simm.s32 $0x1BF5;
	[smem:$0x3FB5] =	sst s0  }
0x18: {  	s0 =	sld [smem:$0x3F98];
	_ =	swait.ge [sflag:s4], $0x0  }
0x19: {  	s7 =	sld [smem:$0x3F99]  }
0x1a: {  	s8 =	sadd.s32 $0xFFFFE003, lr  }
0x1b: {  	s9 =	sadd.s32 $0xFFFFFEF7, lr;
	s5 =	simm.s32 $0xFFFFFFFF;
	p2 =	slt.u32 s8, $0xFFFFF086  }
0x1c: {  	p1 =	slt.u32 s9, $0xF7A;
	s5 =	simm.s32 @!p2 $0x0  }
0x1d: {  	s5 =	simm.s32 @p1 $0x1;
	p0 =	seq.s32 s7, s2  }
0x1e: {  	s7 =	smul.u32 @!p0 $0xF7A, s2;
	p2 =	seq.s32 @!p0 s5, $0x0  }
0x1f: {  	s9 =	smul.u32 $0xF7A, s1;
	s8 =	simm.s32 @!p0 $0x1BF5;
	p2 =	por !p2, p0  }
0x20: {  	[sflag:s8] =	ssyncset.s32 @!p0 $0xFFFFF086;
	s6 =	sadd.s32 @!p0 s3, s7;
	s7 =	simm.s32 @!p0 $0x108  }
0x21: {  	s3 =	sadd.s32 s3, s9;
	s6 =	sadd.s32 @!p0 $0x88, s6;
	s7 =	simm.s32 @p2 $0x1082  }
0x22: {  	[simem:s7], [sflag:s8] =	dma.local @!p0 [hbm:s6], $0xF7A  }
0x23: {  	s9 =	sor.u32 $0xD0000000, s2;
	s6 =	simm.s32 $0x108;
	_ =	swait.ge @!p0 [sflag:s8], $0x0  }
0x24: {  	s3 =	sadd.s32 $0x88, s3;
	s6 =	simm.s32 @!p1 $0x1082;
	[sflag:s4] =	ssyncset.s32 $0xFFFFF086  }
0x25: {  	[simem:s6], [sflag:s4] =	dma.local [hbm:s3], $0xF7A  }
0x26: {  	[smem:$0x3F99] =	sst s1;
	(tag) =	ssettag s2;
	_ =	strace s9  }
0x27: {  	s1 =	sld [smem:$0x3FA9]  }
0x28: {  	s2 =	sld [smem:$0x3FAA]  }
0x29: {  	s4 =	sld [smem:$0x3FAC]  }
0x2a: {  	p0 =	seq.s32 s5, $0x0;
	s5 =	sld [smem:$0x3FAD]  }
0x2b: {  	s6 =	sld [smem:$0x3FAE]  }
0x2c: {  	s7 =	sld [smem:$0x3FAF]  }
0x2d: {  	s3 =	simm.s32 $0x108;
	s8 =	sld [smem:$0x3FB0]  }
0x2e: {  	s3 =	simm.s32 @!p0 $0x1082;
	s9 =	sld [smem:$0x3FB1]  }
0x2f: {  	lr =	sadd.s32 s0, s3;
	s0 =	sld [smem:$0x3FA8]  }
0x30: {  	s3 =	sld [smem:$0x3FAB]  }
0x31: {  	[smem:$0x3FB4] =	sst s10  }
0x32: {  	s10 =	sld [smem:$0x3FB2];
	_ =	sdelay $0x3  }
0x33: {  	p0 =	seq.s32 s10, $0x1;
	s10 =	sld [smem:$0x3FB4];
	_ =	sdelay $0x3  }
0x34: {  	[smem:$0x3FB4] =	sst s10  }
0x35: {  	s10 =	sld [smem:$0x3FB3];
	_ =	sdelay $0x3  }
0x36: {  	p1 =	seq.s32 s10, $0x1;
	s10 =	sld [smem:$0x3FB4];
	_ =	sdelay $0x3  }
0x37: {  	[smem:$0x3FB4] =	sst s10  }
0x38: {  	s10 =	sld [smem:$0x3FB5]  }
0x39: {  	_ = 	snop;
	(pc) =	sbr.ind lr, $3  }
0x3a: {  	_ = 	snop  }
0x3b: {  	_ = 	snop  }
0x3c: {  	p2 =	seq.s32 s10, $0x1;
	s10 =	sld [smem:$0x3FB4]  }
0x3d: {  	_ =	shalt  }
0x3e: {  	_ =	shalt  }
0x3f: {  	_ =	shalt  }
0x40: {  	_ =	shalt  }
0x41: {  	_ =	shalt  }
0x42: {  	_ =	shalt  }
0x43: {  	_ =	shalt  }
0x44: {  	_ =	shalt  }
0x45: {  	_ =	shalt  }
0x46: {  	_ =	shalt  }
0x47: {  	_ =	shalt  }
0x48: {  	_ =	shalt  }
0x49: {  	_ =	shalt  }
0x4a: {  	_ =	shalt  }
0x4b: {  	_ =	shalt  }
0x4c: {  	_ =	shalt  }
0x4d: {  	_ =	shalt  }
0x4e: {  	_ =	shalt  }
0x4f: {  	_ =	shalt  }
0x50: {  	_ =	shalt  }
0x51: {  	_ =	shalt  }
0x52: {  	_ =	shalt  }
0x53: {  	_ =	shalt  }
0x54: {  	_ =	shalt  }
0x55: {  	_ =	shalt  }
0x56: {  	_ =	shalt  }
0x57: {  	_ =	shalt  }
0x58: {  	_ =	shalt  }
0x59: {  	_ =	shalt  }
0x5a: {  	_ =	shalt  }
0x5b: {  	_ =	shalt  }
0x5c: {  	_ =	shalt  }
0x5d: {  	_ =	shalt  }
0x5e: {  	_ =	shalt  }
0x5f: {  	_ =	shalt  }
0x60: {  	_ =	shalt  }
0x61: {  	_ =	shalt  }
0x62: {  	_ =	shalt  }
0x63: {  	_ =	shalt  }
0x64: {  	_ =	shalt  }
0x65: {  	_ =	shalt  }
0x66: {  	_ =	shalt  }
0x67: {  	_ =	shalt  }
0x68: {  	_ =	shalt  }
0x69: {  	_ =	shalt  }
0x6a: {  	_ =	shalt  }
0x6b: {  	_ =	shalt  }
0x6c: {  	_ =	shalt  }
0x6d: {  	_ =	shalt  }
0x6e: {  	_ =	shalt  }
0x6f: {  	_ =	shalt  }
0x70: {  	_ =	shalt  }
0x71: {  	_ =	shalt  }
0x72: {  	_ =	shalt  }
0x73: {  	_ =	shalt  }
0x74: {  	_ =	shalt  }
0x75: {  	_ =	shalt  }
0x76: {  	_ =	shalt  }
0x77: {  	_ =	shalt  }
0x78: {  	_ =	shalt  }
0x79: {  	_ =	shalt  }
0x7a: {  	_ =	shalt  }
0x7b: {  	_ =	shalt  }
0x7c: {  	_ =	shalt  }
0x7d: {  	_ =	shalt  }
0x7e: {  	_ =	shalt  }
0x7f: {  	_ =	shalt  }
0x80: {  	_ =	shalt  }
0x81: {  	_ =	shalt  }
0x82: {  	_ =	shalt  }
0x83: {  	_ =	shalt  }
0x84: {  	_ =	shalt  }
0x85: {  	_ =	shalt  }
0x86: {  	_ =	shalt  }
0x87: {  	_ =	shalt  }
.Lfunc_end0:
.L_simem_size_0:
called_computation_lowered:
.L_overlay_start_0:
0x88: {  	s2 =	sld [smem:$0x3FD9]  }
0x89: {  	s3 =	sld [smem:$0x3FFE];
	_ =	sdelay $0x1  }
0x8a: {  	s1 =	srdreg.scid  }
0x8b: {  	s0 =	sand.u32 $0x1, s1  }
0x8c: {  	s16 =	sshll.u32 s0, $0xA;
	s2 =	sadd.s32 s3, s2  }
0x8d: {  	s2 =	sadd.s32 s2, s16  }
0x8e: {  	[smem:$0x3FC0] =	sst s2  }
0x8f: {  	_ = 	snop  }
0x90: {  	(tm) =	ssettm $0x1  }
0x91: {  	s17 =	sld [smem:$0x3FFB];
	_ =	sdelay $0x3  }
0x92: {  	_ =	strace s17  }
0x93: {  	s2 =	sld [smem:$0x3FFC];
	_ =	sdelay $0x3  }
0x94: {  	_ =	strace s2  }
0x95: {  	s2 =	sld [smem:$0x3FFD];
	_ =	sdelay $0x3  }
0x96: {  	_ =	strace s2  }
0x97: {  	_ =	strace $0x8FFFFFFF  }
0x98: {  	s18 =	sld [smem:$0x3FDB];
	_ =	sdelay $0x1  }
0x99: {  	s19 =	simm.s32 $_scs_section_size  }
0x9a: {  	s4 =	simm.s32 $_size__tile_overlayer_lowered;
	s5 =	simm.s32 $_tile_overlayer_lowered  }
0x9b: {  	s22 =	simm.s32 $0x1BFF;
	s21 =	sshll.u32 s5, $0x1;
	s2 =	sadd.s32 s19, s18  }
0x9c: {  	s6 =	simm.s32 $0x0;
	s20 =	sshll.u32 s4, $0x1;
	s4 =	sadd.s32 s21, s2  }
0x9d: {  	[timem:s6], [sflag:s22] =	dma.local [hbm:s4], s20  }
0x9e: {  	_ =	swait.ge [sflag:s22], s20  }
0x9f: {  	s3 =	ssub.s32 $0x0, s20;
	[sflag:s22] =	ssyncset.done $0x0  }
0xa0: {  	[sflag:s22] =	ssyncadd.s32 s3;
	_ =	sdelay $0x1  }
0xa1: {  	s23 =	simm.s32 $0x1B8B  }
0xa2: {  	_ =	swait.ge [sflag:s23], $0x1  }
0xa3: {  	[sflag:s23] =	ssyncset.done $0x0  }
0xa4: {  	s25 =	simm.s32 $0x1B8E;
	s24 =	sld [smem:$0x3FFE];
	[sflag:s23] =	ssyncadd.s32 $0xFFFFFFFF  }
0xa5: {  	s26 =	simm.s32 $execute0_lowered;
	[smem:$0x3FD2] =	sst s25  }
0xa6: {  	s4 =	sshll.u32 s26, $0x1;
	_ =	strace $0x80000046;
	[dreg:$0x1] =	wrdreg $0xFFFFFFFF  }
0xa7: {  	s28 =	simm.s32 $_size_execute0_lowered;
	s2 =	sadd.s32 s2, s4;
	[dreg:$0x0] =	wrdreg $0x0  }
0xa8: {  	s4 =	sshll.u32 s28, $0x1;
	[dreg:$0x2] =	wrdreg s2  }
0xa9: {  	[dreg:$0x3] =	wrdreg s4  }
0xaa: {  	[dreg:$0x4] =	wrdreg $0xC0  }
0xab: {  	_ =	task [dreg:s6], $0x5FFFF  }
0xac: {  	[dreg:$0x1] =	wrdreg $0xFFFFFFFF  }
0xad: {  	[dreg:$0x0] =	wrdreg $0x60  }
0xae: {  	[dreg:$0x2] =	wrdreg s24  }
0xaf: {  	[dreg:$0x3] =	wrdreg $0x68000  }
0xb0: {  	[dreg:$0x4] =	wrdreg $0x9  }
0xb1: {  	_ =	task.clear_ibuf [dreg:s6], $0x5FFFF;
	_ =	strace $0x90000046  }
0xb2: {  	s29 =	simm.s32 $0x9;
	_ =	strace $0x80000048  }
0xb3: {  	_ =	swait.ge [sflag:s29], $0x1  }
0xb4: {  	[sflag:s29] =	ssyncadd.s32 $0xFFFFFFFF  }
0xb5: {  	_ =	strace $0x90000048  }
0xb6: {  	_ =	sfence  }
0xb7: {  	s30 =	sld [smem:$0x0];
	_ =	sdelay $0x2  }
0xb8: {  	s31 =	sshll.u32 s1, $0xD;
	s1 =	sshrl.u32 s1, $0x2  }
0xb9: {  	s3 =	sand.u32 $0x4000, s31;
	s1 =	sadd.s32 s1, s30  }
0xba: {  	s0 =	sor.u32 s3, s0;
	s1 =	sshll.u32 s1, $0x11  }
0xbb: {  	s0 =	sor.u32 s1, s0  }
0xbc: {  	s0 =	sadd.s32 $0x8F2B, s0  }
0xbd: {  	[sflag:s0] =	ssyncadd.remote.s32 $0x1  }
0xbe: {  	_ =	sfence.sel $0xFFFF  }
0xbf: {  	[dreg:$0x0] =	wrdreg $0xFFFFFFFF;
	(pc) =	sbr.abs _section_cstart, $3  }
0xc0: {  	[dreg:$0x1] =	wrdreg $0xFFFFFFFF  }
0xc1: {  	_ =	task.clear_ibuf [dreg:s6], $0x2FFFF;
	_ =	strace $0x9FFFFFFF  }
0xc2: {  	(tm) =	ssettm $0x7FFFFFFF  }
0xc3: {  	_ =	shalt  }
tec
execute0_lowered:
.L_overlay_start_1:
0x0: {  	(tag) =	ssettag $0x1  }
0x1: {  	s6 =	rddreg [dreg:$0x0]  }
0x2: {  	s1 =	rddreg [dreg:$0x1]  }
0x3: {  	s2 =	srdreg.scid;
	s0 =	rddreg [dreg:$0x2];
	s3 =	simm.s32 $0x0  }
0x4: {  	s13 =	simm.s32 $0x50;
	s14 =	simm.s32 $0x1;
	s15 =	simm.s32 $0x2  }
0x5: {  	s16 =	simm.s32 $0x3;
	s17 =	simm.s32 $0x4;
	s18 =	simm.s32 $0x5  }
0x6: {  	s19 =	simm.s32 $0x0;
	s7 =	sand.u32 $0x1, s2;
	s2 =	stileid.u32  }
0x7: {  	[smem:$0x7FF] =	sst s3;
	s5 =	sadd.s32 $0x1C200, s6;
	s8 =	smul.u32 $0x140000, s7  }
0x8: {  	s4 =	sshll.u32 s7, $0xB;
	s9 =	smul.u32 $0x14000, s2;
	_ =	strace $0x80000047  }
0x9: {  	s7 =	ssub.s32 $0x2, s7;
	s11 =	smul.u32 $0x50000, s2;
	s29 =	sshll.u32 s2, $0xC  }
0xa: {  	s31 =	sshll.u32 s2, $0x6;
	s10 =	sadd.s32 s4, s6;
	s28 =	sshrl.u32 s7, $0x1  }
0xb: {  	s4 =	sadd.s32 $0x1EA00, s6;
	s8 =	sadd.s32 s9, s8;
	s9 =	ssub.s32 s7, s28  }
0xc: {  	s30 =	sshrl.u32 s11, $0x2;
	s10 =	sadd.s32 s29, s10;
	s11 =	simm.s32 $0x6  }
0xd: {  	s8 =	sshrl.u32 s8, $0x3;
	s12 =	sadd.s32 s30, s1;
	s7 =	sadd.s32 $0xC200, s10  }
0xe: {  	s9 =	smax.u32 s9, $0x1;
	s8 =	sadd.s32 s8, s6;
	s6 =	sor.u32 $0x1C06, s31  }
0xf: {  	s10 =	sshrl.u32 s12, $0x3;
	s12 =	simm.s32 $0x4000;
	s8 =	sadd.s32 $0x1F000, s8  }
.LBB2_1:
0x10: {  	[spmem:s10], [sflag:s6] =	dma.local [hbm:s5], $0x2800  }
0x11: {  	_ =	swait.ge [sflag:s11], $0x2800  }
0x12: {  	[sflag:s11] =	ssyncset.done $0x0  }
0x13: {  	[sflag:s11] =	ssyncadd.s32 $0xFFFFD800  }
0x14: {  	[tilespmem:s12], [sflag:$0x6] =	stream.linear.gather [hbm4b:s4+s3], $0x2800, $0x38;
	[tilespmem:$0x1A800] =	vst v63  }
0x15: {  	_ =	swait.ge [sflag:s11], $0x2800  }
0x16: {  	[sflag:s11] =	ssyncset.done $0x0  }
0x17: {  	[sflag:s11] =	ssyncadd.s32 $0xFFFFD800  }
0x18: {  	[tilespmem:s3], [sflag:$0x6] =	stream.linear.gather [hbm4b:s7+s3], $0x3E80, $0x38;
	[tilespmem:$0x1A800] =	vst v63  }
0x19: {  	_ =	swait.ge [sflag:s11], $0x3E80  }
0x1a: {  	[sflag:s11] =	ssyncset.done $0x0  }
0x1b: {  	[sflag:s11] =	ssyncadd.s32 $0xFFFFC180  }
0x1c: {  	s20 =	simm.s32 $0x0;
	[bflag:$0x0] =	sbarrier.arrive $0xFFFF  }
0x1d: {  	[spmem:s1] =	stream.indirect.scatter.add.f32 [tilespmem:s12], [sflag:$0x1], $0x80, s20, s13, $0xb8;
	[tilespmem:$0x1A800] =	vst v63  }
0x1e: {  	s28 =	simm.s32 $0x80  }
0x1f: {  	[spmem:s1] =	stream.indirect.scatter.add.f32 [tilespmem:s12], [sflag:$0x2], $0x80, s28, s13, $0xb8;
	[tilespmem:$0x1A800] =	vst v63  }
0x20: {  	s29 =	simm.s32 $0x100  }
0x21: {  	[spmem:s1] =	stream.indirect.scatter.add.f32 [tilespmem:s12], [sflag:$0x3], $0x80, s29, s13, $0xb8;
	[tilespmem:$0x1A800] =	vst v63  }
0x22: {  	s30 =	simm.s32 $0x180  }
0x23: {  	[spmem:s1] =	stream.indirect.scatter.add.f32 [tilespmem:s12], [sflag:$0x4], $0x80, s30, s13, $0xb8;
	[tilespmem:$0x1A800] =	vst v63  }
0x24: {  	s31 =	simm.s32 $0x200  }
0x25: {  	[spmem:s1] =	stream.indirect.scatter.add.f32 [tilespmem:s12], [sflag:$0x5], $0x80, s31, s13, $0xb8;
	[tilespmem:$0x1A800] =	vst v63  }
0x26: {  	_ =	swait.ge [sflag:s14], $0x2800  }
0x27: {  	[sflag:s14] =	ssyncset.done $0x0  }
0x28: {  	[sflag:s14] =	ssyncadd.s32 $0xFFFFD800  }
0x29: {  	_ =	swait.ge [sflag:s15], $0x2800  }
0x2a: {  	[sflag:s15] =	ssyncset.done $0x0  }
0x2b: {  	[sflag:s15] =	ssyncadd.s32 $0xFFFFD800  }
0x2c: {  	_ =	swait.ge [sflag:s16], $0x2800  }
0x2d: {  	[sflag:s16] =	ssyncset.done $0x0  }
0x2e: {  	[sflag:s16] =	ssyncadd.s32 $0xFFFFD800  }
0x2f: {  	_ =	swait.ge [sflag:s17], $0x2800  }
0x30: {  	[sflag:s17] =	ssyncset.done $0x0  }
0x31: {  	[sflag:s17] =	ssyncadd.s32 $0xFFFFD800  }
0x32: {  	_ =	swait.ge [sflag:s18], $0x2800  }
0x33: {  	s21 =	simm.s32 $0x1400;
	s20 =	simm.s32 $0xA00;
	[sflag:s18] =	ssyncset.done $0x0  }
.LBB2_2:
0x34: {  	s22 =	sshra.s32 s20, $0x2  }
0x35: {  	[sflag:s18] =	ssyncadd.s32 $0xFFFFD800;
	s20 =	smov.u32 s21;
	s23 =	sadd.s32 $0xA00, s21  }
0x36: {  	[spmem:s1] =	stream.indirect.scatter.add.f32 [tilespmem:s12], [sflag:$0x1], $0x80, s22, s13, $0xb8;
	[tilespmem:$0x1A800] =	vst v63  }
0x37: {  	p0 =	sne.s32 s21, $0xF000;
	s21 =	sadd.s32 $0x80, s22  }
0x38: {  	[spmem:s1] =	stream.indirect.scatter.add.f32 [tilespmem:s12], [sflag:$0x2], $0x80, s21, s13, $0xb8;
	[tilespmem:$0x1A800] =	vst v63  }
0x39: {  	s21 =	sadd.s32 $0x100, s22  }
0x3a: {  	[spmem:s1] =	stream.indirect.scatter.add.f32 [tilespmem:s12], [sflag:$0x3], $0x80, s21, s13, $0xb8;
	[tilespmem:$0x1A800] =	vst v63  }
0x3b: {  	s21 =	sadd.s32 $0x180, s22  }
0x3c: {  	[spmem:s1] =	stream.indirect.scatter.add.f32 [tilespmem:s12], [sflag:$0x4], $0x80, s21, s13, $0xb8;
	[tilespmem:$0x1A800] =	vst v63  }
0x3d: {  	s21 =	sadd.s32 $0x200, s22  }
0x3e: {  	[spmem:s1] =	stream.indirect.scatter.add.f32 [tilespmem:s12], [sflag:$0x5], $0x80, s21, s13, $0xb8;
	[tilespmem:$0x1A800] =	vst v63  }
0x3f: {  	_ =	swait.ge [sflag:s14], $0x2800  }
0x40: {  	[sflag:s14] =	ssyncset.done $0x0  }
0x41: {  	[sflag:s14] =	ssyncadd.s32 $0xFFFFD800  }
0x42: {  	_ =	swait.ge [sflag:s15], $0x2800  }
0x43: {  	[sflag:s15] =	ssyncset.done $0x0  }
0x44: {  	[sflag:s15] =	ssyncadd.s32 $0xFFFFD800  }
0x45: {  	_ =	swait.ge [sflag:s16], $0x2800  }
0x46: {  	[sflag:s16] =	ssyncset.done $0x0  }
0x47: {  	[sflag:s16] =	ssyncadd.s32 $0xFFFFD800  }
.Ltmp0:
0x48: {  	_ =	swait.ge [sflag:s17], $0x2800;
	(pc) =	sbr.rel @p0 .LBB2_2-.Ltmp0, $4  }
0x49: {  	[sflag:s17] =	ssyncset.done $0x0  }
0x4a: {  	[sflag:s17] =	ssyncadd.s32 $0xFFFFD800  }
0x4b: {  	_ =	swait.ge [sflag:s18], $0x2800  }
0x4c: {  	s21 =	smov.u32 s23;
	[sflag:s18] =	ssyncset.done $0x0  }
0x4d: {  	s20 =	sshra.s32 s20, $0x2;
	[sflag:s18] =	ssyncadd.s32 $0xFFFFD800  }
0x4e: {  	[spmem:s1] =	stream.indirect.scatter.add.f32 [tilespmem:s12], [sflag:$0x1], $0x80, s20, s13, $0xb8;
	[tilespmem:$0x1A800] =	vst v63  }
0x4f: {  	s21 =	sadd.s32 $0x80, s20  }
0x50: {  	[spmem:s1] =	stream.indirect.scatter.add.f32 [tilespmem:s12], [sflag:$0x2], $0x80, s21, s13, $0xb8;
	[tilespmem:$0x1A800] =	vst v63  }
0x51: {  	s30 =	sadd.s32 $0x100, s20  }
0x52: {  	[spmem:s1] =	stream.indirect.scatter.add.f32 [tilespmem:s12], [sflag:$0x3], $0x80, s30, s13, $0xb8;
	[tilespmem:$0x1A800] =	vst v63  }
0x53: {  	s31 =	sadd.s32 $0x180, s20  }
0x54: {  	[spmem:s1] =	stream.indirect.scatter.add.f32 [tilespmem:s12], [sflag:$0x4], $0x80, s31, s13, $0xb8;
	[tilespmem:$0x1A800] =	vst v63  }
0x55: {  	s20 =	sadd.s32 $0x200, s20  }
0x56: {  	[spmem:s1] =	stream.indirect.scatter.add.f32 [tilespmem:s12], [sflag:$0x5], $0x80, s20, s13, $0xb8;
	[tilespmem:$0x1A800] =	vst v63  }
0x57: {  	_ =	swait.ge [sflag:s14], $0x2800  }
0x58: {  	[sflag:s14] =	ssyncset.done $0x0  }
0x59: {  	[sflag:s14] =	ssyncadd.s32 $0xFFFFD800  }
0x5a: {  	_ =	swait.ge [sflag:s15], $0x2800  }
0x5b: {  	[sflag:s15] =	ssyncset.done $0x0  }
0x5c: {  	[sflag:s15] =	ssyncadd.s32 $0xFFFFD800  }
0x5d: {  	_ =	swait.ge [sflag:s16], $0x2800  }
0x5e: {  	[sflag:s16] =	ssyncset.done $0x0  }
0x5f: {  	[sflag:s16] =	ssyncadd.s32 $0xFFFFD800  }
0x60: {  	_ =	swait.ge [sflag:s17], $0x2800  }
0x61: {  	[sflag:s17] =	ssyncset.done $0x0  }
0x62: {  	[sflag:s17] =	ssyncadd.s32 $0xFFFFD800  }
0x63: {  	_ =	swait.ge [sflag:s18], $0x2800  }
0x64: {  	s19 =	sadd.s32 $0x1, s19;
	[sflag:s18] =	ssyncset.done $0x0  }
0x65: {  	p0 =	sne.s32 s19, s9;
	[sflag:s18] =	ssyncadd.s32 $0xFFFFD800  }
.Ltmp1:
0x66: {  	[bflag:$0x0] =	sbarrier.arrive $0xFFFF;
	(pc) =	sbr.rel @p0 .LBB2_1-.Ltmp1, $4  }
0x67: {  	[hbm:s8], [sflag:s6] =	dma.local [spmem:s10], $0x2800  }
0x68: {  	_ =	swait.ge [sflag:s11], $0x2800  }
0x69: {  	[sflag:s11] =	ssyncset.done $0x0  }
0x6a: {  	[sflag:s11] =	ssyncadd.s32 $0xFFFFD800  }
0x6b: {  	_ =	sfence.sel $0x180000  }
0x6c: {  	[bflag:$0x0] =	sbarrier.arrive $0xFFFF  }
0x6d: {  	p0 =	sne.s32 s2, $0x0;
	_ =	strace $0x90000047  }
0x6e: {  	s0 =	sadd.s32 @!p0 $0x100000, s0;
	[bflag:$0x2] =	sbarrier.arrive $0xFFFF  }
0x6f: {  	[sflag:s0] =	ssyncadd.tile.s32 @!p0 $0x1;
	_ =	shalt  }
.Lfunc_end2:
_tile_overlayer_lowered:
.L_overlay_start_2:
0x70: {  	(tag) =	ssettag $0x2  }
0x71: {  	s0 =	rddreg [dreg:$0x0];
	s2 =	stileid.u32  }
0x72: {  	s1 =	rddreg [dreg:$0x1];
	p0 =	sne.s32 s2, $0x0  }
0x73: {  	s3 =	rddreg [dreg:$0x2];
	[bflag:$0x3] =	sbarrier.arrive $0xFFFF;
	s2 =	simm.s32 @!p0 $0x1C06  }
0x74: {  	[timem:s3], [sflag:s2] =	dma.local @!p0 [hbm:s0], s1  }
0x75: {  	s0 =	simm.s32 @!p0 $0x6  }
0x76: {  	_ =	swait.ge @!p0 [sflag:s0], s1  }
0x77: {  	s1 =	ssub.s32 @!p0 $0x0, s1;
	[sflag:s0] =	ssyncset.done @!p0 $0x0  }
0x78: {  	[sflag:s0] =	ssyncadd.s32 @!p0 s1  }
0x79: {  	[bflag:$0x3] =	sbarrier.arrive $0xFFFF  }
0x7a: {  	_ =	shalt  }

</sc_bundles>
